<compile_context>
chip_gen: v7x
topology: tpu7x:2x2x1
jax: 0.10.2.dev20260603
libtpu: 0.0.44.dev20260713+nightly
codegen_flags: <defaults>
</compile_context>

<pallas_src>
import functools

import jax
import jax.numpy as jnp
from jax import lax
from jax.experimental import pallas as pl
from jax.experimental.pallas import tpu as pltpu
from jax.experimental.pallas import tpu_sc as plsc

N = 10000
E = 160000
H = 512
D_IN = 255
NC, NS = 2, 16
NW = NC * NS
GCH = 80
SCH = 80
SPT = 125
CG = 128
NG = H // CG
NPT = 624
BN = 1000
BE = 1600


def _ln(h, g, b):
    mu = jnp.mean(h, axis=-1, keepdims=True)
    var = jnp.mean((h - mu) ** 2, axis=-1, keepdims=True)
    return (h - mu) * lax.rsqrt(var + 1e-5) * g + b


def _node_body(x_ref, w1a_ref, embed_ref, w1bT_ref, b1_ref, p_ref):
    xb = x_ref[...]
    q = jnp.dot(embed_ref[...], w1bT_ref[...],
                preferred_element_type=jnp.float32)
    et = xb[:, 255].astype(jnp.int32).reshape(BN, 1)
    onehot = (et == lax.broadcasted_iota(jnp.int32, (1, 8), 1)).astype(jnp.float32)
    p = jnp.dot(xb, w1a_ref[...], preferred_element_type=jnp.float32)
    p = p + jnp.dot(onehot, q, preferred_element_type=jnp.float32)
    p_ref[...] = (p + b1_ref[0:1, :]).astype(jnp.bfloat16)


def _stats(r):
    mu = jnp.mean(r, axis=-1, keepdims=True)
    m2 = jnp.mean(r * r, axis=-1, keepdims=True)
    inv = lax.rsqrt(m2 - mu * mu + 1e-5)
    return mu, inv


def _mlp_body(g_ref, attr_ref, w1cT_ref, w2T_ref, w3T_ref, vecs_ref, h3_ref):
    gw = g_ref[...]
    glo = pltpu.unpack_elementwise(gw, index=0, packed_dtype=jnp.bfloat16,
                                   unpacked_dtype=jnp.float32)
    ghi = pltpu.unpack_elementwise(gw, index=1, packed_dtype=jnp.bfloat16,
                                   unpacked_dtype=jnp.float32)
    gfull = jnp.concatenate([glo, ghi], axis=-1)
    pre1 = gfull + jnp.dot(attr_ref[...], w1cT_ref[...],
                           preferred_element_type=jnp.float32)
    r = jax.nn.relu(pre1)
    mu, inv = _stats(r)
    t = jnp.dot(r.astype(jnp.bfloat16), w2T_ref[...],
                preferred_element_type=jnp.float32)
    pre2 = t * inv - (mu * inv) * vecs_ref[1:2, :] + vecs_ref[0:1, :]
    r = jax.nn.relu(pre2)
    mu, inv = _stats(r)
    t = jnp.dot(r.astype(jnp.bfloat16), w3T_ref[...],
                preferred_element_type=jnp.float32)
    pre3 = t * inv - (mu * inv) * vecs_ref[3:4, :] + vecs_ref[2:3, :]
    r = jax.nn.relu(pre3)
    mu, inv = _stats(r)
    h3_ref[...] = (r - mu) * (inv * vecs_ref[4:5, :]) + vecs_ref[5:6, :]


_sc_mesh = plsc.VectorSubcoreMesh(core_axis_name="c", subcore_axis_name="s")


def _make_gather(n_edges, per_w, rem, steps):
    @functools.partial(
        pl.kernel,
        out_type=jax.ShapeDtypeStruct((n_edges, H // 2), jnp.int32),
        mesh=_sc_mesh,
        scratch_types=[
            pltpu.VMEM((GCH,), jnp.int32),
            pltpu.VMEM((GCH,), jnp.int32),
            pltpu.VMEM((GCH, H // 2), jnp.int32),
            pltpu.VMEM((GCH, H // 2), jnp.int32),
            pltpu.SemaphoreType.DMA,
            pltpu.SemaphoreType.DMA,
        ],
    )
    def _gather(p_hbm, src_hbm, g_hbm, idx0, idx1, buf0, buf1, gs0, gs1):
        c = lax.axis_index("c")
        s = lax.axis_index("s")
        wid = c * NS + s
        start = wid * per_w + jnp.minimum(wid, rem)
        nm1 = per_w - 1 + (wid < rem).astype(jnp.int32)
        idxb = (idx0, idx1)
        bufb = (buf0, buf1)
        gsem = (gs0, gs1)

        def gbase(j):
            return (start + jnp.minimum(j, nm1)) * GCH

        def load_idx(j, b):
            pltpu.sync_copy(src_hbm.at[pl.ds(gbase(j), GCH)], idxb[b])

        def fire(b):
            pltpu.async_copy(p_hbm.at[idxb[b]], bufb[b], gsem[b])

        def drain_store(j, b):
            pltpu.make_async_copy(p_hbm.at[idxb[b]], bufb[b], gsem[b]).wait()
            pltpu.sync_copy(bufb[b], g_hbm.at[pl.ds(gbase(j), GCH)])

        load_idx(0, 0)
        fire(0)
        load_idx(1, 1)

        def body(jj, carry):
            fire(1)
            drain_store(2 * jj, 0)
            load_idx(2 * jj + 2, 0)
            fire(0)
            drain_store(2 * jj + 1, 1)
            load_idx(2 * jj + 3, 1)
            return carry

        lax.fori_loop(0, (steps - 1) // 2, body, 0)
        drain_store(steps - 1, 0)

    return _gather


EH = E // 2
_gather_half = _make_gather(EH, 31, 8, 33)


@functools.partial(
    pl.kernel,
    out_type=jax.ShapeDtypeStruct((N, H), jnp.float32),
    mesh=_sc_mesh,
    scratch_types=[
        pltpu.VMEM((SCH,), jnp.int32),
        pltpu.VMEM((SCH,), jnp.int32),
        pltpu.VMEM((SCH, CG), jnp.float32),
        pltpu.VMEM((SCH, CG), jnp.float32),
        pltpu.VMEM_SHARED((N, CG), jnp.float32),
        pltpu.SemaphoreType.DMA,
        pltpu.SemaphoreType.DMA,
        pltpu.SemaphoreType.DMA,
        pltpu.SemaphoreType.DMA,
    ],
)
def _scatter(h3a_hbm, h3b_hbm, dst_hbm, zeros_hbm, out_hbm,
             idx0, idx1, dat0, dat1, acc_sh, is0, is1, ds0, ds1):
    c = lax.axis_index("c")
    s = lax.axis_index("s")
    last = NS * NPT
    idxb = (idx0, idx1)
    datb = (dat0, dat1)
    isem = (is0, is1)
    dsem = (ds0, ds1)

    for gi in range(2):
        col0 = (c * 2 + gi) * CG

        def run_tile(h3_hbm, lbase, gbase):
            def issue(j, b):
                o = j * SCH
                pltpu.async_copy(dst_hbm.at[pl.ds(gbase + o, SCH)],
                                 idxb[b], isem[b])
                pltpu.async_copy(h3_hbm.at[pl.ds(lbase + o, SCH), pl.ds(col0, CG)],
                                 datb[b], dsem[b])

            def drain_scatter(b):
                pltpu.make_async_copy(dst_hbm.at[pl.ds(0, SCH)], idxb[b], isem[b]).wait()
                pltpu.make_async_copy(h3_hbm.at[pl.ds(0, SCH), pl.ds(0, CG)],
                                      datb[b], dsem[b]).wait()
                pltpu.sync_copy(datb[b], acc_sh.at[idxb[b]], add=True)

            issue(0, 0)

            def body(jj, carry):
                issue(2 * jj + 1, 1)
                drain_scatter(0)
                issue(2 * jj + 2, 0)
                drain_scatter(1)
                return carry

            lax.fori_loop(0, (SPT - 1) // 2, body, 0)
            drain_scatter(0)

        pltpu.sync_copy(zeros_hbm.at[pl.ds(s * NPT, NPT)],
                        acc_sh.at[pl.ds(s * NPT, NPT)])

        @pl.when(s == NS - 1)
        def _():
            pltpu.sync_copy(zeros_hbm.at[pl.ds(last, N - last)],
                            acc_sh.at[pl.ds(last, N - last)])

        plsc.subcore_barrier()

        @pl.when(s < NS // 2)
        def _():
            run_tile(h3a_hbm, s * SPT * SCH, s * SPT * SCH)

        @pl.when(s >= NS // 2)
        def _():
            run_tile(h3b_hbm, (s - NS // 2) * SPT * SCH, s * SPT * SCH)

        plsc.subcore_barrier()
        pltpu.sync_copy(acc_sh.at[pl.ds(s * NPT, NPT)],
                        out_hbm.at[pl.ds(s * NPT, NPT), pl.ds(col0, CG)])

        @pl.when(s == NS - 1)
        def _():
            pltpu.sync_copy(acc_sh.at[pl.ds(last, N - last)],
                            out_hbm.at[pl.ds(last, N - last), pl.ds(col0, CG)])

        plsc.subcore_barrier()


def kernel(x, edge_index, edge_attr, embed,
           W1, b1, g1, be1, W2, b2, g2, be2, W3, b3, g3, be3):
    src = edge_index[0]
    dst = edge_index[1]

    w1aT = jnp.pad(W1[:, :D_IN].T, ((0, 1), (0, 0)))
    w1bT = W1[:, D_IN:D_IN + 32].T
    w1cT = W1[:, D_IN + 32:].T
    b1b = jnp.broadcast_to(b1, (8, H))
    w2Tp = (g1[:, None] * W2.T).astype(jnp.bfloat16)
    w3Tp = (g2[:, None] * W3.T).astype(jnp.bfloat16)
    c2 = jnp.sum(w2Tp.astype(jnp.float32), axis=0)
    c3 = jnp.sum(w3Tp.astype(jnp.float32), axis=0)
    b2p = be1 @ W2.T + b2
    b3p = be2 @ W3.T + b3
    vecs = jnp.stack([b2p, c2, b3p, c3, g3, be3, b2, b3])

    p = pl.pallas_call(
        _node_body,
        grid=(N // BN,),
        in_specs=[
            pl.BlockSpec((BN, 256), lambda i: (i, 0)),
            pl.BlockSpec((256, H), lambda i: (0, 0)),
            pl.BlockSpec((8, 32), lambda i: (0, 0)),
            pl.BlockSpec((32, H), lambda i: (0, 0)),
            pl.BlockSpec((8, H), lambda i: (0, 0)),
        ],
        out_specs=pl.BlockSpec((BN, H), lambda i: (i, 0)),
        out_shape=jax.ShapeDtypeStruct((N, H), jnp.bfloat16),
    )(x, w1aT, embed, w1bT, b1b)
    p = lax.bitcast_convert_type(
        jnp.stack([p[:, :H // 2], p[:, H // 2:]], axis=-1), jnp.int32)

    def mlp(g2d, attr):
        return pl.pallas_call(
            _mlp_body,
            grid=(EH // BE,),
            in_specs=[
                pl.BlockSpec((BE, H // 2), lambda i: (i, 0)),
                pl.BlockSpec((BE, 16), lambda i: (i, 0)),
                pl.BlockSpec((16, H), lambda i: (0, 0)),
                pl.BlockSpec((H, H), lambda i: (0, 0)),
                pl.BlockSpec((H, H), lambda i: (0, 0)),
                pl.BlockSpec((8, H), lambda i: (0, 0)),
            ],
            out_specs=pl.BlockSpec((BE, H), lambda i: (i, 0)),
            out_shape=jax.ShapeDtypeStruct((EH, H), jnp.float32),
        )(g2d, attr, w1cT, w2Tp, w3Tp, vecs)

    ga = _gather_half(p, src[:EH])
    gb = _gather_half(p, src[EH:])
    h3a = mlp(ga, edge_attr[:EH])
    h3b = mlp(gb, edge_attr[EH:])

    zeros = jnp.zeros((N, CG), jnp.float32)
    out = _scatter(h3a, h3b, dst, zeros)
    return out

# --- scband reference (transcript-rebuilt; emitter-appended) ---
"""Pipeline reference for scband-gr-critic-75995151335895 (READ-ONLY COPY).

The authoritative reference and input builder live on the scoring server;
editing this copy changes nothing except your own understanding.
"""

import jax, jax.numpy as jnp
import numpy as np

N = 10000
E = 160000
D_IN = 255
EMB = 32
EDGE = 16
H = 512
NUM_EMB = 8


def layer_norm(h, g, b, eps=1e-5):
    mu = jnp.mean(h, axis=-1, keepdims=True)
    var = jnp.mean((h - mu) ** 2, axis=-1, keepdims=True)
    return (h - mu) / jnp.sqrt(var + eps) * g + b


def setup_inputs(seed: int = 0) -> dict:
    key = jax.random.key(seed)
    ks = jax.random.split(key, 16)
    # x = [node_features (255), entity_type (last column)]; fill=rand so the
    # last column casts to entity id 0, always in-range for the embedding.
    x = jax.random.uniform(ks[0], (N, D_IN + 1), dtype=jnp.float32)
    edge_index = jax.random.randint(ks[1], (2, E), 0, N, dtype=jnp.int32)
    edge_attr = jax.random.normal(ks[2], (E, EDGE), dtype=jnp.float32)
    embed = jax.random.normal(ks[3], (NUM_EMB, EMB), dtype=jnp.float32) * 0.1
    fan_in1 = D_IN + EMB + EDGE
    W1 = jax.random.normal(ks[4], (H, fan_in1), dtype=jnp.float32) * (1.0 / np.sqrt(fan_in1))
    b1 = jnp.zeros((H,), dtype=jnp.float32)
    g1 = jnp.ones((H,), dtype=jnp.float32)
    be1 = jnp.zeros((H,), dtype=jnp.float32)
    W2 = jax.random.normal(ks[5], (H, H), dtype=jnp.float32) * (1.0 / np.sqrt(H))
    b2 = jnp.zeros((H,), dtype=jnp.float32)
    g2 = jnp.ones((H,), dtype=jnp.float32)
    be2 = jnp.zeros((H,), dtype=jnp.float32)
    W3 = jax.random.normal(ks[6], (H, H), dtype=jnp.float32) * (1.0 / np.sqrt(H))
    b3 = jnp.zeros((H,), dtype=jnp.float32)
    g3 = jnp.ones((H,), dtype=jnp.float32)
    be3 = jnp.zeros((H,), dtype=jnp.float32)
    return {
        "x": x, "edge_index": edge_index, "edge_attr": edge_attr, "embed": embed,
        "W1": W1, "b1": b1, "g1": g1, "be1": be1,
        "W2": W2, "b2": b2, "g2": g2, "be2": be2,
        "W3": W3, "b3": b3, "g3": g3, "be3": be3,
    }


def reference(x, edge_index, edge_attr, embed,
              W1, b1, g1, be1, W2, b2, g2, be2, W3, b3, g3, be3):
    # EmbedConv (PyG MessagePassing, aggr='add'):
    # message = MLP([x_j_feat, Embedding(entity_type_j), edge_attr]) per edge,
    # then scatter-add over destination nodes.
    src = edge_index[0]
    dst = edge_index[1]
    x_j = jnp.take(x, src, axis=0)
    node_feat_j = x_j[:, :-1]
    entity_type_j = x_j[:, -1].astype(jnp.int32)
    entity_embed_j = jnp.take(embed, entity_type_j, axis=0)
    node_feat = jnp.concatenate([node_feat_j, entity_embed_j, edge_attr], axis=1)
    h = layer_norm(jax.nn.relu(node_feat @ W1.T + b1), g1, be1)  # lin1
    h = layer_norm(jax.nn.relu(h @ W2.T + b2), g2, be2)          # lin2[0]
    h = layer_norm(jax.nn.relu(h @ W3.T + b3), g3, be3)          # lin2[1]
    out = jax.ops.segment_sum(h, dst, num_segments=N)
    return out

if __name__ == "__main__":
    import jax
    _d = setup_inputs()
    print(jax.jit(kernel)(*tuple(_d.values())))

</pallas_src>

<mosaic_0001>
#map = affine_map<(d0, d1) -> (0, 0)>
#map1 = affine_map<(d0, d1) -> (0)>
module attributes {stable_mosaic.version = 14 : i64} {
  func.func @_gather(%arg0: i32, %arg1: i32, %arg2: memref<10000x256xi32, #tpu.memory_space<hbm>>, %arg3: memref<80000xi32, #tpu.memory_space<hbm>>, %arg4: memref<80000x256xi32, #tpu.memory_space<hbm>>, %arg5: memref<80xi32, #tpu.memory_space<vmem>>, %arg6: memref<80xi32, #tpu.memory_space<vmem>>, %arg7: memref<80x256xi32, #tpu.memory_space<vmem>>, %arg8: memref<80x256xi32, #tpu.memory_space<vmem>>, %arg9: memref<!tpu.dma_semaphore, #tpu.memory_space<semaphore_mem>>, %arg10: memref<!tpu.dma_semaphore, #tpu.memory_space<semaphore_mem>>) attributes {dimension_semantics = [#tpu.dimension_semantics<core_parallel>, #tpu.dimension_semantics<subcore_parallel>], iteration_bounds = array<i64: 2, 16>, scalar_prefetch = 0 : i64, scratch_operands = 6 : i64, tpu.core_type = #tpu.core_type<sc_vector_subcore>, window_params = [{transform_indices = #map}, {transform_indices = #map1}, {transform_indices = #map}]} {
    %mul3A = arith.constant 16 : i32
    %mul3A_0 = arith.muli %arg0, %mul3A : i32
    %add3A = arith.addi %mul3A_0, %arg1 : i32
    %mul3A_1 = arith.constant 31 : i32
    %mul3A_2 = arith.muli %add3A, %mul3A_1 : i32
    %min3A = arith.constant 8 : i32
    %min3A_3 = arith.minsi %add3A, %min3A : i32
    %add3A_4 = arith.addi %mul3A_2, %min3A_3 : i32
    %lt3A = arith.constant 8 : i32
    %lt3A_5 = arith.cmpi slt, %add3A, %lt3A : i32
    %convert_element_type3A = arith.extui %lt3A_5 : i1 to i32
    %add3A_6 = arith.constant 30 : i32
    %add3A_7 = arith.addi %add3A_6, %convert_element_type3A : i32
    %min3A_8 = arith.constant 0 : i32
    %min3A_9 = arith.minsi %min3A_8, %add3A_7 : i32
    %add3A_10 = arith.addi %add3A_4, %min3A_9 : i32
    %mul3A_11 = arith.constant 80 : i32
    %mul3A_12 = arith.muli %add3A_10, %mul3A_11 : i32
    "tpu.region"() ({
      %run_scoped3A = tpu.sem_alloc : memref<!tpu.dma_semaphore, #tpu.memory_space<semaphore_mem>>
      %dma_start3A_32 = tpu.memref_slice %arg3[%mul3A_12] : memref<80000xi32, #tpu.memory_space<hbm>> -> memref<80xi32, #tpu.memory_space<hbm>>
      %dma_start3A_33 = tpu.memref_slice %arg3[%mul3A_12] : memref<80000xi32, #tpu.memory_space<hbm>> -> memref<80xi32, #tpu.memory_space<hbm>>
      tpu.enqueue_dma source(%dma_start3A_33 : memref<80xi32, #tpu.memory_space<hbm>>) target(%arg5 : memref<80xi32, #tpu.memory_space<vmem>>) target_semaphore(%run_scoped3A : memref<!tpu.dma_semaphore, #tpu.memory_space<semaphore_mem>>)
      %dma_wait3A_34 = tpu.memref_slice %arg3[%mul3A_12] : memref<80000xi32, #tpu.memory_space<hbm>> -> memref<80xi32, #tpu.memory_space<hbm>>
      %dma_wait3A_35 = tpu.memref_slice %arg3[%mul3A_12] : memref<80000xi32, #tpu.memory_space<hbm>> -> memref<80xi32, #tpu.memory_space<hbm>>
      tpu.wait_dma2 semaphore(%run_scoped3A : memref<!tpu.dma_semaphore, #tpu.memory_space<semaphore_mem>>) src(%dma_wait3A_35 : memref<80xi32, #tpu.memory_space<hbm>>) dst(%arg5 : memref<80xi32, #tpu.memory_space<vmem>>)
      tpu.yield
    }) : () -> ()
    %dma_start3A = arith.constant 0 : i32
    %dma_start3A_13 = arith.constant 0 : i32
    %dma_start3A_14 = tpu.memref_slice %arg2[%dma_start3A, %dma_start3A_13] : memref<10000x256xi32, #tpu.memory_space<hbm>> -> memref<10000x256xi32, #tpu.memory_space<hbm>>
    tpu.enqueue_indirect_dma source(%dma_start3A_14 : memref<10000x256xi32, #tpu.memory_space<hbm>>) target(%arg7 : memref<80x256xi32, #tpu.memory_space<vmem>>) offsets(%arg5 : memref<80xi32, #tpu.memory_space<vmem>>) semaphore(%arg9 : memref<!tpu.dma_semaphore, #tpu.memory_space<semaphore_mem>>)
    %min3A_15 = arith.constant 1 : i32
    %min3A_16 = arith.minsi %min3A_15, %add3A_7 : i32
    %add3A_17 = arith.addi %add3A_4, %min3A_16 : i32
    %mul3A_18 = arith.constant 80 : i32
    %mul3A_19 = arith.muli %add3A_17, %mul3A_18 : i32
    "tpu.region"() ({
      %run_scoped3A = tpu.sem_alloc : memref<!tpu.dma_semaphore, #tpu.memory_space<semaphore_mem>>
      %dma_start3A_32 = tpu.memref_slice %arg3[%mul3A_19] : memref<80000xi32, #tpu.memory_space<hbm>> -> memref<80xi32, #tpu.memory_space<hbm>>
      %dma_start3A_33 = tpu.memref_slice %arg3[%mul3A_19] : memref<80000xi32, #tpu.memory_space<hbm>> -> memref<80xi32, #tpu.memory_space<hbm>>
      tpu.enqueue_dma source(%dma_start3A_33 : memref<80xi32, #tpu.memory_space<hbm>>) target(%arg6 : memref<80xi32, #tpu.memory_space<vmem>>) target_semaphore(%run_scoped3A : memref<!tpu.dma_semaphore, #tpu.memory_space<semaphore_mem>>)
      %dma_wait3A_34 = tpu.memref_slice %arg3[%mul3A_19] : memref<80000xi32, #tpu.memory_space<hbm>> -> memref<80xi32, #tpu.memory_space<hbm>>
      %dma_wait3A_35 = tpu.memref_slice %arg3[%mul3A_19] : memref<80000xi32, #tpu.memory_space<hbm>> -> memref<80xi32, #tpu.memory_space<hbm>>
      tpu.wait_dma2 semaphore(%run_scoped3A : memref<!tpu.dma_semaphore, #tpu.memory_space<semaphore_mem>>) src(%dma_wait3A_35 : memref<80xi32, #tpu.memory_space<hbm>>) dst(%arg6 : memref<80xi32, #tpu.memory_space<vmem>>)
      tpu.yield
    }) : () -> ()
    %scan3A = arith.constant 0 : i32
    %scan3A_20 = arith.constant 0 : i32
    %scan3A_21 = arith.constant 16 : i32
    %scan3A_22 = arith.addi %scan3A_20, %scan3A_21 : i32
    %scan3A_23 = arith.constant 1 : i32
    scf.for %scan3A_32 = %scan3A_20 to %scan3A_22 step %scan3A_23  : i32 {
      %dma_start3A_33 = arith.constant 0 : i32
      %dma_start3A_34 = arith.constant 0 : i32
      %dma_start3A_35 = tpu.memref_slice %arg2[%dma_start3A_33, %dma_start3A_34] : memref<10000x256xi32, #tpu.memory_space<hbm>> -> memref<10000x256xi32, #tpu.memory_space<hbm>>
      tpu.enqueue_indirect_dma source(%dma_start3A_35 : memref<10000x256xi32, #tpu.memory_space<hbm>>) target(%arg8 : memref<80x256xi32, #tpu.memory_space<vmem>>) offsets(%arg6 : memref<80xi32, #tpu.memory_space<vmem>>) semaphore(%arg10 : memref<!tpu.dma_semaphore, #tpu.memory_space<semaphore_mem>>)
      %mul3A_36 = arith.constant 2 : i32
      %mul3A_37 = arith.muli %mul3A_36, %scan3A_32 : i32
      %dma_wait3A_38 = arith.constant 0 : i32
      %dma_wait3A_39 = arith.constant 0 : i32
      %dma_wait3A_40 = tpu.memref_slice %arg2[%dma_wait3A_38, %dma_wait3A_39] : memref<10000x256xi32, #tpu.memory_space<hbm>> -> memref<10000x256xi32, #tpu.memory_space<hbm>>
      tpu.wait_indirect_dma semaphore(%arg9 : memref<!tpu.dma_semaphore, #tpu.memory_space<semaphore_mem>>) src(%dma_wait3A_40 : memref<10000x256xi32, #tpu.memory_space<hbm>>) dst(%arg7 : memref<80x256xi32, #tpu.memory_space<vmem>>)
      %min3A_41 = arith.minsi %mul3A_37, %add3A_7 : i32
      %add3A_42 = arith.addi %add3A_4, %min3A_41 : i32
      %mul3A_43 = arith.constant 80 : i32
      %mul3A_44 = arith.muli %add3A_42, %mul3A_43 : i32
      "tpu.region"() ({
        %run_scoped3A = tpu.sem_alloc : memref<!tpu.dma_semaphore, #tpu.memory_space<semaphore_mem>>
        %dma_start3A_75 = arith.constant 0 : i32
        %dma_start3A_76 = tpu.memref_slice %arg4[%mul3A_44, %dma_start3A_75] : memref<80000x256xi32, #tpu.memory_space<hbm>> -> memref<80x256xi32, #tpu.memory_space<hbm>>
        %dma_start3A_77 = arith.constant 0 : i32
        %dma_start3A_78 = tpu.memref_slice %arg4[%mul3A_44, %dma_start3A_77] : memref<80000x256xi32, #tpu.memory_space<hbm>> -> memref<80x256xi32, #tpu.memory_space<hbm>>
        tpu.enqueue_dma source(%arg7 : memref<80x256xi32, #tpu.memory_space<vmem>>) target(%dma_start3A_78 : memref<80x256xi32, #tpu.memory_space<hbm>>) target_semaphore(%run_scoped3A : memref<!tpu.dma_semaphore, #tpu.memory_space<semaphore_mem>>)
        %dma_wait3A_79 = arith.constant 0 : i32
        %dma_wait3A_80 = tpu.memref_slice %arg4[%mul3A_44, %dma_wait3A_79] : memref<80000x256xi32, #tpu.memory_space<hbm>> -> memref<80x256xi32, #tpu.memory_space<hbm>>
        %dma_wait3A_81 = arith.constant 0 : i32
        %dma_wait3A_82 = tpu.memref_slice %arg4[%mul3A_44, %dma_wait3A_81] : memref<80000x256xi32, #tpu.memory_space<hbm>> -> memref<80x256xi32, #tpu.memory_space<hbm>>
        tpu.wait_dma2 semaphore(%run_scoped3A : memref<!tpu.dma_semaphore, #tpu.memory_space<semaphore_mem>>) src(%arg7 : memref<80x256xi32, #tpu.memory_space<vmem>>) dst(%dma_wait3A_82 : memref<80x256xi32, #tpu.memory_space<hbm>>)
        tpu.yield
      }) : () -> ()
      %mul3A_45 = arith.constant 2 : i32
      %mul3A_46 = arith.muli %mul3A_45, %scan3A_32 : i32
      %add3A_47 = arith.constant 2 : i32
      %add3A_48 = arith.addi %mul3A_46, %add3A_47 : i32
      %min3A_49 = arith.minsi %add3A_48, %add3A_7 : i32
      %add3A_50 = arith.addi %add3A_4, %min3A_49 : i32
      %mul3A_51 = arith.constant 80 : i32
      %mul3A_52 = arith.muli %add3A_50, %mul3A_51 : i32
      "tpu.region"() ({
        %run_scoped3A = tpu.sem_alloc : memref<!tpu.dma_semaphore, #tpu.memory_space<semaphore_mem>>
        %dma_start3A_75 = tpu.memref_slice %arg3[%mul3A_52] : memref<80000xi32, #tpu.memory_space<hbm>> -> memref<80xi32, #tpu.memory_space<hbm>>
        %dma_start3A_76 = tpu.memref_slice %arg3[%mul3A_52] : memref<80000xi32, #tpu.memory_space<hbm>> -> memref<80xi32, #tpu.memory_space<hbm>>
        tpu.enqueue_dma source(%dma_start3A_76 : memref<80xi32, #tpu.memory_space<hbm>>) target(%arg5 : memref<80xi32, #tpu.memory_space<vmem>>) target_semaphore(%run_scoped3A : memref<!tpu.dma_semaphore, #tpu.memory_space<semaphore_mem>>)
        %dma_wait3A_77 = tpu.memref_slice %arg3[%mul3A_52] : memref<80000xi32, #tpu.memory_space<hbm>> -> memref<80xi32, #tpu.memory_space<hbm>>
        %dma_wait3A_78 = tpu.memref_slice %arg3[%mul3A_52] : memref<80000xi32, #tpu.memory_space<hbm>> -> memref<80xi32, #tpu.memory_space<hbm>>
        tpu.wait_dma2 semaphore(%run_scoped3A : memref<!tpu.dma_semaphore, #tpu.memory_space<semaphore_mem>>) src(%dma_wait3A_78 : memref<80xi32, #tpu.memory_space<hbm>>) dst(%arg5 : memref<80xi32, #tpu.memory_space<vmem>>)
        tpu.yield
      }) : () -> ()
      %dma_start3A_53 = arith.constant 0 : i32
      %dma_start3A_54 = arith.constant 0 : i32
      %dma_start3A_55 = tpu.memref_slice %arg2[%dma_start3A_53, %dma_start3A_54] : memref<10000x256xi32, #tpu.memory_space<hbm>> -> memref<10000x256xi32, #tpu.memory_space<hbm>>
      tpu.enqueue_indirect_dma source(%dma_start3A_55 : memref<10000x256xi32, #tpu.memory_space<hbm>>) target(%arg7 : memref<80x256xi32, #tpu.memory_space<vmem>>) offsets(%arg5 : memref<80xi32, #tpu.memory_space<vmem>>) semaphore(%arg9 : memref<!tpu.dma_semaphore, #tpu.memory_space<semaphore_mem>>)
      %mul3A_56 = arith.constant 2 : i32
      %mul3A_57 = arith.muli %mul3A_56, %scan3A_32 : i32
      %add3A_58 = arith.constant 1 : i32
      %add3A_59 = arith.addi %mul3A_57, %add3A_58 : i32
      %dma_wait3A_60 = arith.constant 0 : i32
      %dma_wait3A_61 = arith.constant 0 : i32
      %dma_wait3A_62 = tpu.memref_slice %arg2[%dma_wait3A_60, %dma_wait3A_61] : memref<10000x256xi32, #tpu.memory_space<hbm>> -> memref<10000x256xi32, #tpu.memory_space<hbm>>
      tpu.wait_indirect_dma semaphore(%arg10 : memref<!tpu.dma_semaphore, #tpu.memory_space<semaphore_mem>>) src(%dma_wait3A_62 : memref<10000x256xi32, #tpu.memory_space<hbm>>) dst(%arg8 : memref<80x256xi32, #tpu.memory_space<vmem>>)
      %min3A_63 = arith.minsi %add3A_59, %add3A_7 : i32
      %add3A_64 = arith.addi %add3A_4, %min3A_63 : i32
      %mul3A_65 = arith.constant 80 : i32
      %mul3A_66 = arith.muli %add3A_64, %mul3A_65 : i32
      "tpu.region"() ({
        %run_scoped3A = tpu.sem_alloc : memref<!tpu.dma_semaphore, #tpu.memory_space<semaphore_mem>>
        %dma_start3A_75 = arith.constant 0 : i32
        %dma_start3A_76 = tpu.memref_slice %arg4[%mul3A_66, %dma_start3A_75] : memref<80000x256xi32, #tpu.memory_space<hbm>> -> memref<80x256xi32, #tpu.memory_space<hbm>>
        %dma_start3A_77 = arith.constant 0 : i32
        %dma_start3A_78 = tpu.memref_slice %arg4[%mul3A_66, %dma_start3A_77] : memref<80000x256xi32, #tpu.memory_space<hbm>> -> memref<80x256xi32, #tpu.memory_space<hbm>>
        tpu.enqueue_dma source(%arg8 : memref<80x256xi32, #tpu.memory_space<vmem>>) target(%dma_start3A_78 : memref<80x256xi32, #tpu.memory_space<hbm>>) target_semaphore(%run_scoped3A : memref<!tpu.dma_semaphore, #tpu.memory_space<semaphore_mem>>)
        %dma_wait3A_79 = arith.constant 0 : i32
        %dma_wait3A_80 = tpu.memref_slice %arg4[%mul3A_66, %dma_wait3A_79] : memref<80000x256xi32, #tpu.memory_space<hbm>> -> memref<80x256xi32, #tpu.memory_space<hbm>>
        %dma_wait3A_81 = arith.constant 0 : i32
        %dma_wait3A_82 = tpu.memref_slice %arg4[%mul3A_66, %dma_wait3A_81] : memref<80000x256xi32, #tpu.memory_space<hbm>> -> memref<80x256xi32, #tpu.memory_space<hbm>>
        tpu.wait_dma2 semaphore(%run_scoped3A : memref<!tpu.dma_semaphore, #tpu.memory_space<semaphore_mem>>) src(%arg8 : memref<80x256xi32, #tpu.memory_space<vmem>>) dst(%dma_wait3A_82 : memref<80x256xi32, #tpu.memory_space<hbm>>)
        tpu.yield
      }) : () -> ()
      %mul3A_67 = arith.constant 2 : i32
      %mul3A_68 = arith.muli %mul3A_67, %scan3A_32 : i32
      %add3A_69 = arith.constant 3 : i32
      %add3A_70 = arith.addi %mul3A_68, %add3A_69 : i32
      %min3A_71 = arith.minsi %add3A_70, %add3A_7 : i32
      %add3A_72 = arith.addi %add3A_4, %min3A_71 : i32
      %mul3A_73 = arith.constant 80 : i32
      %mul3A_74 = arith.muli %add3A_72, %mul3A_73 : i32
      "tpu.region"() ({
        %run_scoped3A = tpu.sem_alloc : memref<!tpu.dma_semaphore, #tpu.memory_space<semaphore_mem>>
        %dma_start3A_75 = tpu.memref_slice %arg3[%mul3A_74] : memref<80000xi32, #tpu.memory_space<hbm>> -> memref<80xi32, #tpu.memory_space<hbm>>
        %dma_start3A_76 = tpu.memref_slice %arg3[%mul3A_74] : memref<80000xi32, #tpu.memory_space<hbm>> -> memref<80xi32, #tpu.memory_space<hbm>>
        tpu.enqueue_dma source(%dma_start3A_76 : memref<80xi32, #tpu.memory_space<hbm>>) target(%arg6 : memref<80xi32, #tpu.memory_space<vmem>>) target_semaphore(%run_scoped3A : memref<!tpu.dma_semaphore, #tpu.memory_space<semaphore_mem>>)
        %dma_wait3A_77 = tpu.memref_slice %arg3[%mul3A_74] : memref<80000xi32, #tpu.memory_space<hbm>> -> memref<80xi32, #tpu.memory_space<hbm>>
        %dma_wait3A_78 = tpu.memref_slice %arg3[%mul3A_74] : memref<80000xi32, #tpu.memory_space<hbm>> -> memref<80xi32, #tpu.memory_space<hbm>>
        tpu.wait_dma2 semaphore(%run_scoped3A : memref<!tpu.dma_semaphore, #tpu.memory_space<semaphore_mem>>) src(%dma_wait3A_78 : memref<80xi32, #tpu.memory_space<hbm>>) dst(%arg6 : memref<80xi32, #tpu.memory_space<vmem>>)
        tpu.yield
      }) : () -> ()
    }
    %scan3A_24 = arith.constant 16 : i32
    %dma_wait3A = arith.constant 0 : i32
    %dma_wait3A_25 = arith.constant 0 : i32
    %dma_wait3A_26 = tpu.memref_slice %arg2[%dma_wait3A, %dma_wait3A_25] : memref<10000x256xi32, #tpu.memory_space<hbm>> -> memref<10000x256xi32, #tpu.memory_space<hbm>>
    tpu.wait_indirect_dma semaphore(%arg9 : memref<!tpu.dma_semaphore, #tpu.memory_space<semaphore_mem>>) src(%dma_wait3A_26 : memref<10000x256xi32, #tpu.memory_space<hbm>>) dst(%arg7 : memref<80x256xi32, #tpu.memory_space<vmem>>)
    %min3A_27 = arith.constant 32 : i32
    %min3A_28 = arith.minsi %min3A_27, %add3A_7 : i32
    %add3A_29 = arith.addi %add3A_4, %min3A_28 : i32
    %mul3A_30 = arith.constant 80 : i32
    %mul3A_31 = arith.muli %add3A_29, %mul3A_30 : i32
    "tpu.region"() ({
      %run_scoped3A = tpu.sem_alloc : memref<!tpu.dma_semaphore, #tpu.memory_space<semaphore_mem>>
      %dma_start3A_32 = arith.constant 0 : i32
      %dma_start3A_33 = tpu.memref_slice %arg4[%mul3A_31, %dma_start3A_32] : memref<80000x256xi32, #tpu.memory_space<hbm>> -> memref<80x256xi32, #tpu.memory_space<hbm>>
      %dma_start3A_34 = arith.constant 0 : i32
      %dma_start3A_35 = tpu.memref_slice %arg4[%mul3A_31, %dma_start3A_34] : memref<80000x256xi32, #tpu.memory_space<hbm>> -> memref<80x256xi32, #tpu.memory_space<hbm>>
      tpu.enqueue_dma source(%arg7 : memref<80x256xi32, #tpu.memory_space<vmem>>) target(%dma_start3A_35 : memref<80x256xi32, #tpu.memory_space<hbm>>) target_semaphore(%run_scoped3A : memref<!tpu.dma_semaphore, #tpu.memory_space<semaphore_mem>>)
      %dma_wait3A_36 = arith.constant 0 : i32
      %dma_wait3A_37 = tpu.memref_slice %arg4[%mul3A_31, %dma_wait3A_36] : memref<80000x256xi32, #tpu.memory_space<hbm>> -> memref<80x256xi32, #tpu.memory_space<hbm>>
      %dma_wait3A_38 = arith.constant 0 : i32
      %dma_wait3A_39 = tpu.memref_slice %arg4[%mul3A_31, %dma_wait3A_38] : memref<80000x256xi32, #tpu.memory_space<hbm>> -> memref<80x256xi32, #tpu.memory_space<hbm>>
      tpu.wait_dma2 semaphore(%run_scoped3A : memref<!tpu.dma_semaphore, #tpu.memory_space<semaphore_mem>>) src(%arg7 : memref<80x256xi32, #tpu.memory_space<vmem>>) dst(%dma_wait3A_39 : memref<80x256xi32, #tpu.memory_space<hbm>>)
      tpu.yield
    }) : () -> ()
    return
  }
}

#map = affine_map<(d0, d1) -> (0, 0)>
#map1 = affine_map<(d0, d1) -> (0)>
module attributes {stable_mosaic.version = 14 : i64} {
  func.func @_scatter(%arg0: i32, %arg1: i32, %arg2: memref<80000x512xf32, #tpu.memory_space<hbm>>, %arg3: memref<80000x512xf32, #tpu.memory_space<hbm>>, %arg4: memref<160000xi32, #tpu.memory_space<hbm>>, %arg5: memref<10000x128xf32, #tpu.memory_space<hbm>>, %arg6: memref<10000x512xf32, #tpu.memory_space<hbm>>, %arg7: memref<80xi32, #tpu.memory_space<vmem>>, %arg8: memref<80xi32, #tpu.memory_space<vmem>>, %arg9: memref<80x128xf32, #tpu.memory_space<vmem>>, %arg10: memref<80x128xf32, #tpu.memory_space<vmem>>, %arg11: memref<10000x128xf32, #tpu.memory_space<vmem_shared>>, %arg12: memref<!tpu.dma_semaphore, #tpu.memory_space<semaphore_mem>>, %arg13: memref<!tpu.dma_semaphore, #tpu.memory_space<semaphore_mem>>, %arg14: memref<!tpu.dma_semaphore, #tpu.memory_space<semaphore_mem>>, %arg15: memref<!tpu.dma_semaphore, #tpu.memory_space<semaphore_mem>>) attributes {dimension_semantics = [#tpu.dimension_semantics<core_parallel>, #tpu.dimension_semantics<subcore_parallel>], iteration_bounds = array<i64: 2, 16>, scalar_prefetch = 0 : i64, scratch_operands = 9 : i64, tpu.core_type = #tpu.core_type<sc_vector_subcore>, window_params = [{transform_indices = #map}, {transform_indices = #map}, {transform_indices = #map1}, {transform_indices = #map}, {transform_indices = #map}]} {
    %mul3A = arith.constant 2 : i32
    %mul3A_0 = arith.muli %arg0, %mul3A : i32
    %add3A = arith.constant 0 : i32
    %add3A_1 = arith.addi %mul3A_0, %add3A : i32
    %mul3A_2 = arith.constant 128 : i32
    %mul3A_3 = arith.muli %add3A_1, %mul3A_2 : i32
    %mul3A_4 = arith.constant 624 : i32
    %mul3A_5 = arith.muli %arg1, %mul3A_4 : i32
    %mul3A_6 = arith.constant 624 : i32
    %mul3A_7 = arith.muli %arg1, %mul3A_6 : i32
    "tpu.region"() ({
      %run_scoped3A = tpu.sem_alloc : memref<!tpu.dma_semaphore, #tpu.memory_space<semaphore_mem>>
      %dma_start3A = arith.constant 0 : i32
      %dma_start3A_66 = tpu.memref_slice %arg11[%mul3A_7, %dma_start3A] : memref<10000x128xf32, #tpu.memory_space<vmem_shared>> -> memref<624x128xf32, #tpu.memory_space<vmem_shared>>
      %dma_start3A_67 = arith.constant 0 : i32
      %dma_start3A_68 = tpu.memref_slice %arg5[%mul3A_5, %dma_start3A_67] : memref<10000x128xf32, #tpu.memory_space<hbm>> -> memref<624x128xf32, #tpu.memory_space<hbm>>
      tpu.enqueue_dma source(%dma_start3A_68 : memref<624x128xf32, #tpu.memory_space<hbm>>) target(%dma_start3A_66 : memref<624x128xf32, #tpu.memory_space<vmem_shared>>) target_semaphore(%run_scoped3A : memref<!tpu.dma_semaphore, #tpu.memory_space<semaphore_mem>>)
      %dma_wait3A = arith.constant 0 : i32
      %dma_wait3A_69 = tpu.memref_slice %arg11[%mul3A_7, %dma_wait3A] : memref<10000x128xf32, #tpu.memory_space<vmem_shared>> -> memref<624x128xf32, #tpu.memory_space<vmem_shared>>
      %dma_wait3A_70 = arith.constant 0 : i32
      %dma_wait3A_71 = tpu.memref_slice %arg5[%mul3A_5, %dma_wait3A_70] : memref<10000x128xf32, #tpu.memory_space<hbm>> -> memref<624x128xf32, #tpu.memory_space<hbm>>
      tpu.wait_dma2 semaphore(%run_scoped3A : memref<!tpu.dma_semaphore, #tpu.memory_space<semaphore_mem>>) src(%dma_wait3A_71 : memref<624x128xf32, #tpu.memory_space<hbm>>) dst(%dma_wait3A_69 : memref<624x128xf32, #tpu.memory_space<vmem_shared>>)
      tpu.yield
    }) : () -> ()
    %eq3A = arith.constant 15 : i32
    %eq3A_8 = arith.cmpi eq, %arg1, %eq3A : i32
    %convert_element_type3A = arith.extui %eq3A_8 : i1 to i32
    %cond3A = arith.constant 0 : i32
    %cond3A_9 = arith.cmpi ne, %convert_element_type3A, %cond3A : i32
    scf.if %cond3A_9 {
      "tpu.region"() ({
        %run_scoped3A = tpu.sem_alloc : memref<!tpu.dma_semaphore, #tpu.memory_space<semaphore_mem>>
        %dma_start3A = arith.constant 9984 : i32
        %dma_start3A_66 = arith.constant 0 : i32
        %dma_start3A_67 = tpu.memref_slice %arg11[%dma_start3A, %dma_start3A_66] : memref<10000x128xf32, #tpu.memory_space<vmem_shared>> -> memref<16x128xf32, #tpu.memory_space<vmem_shared>>
        %dma_start3A_68 = arith.constant 9984 : i32
        %dma_start3A_69 = arith.constant 0 : i32
        %dma_start3A_70 = tpu.memref_slice %arg5[%dma_start3A_68, %dma_start3A_69] : memref<10000x128xf32, #tpu.memory_space<hbm>> -> memref<16x128xf32, #tpu.memory_space<hbm>>
        tpu.enqueue_dma source(%dma_start3A_70 : memref<16x128xf32, #tpu.memory_space<hbm>>) target(%dma_start3A_67 : memref<16x128xf32, #tpu.memory_space<vmem_shared>>) target_semaphore(%run_scoped3A : memref<!tpu.dma_semaphore, #tpu.memory_space<semaphore_mem>>)
        %dma_wait3A = arith.constant 9984 : i32
        %dma_wait3A_71 = arith.constant 0 : i32
        %dma_wait3A_72 = tpu.memref_slice %arg11[%dma_wait3A, %dma_wait3A_71] : memref<10000x128xf32, #tpu.memory_space<vmem_shared>> -> memref<16x128xf32, #tpu.memory_space<vmem_shared>>
        %dma_wait3A_73 = arith.constant 9984 : i32
        %dma_wait3A_74 = arith.constant 0 : i32
        %dma_wait3A_75 = tpu.memref_slice %arg5[%dma_wait3A_73, %dma_wait3A_74] : memref<10000x128xf32, #tpu.memory_space<hbm>> -> memref<16x128xf32, #tpu.memory_space<hbm>>
        tpu.wait_dma2 semaphore(%run_scoped3A : memref<!tpu.dma_semaphore, #tpu.memory_space<semaphore_mem>>) src(%dma_wait3A_75 : memref<16x128xf32, #tpu.memory_space<hbm>>) dst(%dma_wait3A_72 : memref<16x128xf32, #tpu.memory_space<vmem_shared>>)
        tpu.yield
      }) : () -> ()
    } else {
    }
    %barrier3A = arith.constant 0 : index
    tpu.barrier barrier_id(%barrier3A)
    %lt3A = arith.constant 8 : i32
    %lt3A_10 = arith.cmpi slt, %arg1, %lt3A : i32
    %convert_element_type3A_11 = arith.extui %lt3A_10 : i1 to i32
    %cond3A_12 = arith.constant 0 : i32
    %cond3A_13 = arith.cmpi ne, %convert_element_type3A_11, %cond3A_12 : i32
    scf.if %cond3A_13 {
      %mul3A_66 = arith.constant 125 : i32
      %mul3A_67 = arith.muli %arg1, %mul3A_66 : i32
      %mul3A_68 = arith.constant 80 : i32
      %mul3A_69 = arith.muli %mul3A_67, %mul3A_68 : i32
      %mul3A_70 = arith.constant 125 : i32
      %mul3A_71 = arith.muli %arg1, %mul3A_70 : i32
      %mul3A_72 = arith.constant 80 : i32
      %mul3A_73 = arith.muli %mul3A_71, %mul3A_72 : i32
      %add3A_74 = arith.constant 0 : i32
      %add3A_75 = arith.addi %mul3A_73, %add3A_74 : i32
      %dma_start3A = tpu.memref_slice %arg4[%add3A_75] : memref<160000xi32, #tpu.memory_space<hbm>> -> memref<80xi32, #tpu.memory_space<hbm>>
      %dma_start3A_76 = tpu.memref_slice %arg4[%add3A_75] : memref<160000xi32, #tpu.memory_space<hbm>> -> memref<80xi32, #tpu.memory_space<hbm>>
      tpu.enqueue_dma source(%dma_start3A_76 : memref<80xi32, #tpu.memory_space<hbm>>) target(%arg7 : memref<80xi32, #tpu.memory_space<vmem>>) target_semaphore(%arg12 : memref<!tpu.dma_semaphore, #tpu.memory_space<semaphore_mem>>)
      %add3A_77 = arith.constant 0 : i32
      %add3A_78 = arith.addi %mul3A_69, %add3A_77 : i32
      %dma_start3A_79 = tpu.memref_slice %arg2[%add3A_78, %mul3A_3] : memref<80000x512xf32, #tpu.memory_space<hbm>> -> memref<80x128xf32, #tpu.memory_space<hbm>>
      %dma_start3A_80 = tpu.memref_slice %arg2[%add3A_78, %mul3A_3] : memref<80000x512xf32, #tpu.memory_space<hbm>> -> memref<80x128xf32, #tpu.memory_space<hbm>>
      tpu.enqueue_dma source(%dma_start3A_80 : memref<80x128xf32, #tpu.memory_space<hbm>>) target(%arg9 : memref<80x128xf32, #tpu.memory_space<vmem>>) target_semaphore(%arg14 : memref<!tpu.dma_semaphore, #tpu.memory_space<semaphore_mem>>)
      %scan3A = arith.constant 0 : i32
      %scan3A_81 = arith.constant 0 : i32
      %scan3A_82 = arith.constant 62 : i32
      %scan3A_83 = arith.addi %scan3A_81, %scan3A_82 : i32
      %scan3A_84 = arith.constant 1 : i32
      scf.for %scan3A_95 = %scan3A_81 to %scan3A_83 step %scan3A_84  : i32 {
        %mul3A_96 = arith.constant 2 : i32
        %mul3A_97 = arith.muli %mul3A_96, %scan3A_95 : i32
        %add3A_98 = arith.constant 1 : i32
        %add3A_99 = arith.addi %mul3A_97, %add3A_98 : i32
        %mul3A_100 = arith.constant 80 : i32
        %mul3A_101 = arith.muli %add3A_99, %mul3A_100 : i32
        %add3A_102 = arith.addi %mul3A_73, %mul3A_101 : i32
        %dma_start3A_103 = tpu.memref_slice %arg4[%add3A_102] : memref<160000xi32, #tpu.memory_space<hbm>> -> memref<80xi32, #tpu.memory_space<hbm>>
        %dma_start3A_104 = tpu.memref_slice %arg4[%add3A_102] : memref<160000xi32, #tpu.memory_space<hbm>> -> memref<80xi32, #tpu.memory_space<hbm>>
        tpu.enqueue_dma source(%dma_start3A_104 : memref<80xi32, #tpu.memory_space<hbm>>) target(%arg8 : memref<80xi32, #tpu.memory_space<vmem>>) target_semaphore(%arg13 : memref<!tpu.dma_semaphore, #tpu.memory_space<semaphore_mem>>)
        %add3A_105 = arith.addi %mul3A_69, %mul3A_101 : i32
        %dma_start3A_106 = tpu.memref_slice %arg2[%add3A_105, %mul3A_3] : memref<80000x512xf32, #tpu.memory_space<hbm>> -> memref<80x128xf32, #tpu.memory_space<hbm>>
        %dma_start3A_107 = tpu.memref_slice %arg2[%add3A_105, %mul3A_3] : memref<80000x512xf32, #tpu.memory_space<hbm>> -> memref<80x128xf32, #tpu.memory_space<hbm>>
        tpu.enqueue_dma source(%dma_start3A_107 : memref<80x128xf32, #tpu.memory_space<hbm>>) target(%arg10 : memref<80x128xf32, #tpu.memory_space<vmem>>) target_semaphore(%arg15 : memref<!tpu.dma_semaphore, #tpu.memory_space<semaphore_mem>>)
        %dma_wait3A_108 = arith.constant 0 : i32
        %dma_wait3A_109 = tpu.memref_slice %arg4[%dma_wait3A_108] : memref<160000xi32, #tpu.memory_space<hbm>> -> memref<80xi32, #tpu.memory_space<hbm>>
        %dma_wait3A_110 = arith.constant 0 : i32
        %dma_wait3A_111 = tpu.memref_slice %arg4[%dma_wait3A_110] : memref<160000xi32, #tpu.memory_space<hbm>> -> memref<80xi32, #tpu.memory_space<hbm>>
        tpu.wait_dma2 semaphore(%arg12 : memref<!tpu.dma_semaphore, #tpu.memory_space<semaphore_mem>>) src(%dma_wait3A_111 : memref<80xi32, #tpu.memory_space<hbm>>) dst(%arg7 : memref<80xi32, #tpu.memory_space<vmem>>)
        %dma_wait3A_112 = arith.constant 0 : i32
        %dma_wait3A_113 = arith.constant 0 : i32
        %dma_wait3A_114 = tpu.memref_slice %arg2[%dma_wait3A_112, %dma_wait3A_113] : memref<80000x512xf32, #tpu.memory_space<hbm>> -> memref<80x128xf32, #tpu.memory_space<hbm>>
        %dma_wait3A_115 = arith.constant 0 : i32
        %dma_wait3A_116 = arith.constant 0 : i32
        %dma_wait3A_117 = tpu.memref_slice %arg2[%dma_wait3A_115, %dma_wait3A_116] : memref<80000x512xf32, #tpu.memory_space<hbm>> -> memref<80x128xf32, #tpu.memory_space<hbm>>
        tpu.wait_dma2 semaphore(%arg14 : memref<!tpu.dma_semaphore, #tpu.memory_space<semaphore_mem>>) src(%dma_wait3A_117 : memref<80x128xf32, #tpu.memory_space<hbm>>) dst(%arg9 : memref<80x128xf32, #tpu.memory_space<vmem>>)
        "tpu.region"() ({
          %run_scoped3A = tpu.sem_alloc : memref<!tpu.dma_semaphore, #tpu.memory_space<semaphore_mem>>
          %dma_start3A_140 = arith.constant 0 : i32
          %dma_start3A_141 = arith.constant 0 : i32
          %dma_start3A_142 = tpu.memref_slice %arg11[%dma_start3A_140, %dma_start3A_141] : memref<10000x128xf32, #tpu.memory_space<vmem_shared>> -> memref<10000x128xf32, #tpu.memory_space<vmem_shared>>
          tpu.enqueue_indirect_dma source(%arg9 : memref<80x128xf32, #tpu.memory_space<vmem>>) target(%dma_start3A_142 : memref<10000x128xf32, #tpu.memory_space<vmem_shared>>) offsets(%arg7 : memref<80xi32, #tpu.memory_space<vmem>>) semaphore(%run_scoped3A : memref<!tpu.dma_semaphore, #tpu.memory_space<semaphore_mem>>) {add = true}
          %dma_wait3A_143 = arith.constant 0 : i32
          %dma_wait3A_144 = arith.constant 0 : i32
          %dma_wait3A_145 = tpu.memref_slice %arg11[%dma_wait3A_143, %dma_wait3A_144] : memref<10000x128xf32, #tpu.memory_space<vmem_shared>> -> memref<10000x128xf32, #tpu.memory_space<vmem_shared>>
          tpu.wait_indirect_dma semaphore(%run_scoped3A : memref<!tpu.dma_semaphore, #tpu.memory_space<semaphore_mem>>) src(%arg9 : memref<80x128xf32, #tpu.memory_space<vmem>>) dst(%dma_wait3A_145 : memref<10000x128xf32, #tpu.memory_space<vmem_shared>>)
          tpu.yield
        }) : () -> ()
        %mul3A_118 = arith.constant 2 : i32
        %mul3A_119 = arith.muli %mul3A_118, %scan3A_95 : i32
        %add3A_120 = arith.constant 2 : i32
        %add3A_121 = arith.addi %mul3A_119, %add3A_120 : i32
        %mul3A_122 = arith.constant 80 : i32
        %mul3A_123 = arith.muli %add3A_121, %mul3A_122 : i32
        %add3A_124 = arith.addi %mul3A_73, %mul3A_123 : i32
        %dma_start3A_125 = tpu.memref_slice %arg4[%add3A_124] : memref<160000xi32, #tpu.memory_space<hbm>> -> memref<80xi32, #tpu.memory_space<hbm>>
        %dma_start3A_126 = tpu.memref_slice %arg4[%add3A_124] : memref<160000xi32, #tpu.memory_space<hbm>> -> memref<80xi32, #tpu.memory_space<hbm>>
        tpu.enqueue_dma source(%dma_start3A_126 : memref<80xi32, #tpu.memory_space<hbm>>) target(%arg7 : memref<80xi32, #tpu.memory_space<vmem>>) target_semaphore(%arg12 : memref<!tpu.dma_semaphore, #tpu.memory_space<semaphore_mem>>)
        %add3A_127 = arith.addi %mul3A_69, %mul3A_123 : i32
        %dma_start3A_128 = tpu.memref_slice %arg2[%add3A_127, %mul3A_3] : memref<80000x512xf32, #tpu.memory_space<hbm>> -> memref<80x128xf32, #tpu.memory_space<hbm>>
        %dma_start3A_129 = tpu.memref_slice %arg2[%add3A_127, %mul3A_3] : memref<80000x512xf32, #tpu.memory_space<hbm>> -> memref<80x128xf32, #tpu.memory_space<hbm>>
        tpu.enqueue_dma source(%dma_start3A_129 : memref<80x128xf32, #tpu.memory_space<hbm>>) target(%arg9 : memref<80x128xf32, #tpu.memory_space<vmem>>) target_semaphore(%arg14 : memref<!tpu.dma_semaphore, #tpu.memory_space<semaphore_mem>>)
        %dma_wait3A_130 = arith.constant 0 : i32
        %dma_wait3A_131 = tpu.memref_slice %arg4[%dma_wait3A_130] : memref<160000xi32, #tpu.memory_space<hbm>> -> memref<80xi32, #tpu.memory_space<hbm>>
        %dma_wait3A_132 = arith.constant 0 : i32
        %dma_wait3A_133 = tpu.memref_slice %arg4[%dma_wait3A_132] : memref<160000xi32, #tpu.memory_space<hbm>> -> memref<80xi32, #tpu.memory_space<hbm>>
        tpu.wait_dma2 semaphore(%arg13 : memref<!tpu.dma_semaphore, #tpu.memory_space<semaphore_mem>>) src(%dma_wait3A_133 : memref<80xi32, #tpu.memory_space<hbm>>) dst(%arg8 : memref<80xi32, #tpu.memory_space<vmem>>)
        %dma_wait3A_134 = arith.constant 0 : i32
        %dma_wait3A_135 = arith.constant 0 : i32
        %dma_wait3A_136 = tpu.memref_slice %arg2[%dma_wait3A_134, %dma_wait3A_135] : memref<80000x512xf32, #tpu.memory_space<hbm>> -> memref<80x128xf32, #tpu.memory_space<hbm>>
        %dma_wait3A_137 = arith.constant 0 : i32
        %dma_wait3A_138 = arith.constant 0 : i32
        %dma_wait3A_139 = tpu.memref_slice %arg2[%dma_wait3A_137, %dma_wait3A_138] : memref<80000x512xf32, #tpu.memory_space<hbm>> -> memref<80x128xf32, #tpu.memory_space<hbm>>
        tpu.wait_dma2 semaphore(%arg15 : memref<!tpu.dma_semaphore, #tpu.memory_space<semaphore_mem>>) src(%dma_wait3A_139 : memref<80x128xf32, #tpu.memory_space<hbm>>) dst(%arg10 : memref<80x128xf32, #tpu.memory_space<vmem>>)
        "tpu.region"() ({
          %run_scoped3A = tpu.sem_alloc : memref<!tpu.dma_semaphore, #tpu.memory_space<semaphore_mem>>
          %dma_start3A_140 = arith.constant 0 : i32
          %dma_start3A_141 = arith.constant 0 : i32
          %dma_start3A_142 = tpu.memref_slice %arg11[%dma_start3A_140, %dma_start3A_141] : memref<10000x128xf32, #tpu.memory_space<vmem_shared>> -> memref<10000x128xf32, #tpu.memory_space<vmem_shared>>
          tpu.enqueue_indirect_dma source(%arg10 : memref<80x128xf32, #tpu.memory_space<vmem>>) target(%dma_start3A_142 : memref<10000x128xf32, #tpu.memory_space<vmem_shared>>) offsets(%arg8 : memref<80xi32, #tpu.memory_space<vmem>>) semaphore(%run_scoped3A : memref<!tpu.dma_semaphore, #tpu.memory_space<semaphore_mem>>) {add = true}
          %dma_wait3A_143 = arith.constant 0 : i32
          %dma_wait3A_144 = arith.constant 0 : i32
          %dma_wait3A_145 = tpu.memref_slice %arg11[%dma_wait3A_143, %dma_wait3A_144] : memref<10000x128xf32, #tpu.memory_space<vmem_shared>> -> memref<10000x128xf32, #tpu.memory_space<vmem_shared>>
          tpu.wait_indirect_dma semaphore(%run_scoped3A : memref<!tpu.dma_semaphore, #tpu.memory_space<semaphore_mem>>) src(%arg10 : memref<80x128xf32, #tpu.memory_space<vmem>>) dst(%dma_wait3A_145 : memref<10000x128xf32, #tpu.memory_space<vmem_shared>>)
          tpu.yield
        }) : () -> ()
      }
      %scan3A_85 = arith.constant 62 : i32
      %dma_wait3A = arith.constant 0 : i32
      %dma_wait3A_86 = tpu.memref_slice %arg4[%dma_wait3A] : memref<160000xi32, #tpu.memory_space<hbm>> -> memref<80xi32, #tpu.memory_space<hbm>>
      %dma_wait3A_87 = arith.constant 0 : i32
      %dma_wait3A_88 = tpu.memref_slice %arg4[%dma_wait3A_87] : memref<160000xi32, #tpu.memory_space<hbm>> -> memref<80xi32, #tpu.memory_space<hbm>>
      tpu.wait_dma2 semaphore(%arg12 : memref<!tpu.dma_semaphore, #tpu.memory_space<semaphore_mem>>) src(%dma_wait3A_88 : memref<80xi32, #tpu.memory_space<hbm>>) dst(%arg7 : memref<80xi32, #tpu.memory_space<vmem>>)
      %dma_wait3A_89 = arith.constant 0 : i32
      %dma_wait3A_90 = arith.constant 0 : i32
      %dma_wait3A_91 = tpu.memref_slice %arg2[%dma_wait3A_89, %dma_wait3A_90] : memref<80000x512xf32, #tpu.memory_space<hbm>> -> memref<80x128xf32, #tpu.memory_space<hbm>>
      %dma_wait3A_92 = arith.constant 0 : i32
      %dma_wait3A_93 = arith.constant 0 : i32
      %dma_wait3A_94 = tpu.memref_slice %arg2[%dma_wait3A_92, %dma_wait3A_93] : memref<80000x512xf32, #tpu.memory_space<hbm>> -> memref<80x128xf32, #tpu.memory_space<hbm>>
      tpu.wait_dma2 semaphore(%arg14 : memref<!tpu.dma_semaphore, #tpu.memory_space<semaphore_mem>>) src(%dma_wait3A_94 : memref<80x128xf32, #tpu.memory_space<hbm>>) dst(%arg9 : memref<80x128xf32, #tpu.memory_space<vmem>>)
      "tpu.region"() ({
        %run_scoped3A = tpu.sem_alloc : memref<!tpu.dma_semaphore, #tpu.memory_space<semaphore_mem>>
        %dma_start3A_95 = arith.constant 0 : i32
        %dma_start3A_96 = arith.constant 0 : i32
        %dma_start3A_97 = tpu.memref_slice %arg11[%dma_start3A_95, %dma_start3A_96] : memref<10000x128xf32, #tpu.memory_space<vmem_shared>> -> memref<10000x128xf32, #tpu.memory_space<vmem_shared>>
        tpu.enqueue_indirect_dma source(%arg9 : memref<80x128xf32, #tpu.memory_space<vmem>>) target(%dma_start3A_97 : memref<10000x128xf32, #tpu.memory_space<vmem_shared>>) offsets(%arg7 : memref<80xi32, #tpu.memory_space<vmem>>) semaphore(%run_scoped3A : memref<!tpu.dma_semaphore, #tpu.memory_space<semaphore_mem>>) {add = true}
        %dma_wait3A_98 = arith.constant 0 : i32
        %dma_wait3A_99 = arith.constant 0 : i32
        %dma_wait3A_100 = tpu.memref_slice %arg11[%dma_wait3A_98, %dma_wait3A_99] : memref<10000x128xf32, #tpu.memory_space<vmem_shared>> -> memref<10000x128xf32, #tpu.memory_space<vmem_shared>>
        tpu.wait_indirect_dma semaphore(%run_scoped3A : memref<!tpu.dma_semaphore, #tpu.memory_space<semaphore_mem>>) src(%arg9 : memref<80x128xf32, #tpu.memory_space<vmem>>) dst(%dma_wait3A_100 : memref<10000x128xf32, #tpu.memory_space<vmem_shared>>)
        tpu.yield
      }) : () -> ()
    } else {
    }
    %ge3A = arith.constant 8 : i32
    %ge3A_14 = arith.cmpi sge, %arg1, %ge3A : i32
    %convert_element_type3A_15 = arith.extui %ge3A_14 : i1 to i32
    %cond3A_16 = arith.constant 0 : i32
    %cond3A_17 = arith.cmpi ne, %convert_element_type3A_15, %cond3A_16 : i32
    scf.if %cond3A_17 {
      %sub3A = arith.constant 8 : i32
      %sub3A_66 = arith.subi %arg1, %sub3A : i32
      %mul3A_67 = arith.constant 125 : i32
      %mul3A_68 = arith.muli %sub3A_66, %mul3A_67 : i32
      %mul3A_69 = arith.constant 80 : i32
      %mul3A_70 = arith.muli %mul3A_68, %mul3A_69 : i32
      %mul3A_71 = arith.constant 125 : i32
      %mul3A_72 = arith.muli %arg1, %mul3A_71 : i32
      %mul3A_73 = arith.constant 80 : i32
      %mul3A_74 = arith.muli %mul3A_72, %mul3A_73 : i32
      %add3A_75 = arith.constant 0 : i32
      %add3A_76 = arith.addi %mul3A_74, %add3A_75 : i32
      %dma_start3A = tpu.memref_slice %arg4[%add3A_76] : memref<160000xi32, #tpu.memory_space<hbm>> -> memref<80xi32, #tpu.memory_space<hbm>>
      %dma_start3A_77 = tpu.memref_slice %arg4[%add3A_76] : memref<160000xi32, #tpu.memory_space<hbm>> -> memref<80xi32, #tpu.memory_space<hbm>>
      tpu.enqueue_dma source(%dma_start3A_77 : memref<80xi32, #tpu.memory_space<hbm>>) target(%arg7 : memref<80xi32, #tpu.memory_space<vmem>>) target_semaphore(%arg12 : memref<!tpu.dma_semaphore, #tpu.memory_space<semaphore_mem>>)
      %add3A_78 = arith.constant 0 : i32
      %add3A_79 = arith.addi %mul3A_70, %add3A_78 : i32
      %dma_start3A_80 = tpu.memref_slice %arg3[%add3A_79, %mul3A_3] : memref<80000x512xf32, #tpu.memory_space<hbm>> -> memref<80x128xf32, #tpu.memory_space<hbm>>
      %dma_start3A_81 = tpu.memref_slice %arg3[%add3A_79, %mul3A_3] : memref<80000x512xf32, #tpu.memory_space<hbm>> -> memref<80x128xf32, #tpu.memory_space<hbm>>
      tpu.enqueue_dma source(%dma_start3A_81 : memref<80x128xf32, #tpu.memory_space<hbm>>) target(%arg9 : memref<80x128xf32, #tpu.memory_space<vmem>>) target_semaphore(%arg14 : memref<!tpu.dma_semaphore, #tpu.memory_space<semaphore_mem>>)
      %scan3A = arith.constant 0 : i32
      %scan3A_82 = arith.constant 0 : i32
      %scan3A_83 = arith.constant 62 : i32
      %scan3A_84 = arith.addi %scan3A_82, %scan3A_83 : i32
      %scan3A_85 = arith.constant 1 : i32
      scf.for %scan3A_96 = %scan3A_82 to %scan3A_84 step %scan3A_85  : i32 {
        %mul3A_97 = arith.constant 2 : i32
        %mul3A_98 = arith.muli %mul3A_97, %scan3A_96 : i32
        %add3A_99 = arith.constant 1 : i32
        %add3A_100 = arith.addi %mul3A_98, %add3A_99 : i32
        %mul3A_101 = arith.constant 80 : i32
        %mul3A_102 = arith.muli %add3A_100, %mul3A_101 : i32
        %add3A_103 = arith.addi %mul3A_74, %mul3A_102 : i32
        %dma_start3A_104 = tpu.memref_slice %arg4[%add3A_103] : memref<160000xi32, #tpu.memory_space<hbm>> -> memref<80xi32, #tpu.memory_space<hbm>>
        %dma_start3A_105 = tpu.memref_slice %arg4[%add3A_103] : memref<160000xi32, #tpu.memory_space<hbm>> -> memref<80xi32, #tpu.memory_space<hbm>>
        tpu.enqueue_dma source(%dma_start3A_105 : memref<80xi32, #tpu.memory_space<hbm>>) target(%arg8 : memref<80xi32, #tpu.memory_space<vmem>>) target_semaphore(%arg13 : memref<!tpu.dma_semaphore, #tpu.memory_space<semaphore_mem>>)
        %add3A_106 = arith.addi %mul3A_70, %mul3A_102 : i32
        %dma_start3A_107 = tpu.memref_slice %arg3[%add3A_106, %mul3A_3] : memref<80000x512xf32, #tpu.memory_space<hbm>> -> memref<80x128xf32, #tpu.memory_space<hbm>>
        %dma_start3A_108 = tpu.memref_slice %arg3[%add3A_106, %mul3A_3] : memref<80000x512xf32, #tpu.memory_space<hbm>> -> memref<80x128xf32, #tpu.memory_space<hbm>>
        tpu.enqueue_dma source(%dma_start3A_108 : memref<80x128xf32, #tpu.memory_space<hbm>>) target(%arg10 : memref<80x128xf32, #tpu.memory_space<vmem>>) target_semaphore(%arg15 : memref<!tpu.dma_semaphore, #tpu.memory_space<semaphore_mem>>)
        %dma_wait3A_109 = arith.constant 0 : i32
        %dma_wait3A_110 = tpu.memref_slice %arg4[%dma_wait3A_109] : memref<160000xi32, #tpu.memory_space<hbm>> -> memref<80xi32, #tpu.memory_space<hbm>>
        %dma_wait3A_111 = arith.constant 0 : i32
        %dma_wait3A_112 = tpu.memref_slice %arg4[%dma_wait3A_111] : memref<160000xi32, #tpu.memory_space<hbm>> -> memref<80xi32, #tpu.memory_space<hbm>>
        tpu.wait_dma2 semaphore(%arg12 : memref<!tpu.dma_semaphore, #tpu.memory_space<semaphore_mem>>) src(%dma_wait3A_112 : memref<80xi32, #tpu.memory_space<hbm>>) dst(%arg7 : memref<80xi32, #tpu.memory_space<vmem>>)
        %dma_wait3A_113 = arith.constant 0 : i32
        %dma_wait3A_114 = arith.constant 0 : i32
        %dma_wait3A_115 = tpu.memref_slice %arg3[%dma_wait3A_113, %dma_wait3A_114] : memref<80000x512xf32, #tpu.memory_space<hbm>> -> memref<80x128xf32, #tpu.memory_space<hbm>>
        %dma_wait3A_116 = arith.constant 0 : i32
        %dma_wait3A_117 = arith.constant 0 : i32
        %dma_wait3A_118 = tpu.memref_slice %arg3[%dma_wait3A_116, %dma_wait3A_117] : memref<80000x512xf32, #tpu.memory_space<hbm>> -> memref<80x128xf32, #tpu.memory_space<hbm>>
        tpu.wait_dma2 semaphore(%arg14 : memref<!tpu.dma_semaphore, #tpu.memory_space<semaphore_mem>>) src(%dma_wait3A_118 : memref<80x128xf32, #tpu.memory_space<hbm>>) dst(%arg9 : memref<80x128xf32, #tpu.memory_space<vmem>>)
        "tpu.region"() ({
          %run_scoped3A = tpu.sem_alloc : memref<!tpu.dma_semaphore, #tpu.memory_space<semaphore_mem>>
          %dma_start3A_141 = arith.constant 0 : i32
          %dma_start3A_142 = arith.constant 0 : i32
          %dma_start3A_143 = tpu.memref_slice %arg11[%dma_start3A_141, %dma_start3A_142] : memref<10000x128xf32, #tpu.memory_space<vmem_shared>> -> memref<10000x128xf32, #tpu.memory_space<vmem_shared>>
          tpu.enqueue_indirect_dma source(%arg9 : memref<80x128xf32, #tpu.memory_space<vmem>>) target(%dma_start3A_143 : memref<10000x128xf32, #tpu.memory_space<vmem_shared>>) offsets(%arg7 : memref<80xi32, #tpu.memory_space<vmem>>) semaphore(%run_scoped3A : memref<!tpu.dma_semaphore, #tpu.memory_space<semaphore_mem>>) {add = true}
          %dma_wait3A_144 = arith.constant 0 : i32
          %dma_wait3A_145 = arith.constant 0 : i32
          %dma_wait3A_146 = tpu.memref_slice %arg11[%dma_wait3A_144, %dma_wait3A_145] : memref<10000x128xf32, #tpu.memory_space<vmem_shared>> -> memref<10000x128xf32, #tpu.memory_space<vmem_shared>>
          tpu.wait_indirect_dma semaphore(%run_scoped3A : memref<!tpu.dma_semaphore, #tpu.memory_space<semaphore_mem>>) src(%arg9 : memref<80x128xf32, #tpu.memory_space<vmem>>) dst(%dma_wait3A_146 : memref<10000x128xf32, #tpu.memory_space<vmem_shared>>)
          tpu.yield
        }) : () -> ()
        %mul3A_119 = arith.constant 2 : i32
        %mul3A_120 = arith.muli %mul3A_119, %scan3A_96 : i32
        %add3A_121 = arith.constant 2 : i32
        %add3A_122 = arith.addi %mul3A_120, %add3A_121 : i32
        %mul3A_123 = arith.constant 80 : i32
        %mul3A_124 = arith.muli %add3A_122, %mul3A_123 : i32
        %add3A_125 = arith.addi %mul3A_74, %mul3A_124 : i32
        %dma_start3A_126 = tpu.memref_slice %arg4[%add3A_125] : memref<160000xi32, #tpu.memory_space<hbm>> -> memref<80xi32, #tpu.memory_space<hbm>>
        %dma_start3A_127 = tpu.memref_slice %arg4[%add3A_125] : memref<160000xi32, #tpu.memory_space<hbm>> -> memref<80xi32, #tpu.memory_space<hbm>>
        tpu.enqueue_dma source(%dma_start3A_127 : memref<80xi32, #tpu.memory_space<hbm>>) target(%arg7 : memref<80xi32, #tpu.memory_space<vmem>>) target_semaphore(%arg12 : memref<!tpu.dma_semaphore, #tpu.memory_space<semaphore_mem>>)
        %add3A_128 = arith.addi %mul3A_70, %mul3A_124 : i32
        %dma_start3A_129 = tpu.memref_slice %arg3[%add3A_128, %mul3A_3] : memref<80000x512xf32, #tpu.memory_space<hbm>> -> memref<80x128xf32, #tpu.memory_space<hbm>>
        %dma_start3A_130 = tpu.memref_slice %arg3[%add3A_128, %mul3A_3] : memref<80000x512xf32, #tpu.memory_space<hbm>> -> memref<80x128xf32, #tpu.memory_space<hbm>>
        tpu.enqueue_dma source(%dma_start3A_130 : memref<80x128xf32, #tpu.memory_space<hbm>>) target(%arg9 : memref<80x128xf32, #tpu.memory_space<vmem>>) target_semaphore(%arg14 : memref<!tpu.dma_semaphore, #tpu.memory_space<semaphore_mem>>)
        %dma_wait3A_131 = arith.constant 0 : i32
        %dma_wait3A_132 = tpu.memref_slice %arg4[%dma_wait3A_131] : memref<160000xi32, #tpu.memory_space<hbm>> -> memref<80xi32, #tpu.memory_space<hbm>>
        %dma_wait3A_133 = arith.constant 0 : i32
        %dma_wait3A_134 = tpu.memref_slice %arg4[%dma_wait3A_133] : memref<160000xi32, #tpu.memory_space<hbm>> -> memref<80xi32, #tpu.memory_space<hbm>>
        tpu.wait_dma2 semaphore(%arg13 : memref<!tpu.dma_semaphore, #tpu.memory_space<semaphore_mem>>) src(%dma_wait3A_134 : memref<80xi32, #tpu.memory_space<hbm>>) dst(%arg8 : memref<80xi32, #tpu.memory_space<vmem>>)
        %dma_wait3A_135 = arith.constant 0 : i32
        %dma_wait3A_136 = arith.constant 0 : i32
        %dma_wait3A_137 = tpu.memref_slice %arg3[%dma_wait3A_135, %dma_wait3A_136] : memref<80000x512xf32, #tpu.memory_space<hbm>> -> memref<80x128xf32, #tpu.memory_space<hbm>>
        %dma_wait3A_138 = arith.constant 0 : i32
        %dma_wait3A_139 = arith.constant 0 : i32
        %dma_wait3A_140 = tpu.memref_slice %arg3[%dma_wait3A_138, %dma_wait3A_139] : memref<80000x512xf32, #tpu.memory_space<hbm>> -> memref<80x128xf32, #tpu.memory_space<hbm>>
        tpu.wait_dma2 semaphore(%arg15 : memref<!tpu.dma_semaphore, #tpu.memory_space<semaphore_mem>>) src(%dma_wait3A_140 : memref<80x128xf32, #tpu.memory_space<hbm>>) dst(%arg10 : memref<80x128xf32, #tpu.memory_space<vmem>>)
        "tpu.region"() ({
          %run_scoped3A = tpu.sem_alloc : memref<!tpu.dma_semaphore, #tpu.memory_space<semaphore_mem>>
          %dma_start3A_141 = arith.constant 0 : i32
          %dma_start3A_142 = arith.constant 0 : i32
          %dma_start3A_143 = tpu.memref_slice %arg11[%dma_start3A_141, %dma_start3A_142] : memref<10000x128xf32, #tpu.memory_space<vmem_shared>> -> memref<10000x128xf32, #tpu.memory_space<vmem_shared>>
          tpu.enqueue_indirect_dma source(%arg10 : memref<80x128xf32, #tpu.memory_space<vmem>>) target(%dma_start3A_143 : memref<10000x128xf32, #tpu.memory_space<vmem_shared>>) offsets(%arg8 : memref<80xi32, #tpu.memory_space<vmem>>) semaphore(%run_scoped3A : memref<!tpu.dma_semaphore, #tpu.memory_space<semaphore_mem>>) {add = true}
          %dma_wait3A_144 = arith.constant 0 : i32
          %dma_wait3A_145 = arith.constant 0 : i32
          %dma_wait3A_146 = tpu.memref_slice %arg11[%dma_wait3A_144, %dma_wait3A_145] : memref<10000x128xf32, #tpu.memory_space<vmem_shared>> -> memref<10000x128xf32, #tpu.memory_space<vmem_shared>>
          tpu.wait_indirect_dma semaphore(%run_scoped3A : memref<!tpu.dma_semaphore, #tpu.memory_space<semaphore_mem>>) src(%arg10 : memref<80x128xf32, #tpu.memory_space<vmem>>) dst(%dma_wait3A_146 : memref<10000x128xf32, #tpu.memory_space<vmem_shared>>)
          tpu.yield
        }) : () -> ()
      }
      %scan3A_86 = arith.constant 62 : i32
      %dma_wait3A = arith.constant 0 : i32
      %dma_wait3A_87 = tpu.memref_slice %arg4[%dma_wait3A] : memref<160000xi32, #tpu.memory_space<hbm>> -> memref<80xi32, #tpu.memory_space<hbm>>
      %dma_wait3A_88 = arith.constant 0 : i32
      %dma_wait3A_89 = tpu.memref_slice %arg4[%dma_wait3A_88] : memref<160000xi32, #tpu.memory_space<hbm>> -> memref<80xi32, #tpu.memory_space<hbm>>
      tpu.wait_dma2 semaphore(%arg12 : memref<!tpu.dma_semaphore, #tpu.memory_space<semaphore_mem>>) src(%dma_wait3A_89 : memref<80xi32, #tpu.memory_space<hbm>>) dst(%arg7 : memref<80xi32, #tpu.memory_space<vmem>>)
      %dma_wait3A_90 = arith.constant 0 : i32
      %dma_wait3A_91 = arith.constant 0 : i32
      %dma_wait3A_92 = tpu.memref_slice %arg3[%dma_wait3A_90, %dma_wait3A_91] : memref<80000x512xf32, #tpu.memory_space<hbm>> -> memref<80x128xf32, #tpu.memory_space<hbm>>
      %dma_wait3A_93 = arith.constant 0 : i32
      %dma_wait3A_94 = arith.constant 0 : i32
      %dma_wait3A_95 = tpu.memref_slice %arg3[%dma_wait3A_93, %dma_wait3A_94] : memref<80000x512xf32, #tpu.memory_space<hbm>> -> memref<80x128xf32, #tpu.memory_space<hbm>>
      tpu.wait_dma2 semaphore(%arg14 : memref<!tpu.dma_semaphore, #tpu.memory_space<semaphore_mem>>) src(%dma_wait3A_95 : memref<80x128xf32, #tpu.memory_space<hbm>>) dst(%arg9 : memref<80x128xf32, #tpu.memory_space<vmem>>)
      "tpu.region"() ({
        %run_scoped3A = tpu.sem_alloc : memref<!tpu.dma_semaphore, #tpu.memory_space<semaphore_mem>>
        %dma_start3A_96 = arith.constant 0 : i32
        %dma_start3A_97 = arith.constant 0 : i32
        %dma_start3A_98 = tpu.memref_slice %arg11[%dma_start3A_96, %dma_start3A_97] : memref<10000x128xf32, #tpu.memory_space<vmem_shared>> -> memref<10000x128xf32, #tpu.memory_space<vmem_shared>>
        tpu.enqueue_indirect_dma source(%arg9 : memref<80x128xf32, #tpu.memory_space<vmem>>) target(%dma_start3A_98 : memref<10000x128xf32, #tpu.memory_space<vmem_shared>>) offsets(%arg7 : memref<80xi32, #tpu.memory_space<vmem>>) semaphore(%run_scoped3A : memref<!tpu.dma_semaphore, #tpu.memory_space<semaphore_mem>>) {add = true}
        %dma_wait3A_99 = arith.constant 0 : i32
        %dma_wait3A_100 = arith.constant 0 : i32
        %dma_wait3A_101 = tpu.memref_slice %arg11[%dma_wait3A_99, %dma_wait3A_100] : memref<10000x128xf32, #tpu.memory_space<vmem_shared>> -> memref<10000x128xf32, #tpu.memory_space<vmem_shared>>
        tpu.wait_indirect_dma semaphore(%run_scoped3A : memref<!tpu.dma_semaphore, #tpu.memory_space<semaphore_mem>>) src(%arg9 : memref<80x128xf32, #tpu.memory_space<vmem>>) dst(%dma_wait3A_101 : memref<10000x128xf32, #tpu.memory_space<vmem_shared>>)
        tpu.yield
      }) : () -> ()
    } else {
    }
    %barrier3A_18 = arith.constant 0 : index
    tpu.barrier barrier_id(%barrier3A_18)
    %mul3A_19 = arith.constant 624 : i32
    %mul3A_20 = arith.muli %arg1, %mul3A_19 : i32
    %mul3A_21 = arith.constant 624 : i32
    %mul3A_22 = arith.muli %arg1, %mul3A_21 : i32
    "tpu.region"() ({
      %run_scoped3A = tpu.sem_alloc : memref<!tpu.dma_semaphore, #tpu.memory_space<semaphore_mem>>
      %dma_start3A = tpu.memref_slice %arg6[%mul3A_22, %mul3A_3] : memref<10000x512xf32, #tpu.memory_space<hbm>> -> memref<624x128xf32, #tpu.memory_space<hbm>>
      %dma_start3A_66 = arith.constant 0 : i32
      %dma_start3A_67 = tpu.memref_slice %arg11[%mul3A_20, %dma_start3A_66] : memref<10000x128xf32, #tpu.memory_space<vmem_shared>> -> memref<624x128xf32, #tpu.memory_space<vmem_shared>>
      tpu.enqueue_dma source(%dma_start3A_67 : memref<624x128xf32, #tpu.memory_space<vmem_shared>>) target(%dma_start3A : memref<624x128xf32, #tpu.memory_space<hbm>>) target_semaphore(%run_scoped3A : memref<!tpu.dma_semaphore, #tpu.memory_space<semaphore_mem>>)
      %dma_wait3A = tpu.memref_slice %arg6[%mul3A_22, %mul3A_3] : memref<10000x512xf32, #tpu.memory_space<hbm>> -> memref<624x128xf32, #tpu.memory_space<hbm>>
      %dma_wait3A_68 = arith.constant 0 : i32
      %dma_wait3A_69 = tpu.memref_slice %arg11[%mul3A_20, %dma_wait3A_68] : memref<10000x128xf32, #tpu.memory_space<vmem_shared>> -> memref<624x128xf32, #tpu.memory_space<vmem_shared>>
      tpu.wait_dma2 semaphore(%run_scoped3A : memref<!tpu.dma_semaphore, #tpu.memory_space<semaphore_mem>>) src(%dma_wait3A_69 : memref<624x128xf32, #tpu.memory_space<vmem_shared>>) dst(%dma_wait3A : memref<624x128xf32, #tpu.memory_space<hbm>>)
      tpu.yield
    }) : () -> ()
    %eq3A_23 = arith.constant 15 : i32
    %eq3A_24 = arith.cmpi eq, %arg1, %eq3A_23 : i32
    %convert_element_type3A_25 = arith.extui %eq3A_24 : i1 to i32
    %cond3A_26 = arith.constant 0 : i32
    %cond3A_27 = arith.cmpi ne, %convert_element_type3A_25, %cond3A_26 : i32
    scf.if %cond3A_27 {
      "tpu.region"() ({
        %run_scoped3A = tpu.sem_alloc : memref<!tpu.dma_semaphore, #tpu.memory_space<semaphore_mem>>
        %dma_start3A = arith.constant 9984 : i32
        %dma_start3A_66 = tpu.memref_slice %arg6[%dma_start3A, %mul3A_3] : memref<10000x512xf32, #tpu.memory_space<hbm>> -> memref<16x128xf32, #tpu.memory_space<hbm>>
        %dma_start3A_67 = arith.constant 9984 : i32
        %dma_start3A_68 = arith.constant 0 : i32
        %dma_start3A_69 = tpu.memref_slice %arg11[%dma_start3A_67, %dma_start3A_68] : memref<10000x128xf32, #tpu.memory_space<vmem_shared>> -> memref<16x128xf32, #tpu.memory_space<vmem_shared>>
        tpu.enqueue_dma source(%dma_start3A_69 : memref<16x128xf32, #tpu.memory_space<vmem_shared>>) target(%dma_start3A_66 : memref<16x128xf32, #tpu.memory_space<hbm>>) target_semaphore(%run_scoped3A : memref<!tpu.dma_semaphore, #tpu.memory_space<semaphore_mem>>)
        %dma_wait3A = arith.constant 9984 : i32
        %dma_wait3A_70 = tpu.memref_slice %arg6[%dma_wait3A, %mul3A_3] : memref<10000x512xf32, #tpu.memory_space<hbm>> -> memref<16x128xf32, #tpu.memory_space<hbm>>
        %dma_wait3A_71 = arith.constant 9984 : i32
        %dma_wait3A_72 = arith.constant 0 : i32
        %dma_wait3A_73 = tpu.memref_slice %arg11[%dma_wait3A_71, %dma_wait3A_72] : memref<10000x128xf32, #tpu.memory_space<vmem_shared>> -> memref<16x128xf32, #tpu.memory_space<vmem_shared>>
        tpu.wait_dma2 semaphore(%run_scoped3A : memref<!tpu.dma_semaphore, #tpu.memory_space<semaphore_mem>>) src(%dma_wait3A_73 : memref<16x128xf32, #tpu.memory_space<vmem_shared>>) dst(%dma_wait3A_70 : memref<16x128xf32, #tpu.memory_space<hbm>>)
        tpu.yield
      }) : () -> ()
    } else {
    }
    %barrier3A_28 = arith.constant 0 : index
    tpu.barrier barrier_id(%barrier3A_28)
    %mul3A_29 = arith.constant 2 : i32
    %mul3A_30 = arith.muli %arg0, %mul3A_29 : i32
    %add3A_31 = arith.constant 1 : i32
    %add3A_32 = arith.addi %mul3A_30, %add3A_31 : i32
    %mul3A_33 = arith.constant 128 : i32
    %mul3A_34 = arith.muli %add3A_32, %mul3A_33 : i32
    %mul3A_35 = arith.constant 624 : i32
    %mul3A_36 = arith.muli %arg1, %mul3A_35 : i32
    %mul3A_37 = arith.constant 624 : i32
    %mul3A_38 = arith.muli %arg1, %mul3A_37 : i32
    "tpu.region"() ({
      %run_scoped3A = tpu.sem_alloc : memref<!tpu.dma_semaphore, #tpu.memory_space<semaphore_mem>>
      %dma_start3A = arith.constant 0 : i32
      %dma_start3A_66 = tpu.memref_slice %arg11[%mul3A_38, %dma_start3A] : memref<10000x128xf32, #tpu.memory_space<vmem_shared>> -> memref<624x128xf32, #tpu.memory_space<vmem_shared>>
      %dma_start3A_67 = arith.constant 0 : i32
      %dma_start3A_68 = tpu.memref_slice %arg5[%mul3A_36, %dma_start3A_67] : memref<10000x128xf32, #tpu.memory_space<hbm>> -> memref<624x128xf32, #tpu.memory_space<hbm>>
      tpu.enqueue_dma source(%dma_start3A_68 : memref<624x128xf32, #tpu.memory_space<hbm>>) target(%dma_start3A_66 : memref<624x128xf32, #tpu.memory_space<vmem_shared>>) target_semaphore(%run_scoped3A : memref<!tpu.dma_semaphore, #tpu.memory_space<semaphore_mem>>)
      %dma_wait3A = arith.constant 0 : i32
      %dma_wait3A_69 = tpu.memref_slice %arg11[%mul3A_38, %dma_wait3A] : memref<10000x128xf32, #tpu.memory_space<vmem_shared>> -> memref<624x128xf32, #tpu.memory_space<vmem_shared>>
      %dma_wait3A_70 = arith.constant 0 : i32
      %dma_wait3A_71 = tpu.memref_slice %arg5[%mul3A_36, %dma_wait3A_70] : memref<10000x128xf32, #tpu.memory_space<hbm>> -> memref<624x128xf32, #tpu.memory_space<hbm>>
      tpu.wait_dma2 semaphore(%run_scoped3A : memref<!tpu.dma_semaphore, #tpu.memory_space<semaphore_mem>>) src(%dma_wait3A_71 : memref<624x128xf32, #tpu.memory_space<hbm>>) dst(%dma_wait3A_69 : memref<624x128xf32, #tpu.memory_space<vmem_shared>>)
      tpu.yield
    }) : () -> ()
    %eq3A_39 = arith.constant 15 : i32
    %eq3A_40 = arith.cmpi eq, %arg1, %eq3A_39 : i32
    %convert_element_type3A_41 = arith.extui %eq3A_40 : i1 to i32
    %cond3A_42 = arith.constant 0 : i32
    %cond3A_43 = arith.cmpi ne, %convert_element_type3A_41, %cond3A_42 : i32
    scf.if %cond3A_43 {
      "tpu.region"() ({
        %run_scoped3A = tpu.sem_alloc : memref<!tpu.dma_semaphore, #tpu.memory_space<semaphore_mem>>
        %dma_start3A = arith.constant 9984 : i32
        %dma_start3A_66 = arith.constant 0 : i32
        %dma_start3A_67 = tpu.memref_slice %arg11[%dma_start3A, %dma_start3A_66] : memref<10000x128xf32, #tpu.memory_space<vmem_shared>> -> memref<16x128xf32, #tpu.memory_space<vmem_shared>>
        %dma_start3A_68 = arith.constant 9984 : i32
        %dma_start3A_69 = arith.constant 0 : i32
        %dma_start3A_70 = tpu.memref_slice %arg5[%dma_start3A_68, %dma_start3A_69] : memref<10000x128xf32, #tpu.memory_space<hbm>> -> memref<16x128xf32, #tpu.memory_space<hbm>>
        tpu.enqueue_dma source(%dma_start3A_70 : memref<16x128xf32, #tpu.memory_space<hbm>>) target(%dma_start3A_67 : memref<16x128xf32, #tpu.memory_space<vmem_shared>>) target_semaphore(%run_scoped3A : memref<!tpu.dma_semaphore, #tpu.memory_space<semaphore_mem>>)
        %dma_wait3A = arith.constant 9984 : i32
        %dma_wait3A_71 = arith.constant 0 : i32
        %dma_wait3A_72 = tpu.memref_slice %arg11[%dma_wait3A, %dma_wait3A_71] : memref<10000x128xf32, #tpu.memory_space<vmem_shared>> -> memref<16x128xf32, #tpu.memory_space<vmem_shared>>
        %dma_wait3A_73 = arith.constant 9984 : i32
        %dma_wait3A_74 = arith.constant 0 : i32
        %dma_wait3A_75 = tpu.memref_slice %arg5[%dma_wait3A_73, %dma_wait3A_74] : memref<10000x128xf32, #tpu.memory_space<hbm>> -> memref<16x128xf32, #tpu.memory_space<hbm>>
        tpu.wait_dma2 semaphore(%run_scoped3A : memref<!tpu.dma_semaphore, #tpu.memory_space<semaphore_mem>>) src(%dma_wait3A_75 : memref<16x128xf32, #tpu.memory_space<hbm>>) dst(%dma_wait3A_72 : memref<16x128xf32, #tpu.memory_space<vmem_shared>>)
        tpu.yield
      }) : () -> ()
    } else {
    }
    %barrier3A_44 = arith.constant 0 : index
    tpu.barrier barrier_id(%barrier3A_44)
    %lt3A_45 = arith.constant 8 : i32
    %lt3A_46 = arith.cmpi slt, %arg1, %lt3A_45 : i32
    %convert_element_type3A_47 = arith.extui %lt3A_46 : i1 to i32
    %cond3A_48 = arith.constant 0 : i32
    %cond3A_49 = arith.cmpi ne, %convert_element_type3A_47, %cond3A_48 : i32
    scf.if %cond3A_49 {
      %mul3A_66 = arith.constant 125 : i32
      %mul3A_67 = arith.muli %arg1, %mul3A_66 : i32
      %mul3A_68 = arith.constant 80 : i32
      %mul3A_69 = arith.muli %mul3A_67, %mul3A_68 : i32
      %mul3A_70 = arith.constant 125 : i32
      %mul3A_71 = arith.muli %arg1, %mul3A_70 : i32
      %mul3A_72 = arith.constant 80 : i32
      %mul3A_73 = arith.muli %mul3A_71, %mul3A_72 : i32
      %add3A_74 = arith.constant 0 : i32
      %add3A_75 = arith.addi %mul3A_73, %add3A_74 : i32
      %dma_start3A = tpu.memref_slice %arg4[%add3A_75] : memref<160000xi32, #tpu.memory_space<hbm>> -> memref<80xi32, #tpu.memory_space<hbm>>
      %dma_start3A_76 = tpu.memref_slice %arg4[%add3A_75] : memref<160000xi32, #tpu.memory_space<hbm>> -> memref<80xi32, #tpu.memory_space<hbm>>
      tpu.enqueue_dma source(%dma_start3A_76 : memref<80xi32, #tpu.memory_space<hbm>>) target(%arg7 : memref<80xi32, #tpu.memory_space<vmem>>) target_semaphore(%arg12 : memref<!tpu.dma_semaphore, #tpu.memory_space<semaphore_mem>>)
      %add3A_77 = arith.constant 0 : i32
      %add3A_78 = arith.addi %mul3A_69, %add3A_77 : i32
      %dma_start3A_79 = tpu.memref_slice %arg2[%add3A_78, %mul3A_34] : memref<80000x512xf32, #tpu.memory_space<hbm>> -> memref<80x128xf32, #tpu.memory_space<hbm>>
      %dma_start3A_80 = tpu.memref_slice %arg2[%add3A_78, %mul3A_34] : memref<80000x512xf32, #tpu.memory_space<hbm>> -> memref<80x128xf32, #tpu.memory_space<hbm>>
      tpu.enqueue_dma source(%dma_start3A_80 : memref<80x128xf32, #tpu.memory_space<hbm>>) target(%arg9 : memref<80x128xf32, #tpu.memory_space<vmem>>) target_semaphore(%arg14 : memref<!tpu.dma_semaphore, #tpu.memory_space<semaphore_mem>>)
      %scan3A = arith.constant 0 : i32
      %scan3A_81 = arith.constant 0 : i32
      %scan3A_82 = arith.constant 62 : i32
      %scan3A_83 = arith.addi %scan3A_81, %scan3A_82 : i32
      %scan3A_84 = arith.constant 1 : i32
      scf.for %scan3A_95 = %scan3A_81 to %scan3A_83 step %scan3A_84  : i32 {
        %mul3A_96 = arith.constant 2 : i32
        %mul3A_97 = arith.muli %mul3A_96, %scan3A_95 : i32
        %add3A_98 = arith.constant 1 : i32
        %add3A_99 = arith.addi %mul3A_97, %add3A_98 : i32
        %mul3A_100 = arith.constant 80 : i32
        %mul3A_101 = arith.muli %add3A_99, %mul3A_100 : i32
        %add3A_102 = arith.addi %mul3A_73, %mul3A_101 : i32
        %dma_start3A_103 = tpu.memref_slice %arg4[%add3A_102] : memref<160000xi32, #tpu.memory_space<hbm>> -> memref<80xi32, #tpu.memory_space<hbm>>
        %dma_start3A_104 = tpu.memref_slice %arg4[%add3A_102] : memref<160000xi32, #tpu.memory_space<hbm>> -> memref<80xi32, #tpu.memory_space<hbm>>
        tpu.enqueue_dma source(%dma_start3A_104 : memref<80xi32, #tpu.memory_space<hbm>>) target(%arg8 : memref<80xi32, #tpu.memory_space<vmem>>) target_semaphore(%arg13 : memref<!tpu.dma_semaphore, #tpu.memory_space<semaphore_mem>>)
        %add3A_105 = arith.addi %mul3A_69, %mul3A_101 : i32
        %dma_start3A_106 = tpu.memref_slice %arg2[%add3A_105, %mul3A_34] : memref<80000x512xf32, #tpu.memory_space<hbm>> -> memref<80x128xf32, #tpu.memory_space<hbm>>
        %dma_start3A_107 = tpu.memref_slice %arg2[%add3A_105, %mul3A_34] : memref<80000x512xf32, #tpu.memory_space<hbm>> -> memref<80x128xf32, #tpu.memory_space<hbm>>
        tpu.enqueue_dma source(%dma_start3A_107 : memref<80x128xf32, #tpu.memory_space<hbm>>) target(%arg10 : memref<80x128xf32, #tpu.memory_space<vmem>>) target_semaphore(%arg15 : memref<!tpu.dma_semaphore, #tpu.memory_space<semaphore_mem>>)
        %dma_wait3A_108 = arith.constant 0 : i32
        %dma_wait3A_109 = tpu.memref_slice %arg4[%dma_wait3A_108] : memref<160000xi32, #tpu.memory_space<hbm>> -> memref<80xi32, #tpu.memory_space<hbm>>
        %dma_wait3A_110 = arith.constant 0 : i32
        %dma_wait3A_111 = tpu.memref_slice %arg4[%dma_wait3A_110] : memref<160000xi32, #tpu.memory_space<hbm>> -> memref<80xi32, #tpu.memory_space<hbm>>
        tpu.wait_dma2 semaphore(%arg12 : memref<!tpu.dma_semaphore, #tpu.memory_space<semaphore_mem>>) src(%dma_wait3A_111 : memref<80xi32, #tpu.memory_space<hbm>>) dst(%arg7 : memref<80xi32, #tpu.memory_space<vmem>>)
        %dma_wait3A_112 = arith.constant 0 : i32
        %dma_wait3A_113 = arith.constant 0 : i32
        %dma_wait3A_114 = tpu.memref_slice %arg2[%dma_wait3A_112, %dma_wait3A_113] : memref<80000x512xf32, #tpu.memory_space<hbm>> -> memref<80x128xf32, #tpu.memory_space<hbm>>
        %dma_wait3A_115 = arith.constant 0 : i32
        %dma_wait3A_116 = arith.constant 0 : i32
        %dma_wait3A_117 = tpu.memref_slice %arg2[%dma_wait3A_115, %dma_wait3A_116] : memref<80000x512xf32, #tpu.memory_space<hbm>> -> memref<80x128xf32, #tpu.memory_space<hbm>>
        tpu.wait_dma2 semaphore(%arg14 : memref<!tpu.dma_semaphore, #tpu.memory_space<semaphore_mem>>) src(%dma_wait3A_117 : memref<80x128xf32, #tpu.memory_space<hbm>>) dst(%arg9 : memref<80x128xf32, #tpu.memory_space<vmem>>)
        "tpu.region"() ({
          %run_scoped3A = tpu.sem_alloc : memref<!tpu.dma_semaphore, #tpu.memory_space<semaphore_mem>>
          %dma_start3A_140 = arith.constant 0 : i32
          %dma_start3A_141 = arith.constant 0 : i32
          %dma_start3A_142 = tpu.memref_slice %arg11[%dma_start3A_140, %dma_start3A_141] : memref<10000x128xf32, #tpu.memory_space<vmem_shared>> -> memref<10000x128xf32, #tpu.memory_space<vmem_shared>>
          tpu.enqueue_indirect_dma source(%arg9 : memref<80x128xf32, #tpu.memory_space<vmem>>) target(%dma_start3A_142 : memref<10000x128xf32, #tpu.memory_space<vmem_shared>>) offsets(%arg7 : memref<80xi32, #tpu.memory_space<vmem>>) semaphore(%run_scoped3A : memref<!tpu.dma_semaphore, #tpu.memory_space<semaphore_mem>>) {add = true}
          %dma_wait3A_143 = arith.constant 0 : i32
          %dma_wait3A_144 = arith.constant 0 : i32
          %dma_wait3A_145 = tpu.memref_slice %arg11[%dma_wait3A_143, %dma_wait3A_144] : memref<10000x128xf32, #tpu.memory_space<vmem_shared>> -> memref<10000x128xf32, #tpu.memory_space<vmem_shared>>
          tpu.wait_indirect_dma semaphore(%run_scoped3A : memref<!tpu.dma_semaphore, #tpu.memory_space<semaphore_mem>>) src(%arg9 : memref<80x128xf32, #tpu.memory_space<vmem>>) dst(%dma_wait3A_145 : memref<10000x128xf32, #tpu.memory_space<vmem_shared>>)
          tpu.yield
        }) : () -> ()
        %mul3A_118 = arith.constant 2 : i32
        %mul3A_119 = arith.muli %mul3A_118, %scan3A_95 : i32
        %add3A_120 = arith.constant 2 : i32
        %add3A_121 = arith.addi %mul3A_119, %add3A_120 : i32
        %mul3A_122 = arith.constant 80 : i32
        %mul3A_123 = arith.muli %add3A_121, %mul3A_122 : i32
        %add3A_124 = arith.addi %mul3A_73, %mul3A_123 : i32
        %dma_start3A_125 = tpu.memref_slice %arg4[%add3A_124] : memref<160000xi32, #tpu.memory_space<hbm>> -> memref<80xi32, #tpu.memory_space<hbm>>
        %dma_start3A_126 = tpu.memref_slice %arg4[%add3A_124] : memref<160000xi32, #tpu.memory_space<hbm>> -> memref<80xi32, #tpu.memory_space<hbm>>
        tpu.enqueue_dma source(%dma_start3A_126 : memref<80xi32, #tpu.memory_space<hbm>>) target(%arg7 : memref<80xi32, #tpu.memory_space<vmem>>) target_semaphore(%arg12 : memref<!tpu.dma_semaphore, #tpu.memory_space<semaphore_mem>>)
        %add3A_127 = arith.addi %mul3A_69, %mul3A_123 : i32
        %dma_start3A_128 = tpu.memref_slice %arg2[%add3A_127, %mul3A_34] : memref<80000x512xf32, #tpu.memory_space<hbm>> -> memref<80x128xf32, #tpu.memory_space<hbm>>
        %dma_start3A_129 = tpu.memref_slice %arg2[%add3A_127, %mul3A_34] : memref<80000x512xf32, #tpu.memory_space<hbm>> -> memref<80x128xf32, #tpu.memory_space<hbm>>
        tpu.enqueue_dma source(%dma_start3A_129 : memref<80x128xf32, #tpu.memory_space<hbm>>) target(%arg9 : memref<80x128xf32, #tpu.memory_space<vmem>>) target_semaphore(%arg14 : memref<!tpu.dma_semaphore, #tpu.memory_space<semaphore_mem>>)
        %dma_wait3A_130 = arith.constant 0 : i32
        %dma_wait3A_131 = tpu.memref_slice %arg4[%dma_wait3A_130] : memref<160000xi32, #tpu.memory_space<hbm>> -> memref<80xi32, #tpu.memory_space<hbm>>
        %dma_wait3A_132 = arith.constant 0 : i32
        %dma_wait3A_133 = tpu.memref_slice %arg4[%dma_wait3A_132] : memref<160000xi32, #tpu.memory_space<hbm>> -> memref<80xi32, #tpu.memory_space<hbm>>
        tpu.wait_dma2 semaphore(%arg13 : memref<!tpu.dma_semaphore, #tpu.memory_space<semaphore_mem>>) src(%dma_wait3A_133 : memref<80xi32, #tpu.memory_space<hbm>>) dst(%arg8 : memref<80xi32, #tpu.memory_space<vmem>>)
        %dma_wait3A_134 = arith.constant 0 : i32
        %dma_wait3A_135 = arith.constant 0 : i32
        %dma_wait3A_136 = tpu.memref_slice %arg2[%dma_wait3A_134, %dma_wait3A_135] : memref<80000x512xf32, #tpu.memory_space<hbm>> -> memref<80x128xf32, #tpu.memory_space<hbm>>
        %dma_wait3A_137 = arith.constant 0 : i32
        %dma_wait3A_138 = arith.constant 0 : i32
        %dma_wait3A_139 = tpu.memref_slice %arg2[%dma_wait3A_137, %dma_wait3A_138] : memref<80000x512xf32, #tpu.memory_space<hbm>> -> memref<80x128xf32, #tpu.memory_space<hbm>>
        tpu.wait_dma2 semaphore(%arg15 : memref<!tpu.dma_semaphore, #tpu.memory_space<semaphore_mem>>) src(%dma_wait3A_139 : memref<80x128xf32, #tpu.memory_space<hbm>>) dst(%arg10 : memref<80x128xf32, #tpu.memory_space<vmem>>)
        "tpu.region"() ({
          %run_scoped3A = tpu.sem_alloc : memref<!tpu.dma_semaphore, #tpu.memory_space<semaphore_mem>>
          %dma_start3A_140 = arith.constant 0 : i32
          %dma_start3A_141 = arith.constant 0 : i32
          %dma_start3A_142 = tpu.memref_slice %arg11[%dma_start3A_140, %dma_start3A_141] : memref<10000x128xf32, #tpu.memory_space<vmem_shared>> -> memref<10000x128xf32, #tpu.memory_space<vmem_shared>>
          tpu.enqueue_indirect_dma source(%arg10 : memref<80x128xf32, #tpu.memory_space<vmem>>) target(%dma_start3A_142 : memref<10000x128xf32, #tpu.memory_space<vmem_shared>>) offsets(%arg8 : memref<80xi32, #tpu.memory_space<vmem>>) semaphore(%run_scoped3A : memref<!tpu.dma_semaphore, #tpu.memory_space<semaphore_mem>>) {add = true}
          %dma_wait3A_143 = arith.constant 0 : i32
          %dma_wait3A_144 = arith.constant 0 : i32
          %dma_wait3A_145 = tpu.memref_slice %arg11[%dma_wait3A_143, %dma_wait3A_144] : memref<10000x128xf32, #tpu.memory_space<vmem_shared>> -> memref<10000x128xf32, #tpu.memory_space<vmem_shared>>
          tpu.wait_indirect_dma semaphore(%run_scoped3A : memref<!tpu.dma_semaphore, #tpu.memory_space<semaphore_mem>>) src(%arg10 : memref<80x128xf32, #tpu.memory_space<vmem>>) dst(%dma_wait3A_145 : memref<10000x128xf32, #tpu.memory_space<vmem_shared>>)
          tpu.yield
        }) : () -> ()
      }
      %scan3A_85 = arith.constant 62 : i32
      %dma_wait3A = arith.constant 0 : i32
      %dma_wait3A_86 = tpu.memref_slice %arg4[%dma_wait3A] : memref<160000xi32, #tpu.memory_space<hbm>> -> memref<80xi32, #tpu.memory_space<hbm>>
      %dma_wait3A_87 = arith.constant 0 : i32
      %dma_wait3A_88 = tpu.memref_slice %arg4[%dma_wait3A_87] : memref<160000xi32, #tpu.memory_space<hbm>> -> memref<80xi32, #tpu.memory_space<hbm>>
      tpu.wait_dma2 semaphore(%arg12 : memref<!tpu.dma_semaphore, #tpu.memory_space<semaphore_mem>>) src(%dma_wait3A_88 : memref<80xi32, #tpu.memory_space<hbm>>) dst(%arg7 : memref<80xi32, #tpu.memory_space<vmem>>)
      %dma_wait3A_89 = arith.constant 0 : i32
      %dma_wait3A_90 = arith.constant 0 : i32
      %dma_wait3A_91 = tpu.memref_slice %arg2[%dma_wait3A_89, %dma_wait3A_90] : memref<80000x512xf32, #tpu.memory_space<hbm>> -> memref<80x128xf32, #tpu.memory_space<hbm>>
      %dma_wait3A_92 = arith.constant 0 : i32
      %dma_wait3A_93 = arith.constant 0 : i32
      %dma_wait3A_94 = tpu.memref_slice %arg2[%dma_wait3A_92, %dma_wait3A_93] : memref<80000x512xf32, #tpu.memory_space<hbm>> -> memref<80x128xf32, #tpu.memory_space<hbm>>
      tpu.wait_dma2 semaphore(%arg14 : memref<!tpu.dma_semaphore, #tpu.memory_space<semaphore_mem>>) src(%dma_wait3A_94 : memref<80x128xf32, #tpu.memory_space<hbm>>) dst(%arg9 : memref<80x128xf32, #tpu.memory_space<vmem>>)
      "tpu.region"() ({
        %run_scoped3A = tpu.sem_alloc : memref<!tpu.dma_semaphore, #tpu.memory_space<semaphore_mem>>
        %dma_start3A_95 = arith.constant 0 : i32
        %dma_start3A_96 = arith.constant 0 : i32
        %dma_start3A_97 = tpu.memref_slice %arg11[%dma_start3A_95, %dma_start3A_96] : memref<10000x128xf32, #tpu.memory_space<vmem_shared>> -> memref<10000x128xf32, #tpu.memory_space<vmem_shared>>
        tpu.enqueue_indirect_dma source(%arg9 : memref<80x128xf32, #tpu.memory_space<vmem>>) target(%dma_start3A_97 : memref<10000x128xf32, #tpu.memory_space<vmem_shared>>) offsets(%arg7 : memref<80xi32, #tpu.memory_space<vmem>>) semaphore(%run_scoped3A : memref<!tpu.dma_semaphore, #tpu.memory_space<semaphore_mem>>) {add = true}
        %dma_wait3A_98 = arith.constant 0 : i32
        %dma_wait3A_99 = arith.constant 0 : i32
        %dma_wait3A_100 = tpu.memref_slice %arg11[%dma_wait3A_98, %dma_wait3A_99] : memref<10000x128xf32, #tpu.memory_space<vmem_shared>> -> memref<10000x128xf32, #tpu.memory_space<vmem_shared>>
        tpu.wait_indirect_dma semaphore(%run_scoped3A : memref<!tpu.dma_semaphore, #tpu.memory_space<semaphore_mem>>) src(%arg9 : memref<80x128xf32, #tpu.memory_space<vmem>>) dst(%dma_wait3A_100 : memref<10000x128xf32, #tpu.memory_space<vmem_shared>>)
        tpu.yield
      }) : () -> ()
    } else {
    }
    %ge3A_50 = arith.constant 8 : i32
    %ge3A_51 = arith.cmpi sge, %arg1, %ge3A_50 : i32
    %convert_element_type3A_52 = arith.extui %ge3A_51 : i1 to i32
    %cond3A_53 = arith.constant 0 : i32
    %cond3A_54 = arith.cmpi ne, %convert_element_type3A_52, %cond3A_53 : i32
    scf.if %cond3A_54 {
      %sub3A = arith.constant 8 : i32
      %sub3A_66 = arith.subi %arg1, %sub3A : i32
      %mul3A_67 = arith.constant 125 : i32
      %mul3A_68 = arith.muli %sub3A_66, %mul3A_67 : i32
      %mul3A_69 = arith.constant 80 : i32
      %mul3A_70 = arith.muli %mul3A_68, %mul3A_69 : i32
      %mul3A_71 = arith.constant 125 : i32
      %mul3A_72 = arith.muli %arg1, %mul3A_71 : i32
      %mul3A_73 = arith.constant 80 : i32
      %mul3A_74 = arith.muli %mul3A_72, %mul3A_73 : i32
      %add3A_75 = arith.constant 0 : i32
      %add3A_76 = arith.addi %mul3A_74, %add3A_75 : i32
      %dma_start3A = tpu.memref_slice %arg4[%add3A_76] : memref<160000xi32, #tpu.memory_space<hbm>> -> memref<80xi32, #tpu.memory_space<hbm>>
      %dma_start3A_77 = tpu.memref_slice %arg4[%add3A_76] : memref<160000xi32, #tpu.memory_space<hbm>> -> memref<80xi32, #tpu.memory_space<hbm>>
      tpu.enqueue_dma source(%dma_start3A_77 : memref<80xi32, #tpu.memory_space<hbm>>) target(%arg7 : memref<80xi32, #tpu.memory_space<vmem>>) target_semaphore(%arg12 : memref<!tpu.dma_semaphore, #tpu.memory_space<semaphore_mem>>)
      %add3A_78 = arith.constant 0 : i32
      %add3A_79 = arith.addi %mul3A_70, %add3A_78 : i32
      %dma_start3A_80 = tpu.memref_slice %arg3[%add3A_79, %mul3A_34] : memref<80000x512xf32, #tpu.memory_space<hbm>> -> memref<80x128xf32, #tpu.memory_space<hbm>>
      %dma_start3A_81 = tpu.memref_slice %arg3[%add3A_79, %mul3A_34] : memref<80000x512xf32, #tpu.memory_space<hbm>> -> memref<80x128xf32, #tpu.memory_space<hbm>>
      tpu.enqueue_dma source(%dma_start3A_81 : memref<80x128xf32, #tpu.memory_space<hbm>>) target(%arg9 : memref<80x128xf32, #tpu.memory_space<vmem>>) target_semaphore(%arg14 : memref<!tpu.dma_semaphore, #tpu.memory_space<semaphore_mem>>)
      %scan3A = arith.constant 0 : i32
      %scan3A_82 = arith.constant 0 : i32
      %scan3A_83 = arith.constant 62 : i32
      %scan3A_84 = arith.addi %scan3A_82, %scan3A_83 : i32
      %scan3A_85 = arith.constant 1 : i32
      scf.for %scan3A_96 = %scan3A_82 to %scan3A_84 step %scan3A_85  : i32 {
        %mul3A_97 = arith.constant 2 : i32
        %mul3A_98 = arith.muli %mul3A_97, %scan3A_96 : i32
        %add3A_99 = arith.constant 1 : i32
        %add3A_100 = arith.addi %mul3A_98, %add3A_99 : i32
        %mul3A_101 = arith.constant 80 : i32
        %mul3A_102 = arith.muli %add3A_100, %mul3A_101 : i32
        %add3A_103 = arith.addi %mul3A_74, %mul3A_102 : i32
        %dma_start3A_104 = tpu.memref_slice %arg4[%add3A_103] : memref<160000xi32, #tpu.memory_space<hbm>> -> memref<80xi32, #tpu.memory_space<hbm>>
        %dma_start3A_105 = tpu.memref_slice %arg4[%add3A_103] : memref<160000xi32, #tpu.memory_space<hbm>> -> memref<80xi32, #tpu.memory_space<hbm>>
        tpu.enqueue_dma source(%dma_start3A_105 : memref<80xi32, #tpu.memory_space<hbm>>) target(%arg8 : memref<80xi32, #tpu.memory_space<vmem>>) target_semaphore(%arg13 : memref<!tpu.dma_semaphore, #tpu.memory_space<semaphore_mem>>)
        %add3A_106 = arith.addi %mul3A_70, %mul3A_102 : i32
        %dma_start3A_107 = tpu.memref_slice %arg3[%add3A_106, %mul3A_34] : memref<80000x512xf32, #tpu.memory_space<hbm>> -> memref<80x128xf32, #tpu.memory_space<hbm>>
        %dma_start3A_108 = tpu.memref_slice %arg3[%add3A_106, %mul3A_34] : memref<80000x512xf32, #tpu.memory_space<hbm>> -> memref<80x128xf32, #tpu.memory_space<hbm>>
        tpu.enqueue_dma source(%dma_start3A_108 : memref<80x128xf32, #tpu.memory_space<hbm>>) target(%arg10 : memref<80x128xf32, #tpu.memory_space<vmem>>) target_semaphore(%arg15 : memref<!tpu.dma_semaphore, #tpu.memory_space<semaphore_mem>>)
        %dma_wait3A_109 = arith.constant 0 : i32
        %dma_wait3A_110 = tpu.memref_slice %arg4[%dma_wait3A_109] : memref<160000xi32, #tpu.memory_space<hbm>> -> memref<80xi32, #tpu.memory_space<hbm>>
        %dma_wait3A_111 = arith.constant 0 : i32
        %dma_wait3A_112 = tpu.memref_slice %arg4[%dma_wait3A_111] : memref<160000xi32, #tpu.memory_space<hbm>> -> memref<80xi32, #tpu.memory_space<hbm>>
        tpu.wait_dma2 semaphore(%arg12 : memref<!tpu.dma_semaphore, #tpu.memory_space<semaphore_mem>>) src(%dma_wait3A_112 : memref<80xi32, #tpu.memory_space<hbm>>) dst(%arg7 : memref<80xi32, #tpu.memory_space<vmem>>)
        %dma_wait3A_113 = arith.constant 0 : i32
        %dma_wait3A_114 = arith.constant 0 : i32
        %dma_wait3A_115 = tpu.memref_slice %arg3[%dma_wait3A_113, %dma_wait3A_114] : memref<80000x512xf32, #tpu.memory_space<hbm>> -> memref<80x128xf32, #tpu.memory_space<hbm>>
        %dma_wait3A_116 = arith.constant 0 : i32
        %dma_wait3A_117 = arith.constant 0 : i32
        %dma_wait3A_118 = tpu.memref_slice %arg3[%dma_wait3A_116, %dma_wait3A_117] : memref<80000x512xf32, #tpu.memory_space<hbm>> -> memref<80x128xf32, #tpu.memory_space<hbm>>
        tpu.wait_dma2 semaphore(%arg14 : memref<!tpu.dma_semaphore, #tpu.memory_space<semaphore_mem>>) src(%dma_wait3A_118 : memref<80x128xf32, #tpu.memory_space<hbm>>) dst(%arg9 : memref<80x128xf32, #tpu.memory_space<vmem>>)
        "tpu.region"() ({
          %run_scoped3A = tpu.sem_alloc : memref<!tpu.dma_semaphore, #tpu.memory_space<semaphore_mem>>
          %dma_start3A_141 = arith.constant 0 : i32
          %dma_start3A_142 = arith.constant 0 : i32
          %dma_start3A_143 = tpu.memref_slice %arg11[%dma_start3A_141, %dma_start3A_142] : memref<10000x128xf32, #tpu.memory_space<vmem_shared>> -> memref<10000x128xf32, #tpu.memory_space<vmem_shared>>
          tpu.enqueue_indirect_dma source(%arg9 : memref<80x128xf32, #tpu.memory_space<vmem>>) target(%dma_start3A_143 : memref<10000x128xf32, #tpu.memory_space<vmem_shared>>) offsets(%arg7 : memref<80xi32, #tpu.memory_space<vmem>>) semaphore(%run_scoped3A : memref<!tpu.dma_semaphore, #tpu.memory_space<semaphore_mem>>) {add = true}
          %dma_wait3A_144 = arith.constant 0 : i32
          %dma_wait3A_145 = arith.constant 0 : i32
          %dma_wait3A_146 = tpu.memref_slice %arg11[%dma_wait3A_144, %dma_wait3A_145] : memref<10000x128xf32, #tpu.memory_space<vmem_shared>> -> memref<10000x128xf32, #tpu.memory_space<vmem_shared>>
          tpu.wait_indirect_dma semaphore(%run_scoped3A : memref<!tpu.dma_semaphore, #tpu.memory_space<semaphore_mem>>) src(%arg9 : memref<80x128xf32, #tpu.memory_space<vmem>>) dst(%dma_wait3A_146 : memref<10000x128xf32, #tpu.memory_space<vmem_shared>>)
          tpu.yield
        }) : () -> ()
        %mul3A_119 = arith.constant 2 : i32
        %mul3A_120 = arith.muli %mul3A_119, %scan3A_96 : i32
        %add3A_121 = arith.constant 2 : i32
        %add3A_122 = arith.addi %mul3A_120, %add3A_121 : i32
        %mul3A_123 = arith.constant 80 : i32
        %mul3A_124 = arith.muli %add3A_122, %mul3A_123 : i32
        %add3A_125 = arith.addi %mul3A_74, %mul3A_124 : i32
        %dma_start3A_126 = tpu.memref_slice %arg4[%add3A_125] : memref<160000xi32, #tpu.memory_space<hbm>> -> memref<80xi32, #tpu.memory_space<hbm>>
        %dma_start3A_127 = tpu.memref_slice %arg4[%add3A_125] : memref<160000xi32, #tpu.memory_space<hbm>> -> memref<80xi32, #tpu.memory_space<hbm>>
        tpu.enqueue_dma source(%dma_start3A_127 : memref<80xi32, #tpu.memory_space<hbm>>) target(%arg7 : memref<80xi32, #tpu.memory_space<vmem>>) target_semaphore(%arg12 : memref<!tpu.dma_semaphore, #tpu.memory_space<semaphore_mem>>)
        %add3A_128 = arith.addi %mul3A_70, %mul3A_124 : i32
        %dma_start3A_129 = tpu.memref_slice %arg3[%add3A_128, %mul3A_34] : memref<80000x512xf32, #tpu.memory_space<hbm>> -> memref<80x128xf32, #tpu.memory_space<hbm>>
        %dma_start3A_130 = tpu.memref_slice %arg3[%add3A_128, %mul3A_34] : memref<80000x512xf32, #tpu.memory_space<hbm>> -> memref<80x128xf32, #tpu.memory_space<hbm>>
        tpu.enqueue_dma source(%dma_start3A_130 : memref<80x128xf32, #tpu.memory_space<hbm>>) target(%arg9 : memref<80x128xf32, #tpu.memory_space<vmem>>) target_semaphore(%arg14 : memref<!tpu.dma_semaphore, #tpu.memory_space<semaphore_mem>>)
        %dma_wait3A_131 = arith.constant 0 : i32
        %dma_wait3A_132 = tpu.memref_slice %arg4[%dma_wait3A_131] : memref<160000xi32, #tpu.memory_space<hbm>> -> memref<80xi32, #tpu.memory_space<hbm>>
        %dma_wait3A_133 = arith.constant 0 : i32
        %dma_wait3A_134 = tpu.memref_slice %arg4[%dma_wait3A_133] : memref<160000xi32, #tpu.memory_space<hbm>> -> memref<80xi32, #tpu.memory_space<hbm>>
        tpu.wait_dma2 semaphore(%arg13 : memref<!tpu.dma_semaphore, #tpu.memory_space<semaphore_mem>>) src(%dma_wait3A_134 : memref<80xi32, #tpu.memory_space<hbm>>) dst(%arg8 : memref<80xi32, #tpu.memory_space<vmem>>)
        %dma_wait3A_135 = arith.constant 0 : i32
        %dma_wait3A_136 = arith.constant 0 : i32
        %dma_wait3A_137 = tpu.memref_slice %arg3[%dma_wait3A_135, %dma_wait3A_136] : memref<80000x512xf32, #tpu.memory_space<hbm>> -> memref<80x128xf32, #tpu.memory_space<hbm>>
        %dma_wait3A_138 = arith.constant 0 : i32
        %dma_wait3A_139 = arith.constant 0 : i32
        %dma_wait3A_140 = tpu.memref_slice %arg3[%dma_wait3A_138, %dma_wait3A_139] : memref<80000x512xf32, #tpu.memory_space<hbm>> -> memref<80x128xf32, #tpu.memory_space<hbm>>
        tpu.wait_dma2 semaphore(%arg15 : memref<!tpu.dma_semaphore, #tpu.memory_space<semaphore_mem>>) src(%dma_wait3A_140 : memref<80x128xf32, #tpu.memory_space<hbm>>) dst(%arg10 : memref<80x128xf32, #tpu.memory_space<vmem>>)
        "tpu.region"() ({
          %run_scoped3A = tpu.sem_alloc : memref<!tpu.dma_semaphore, #tpu.memory_space<semaphore_mem>>
          %dma_start3A_141 = arith.constant 0 : i32
          %dma_start3A_142 = arith.constant 0 : i32
          %dma_start3A_143 = tpu.memref_slice %arg11[%dma_start3A_141, %dma_start3A_142] : memref<10000x128xf32, #tpu.memory_space<vmem_shared>> -> memref<10000x128xf32, #tpu.memory_space<vmem_shared>>
          tpu.enqueue_indirect_dma source(%arg10 : memref<80x128xf32, #tpu.memory_space<vmem>>) target(%dma_start3A_143 : memref<10000x128xf32, #tpu.memory_space<vmem_shared>>) offsets(%arg8 : memref<80xi32, #tpu.memory_space<vmem>>) semaphore(%run_scoped3A : memref<!tpu.dma_semaphore, #tpu.memory_space<semaphore_mem>>) {add = true}
          %dma_wait3A_144 = arith.constant 0 : i32
          %dma_wait3A_145 = arith.constant 0 : i32
          %dma_wait3A_146 = tpu.memref_slice %arg11[%dma_wait3A_144, %dma_wait3A_145] : memref<10000x128xf32, #tpu.memory_space<vmem_shared>> -> memref<10000x128xf32, #tpu.memory_space<vmem_shared>>
          tpu.wait_indirect_dma semaphore(%run_scoped3A : memref<!tpu.dma_semaphore, #tpu.memory_space<semaphore_mem>>) src(%arg10 : memref<80x128xf32, #tpu.memory_space<vmem>>) dst(%dma_wait3A_146 : memref<10000x128xf32, #tpu.memory_space<vmem_shared>>)
          tpu.yield
        }) : () -> ()
      }
      %scan3A_86 = arith.constant 62 : i32
      %dma_wait3A = arith.constant 0 : i32
      %dma_wait3A_87 = tpu.memref_slice %arg4[%dma_wait3A] : memref<160000xi32, #tpu.memory_space<hbm>> -> memref<80xi32, #tpu.memory_space<hbm>>
      %dma_wait3A_88 = arith.constant 0 : i32
      %dma_wait3A_89 = tpu.memref_slice %arg4[%dma_wait3A_88] : memref<160000xi32, #tpu.memory_space<hbm>> -> memref<80xi32, #tpu.memory_space<hbm>>
      tpu.wait_dma2 semaphore(%arg12 : memref<!tpu.dma_semaphore, #tpu.memory_space<semaphore_mem>>) src(%dma_wait3A_89 : memref<80xi32, #tpu.memory_space<hbm>>) dst(%arg7 : memref<80xi32, #tpu.memory_space<vmem>>)
      %dma_wait3A_90 = arith.constant 0 : i32
      %dma_wait3A_91 = arith.constant 0 : i32
      %dma_wait3A_92 = tpu.memref_slice %arg3[%dma_wait3A_90, %dma_wait3A_91] : memref<80000x512xf32, #tpu.memory_space<hbm>> -> memref<80x128xf32, #tpu.memory_space<hbm>>
      %dma_wait3A_93 = arith.constant 0 : i32
      %dma_wait3A_94 = arith.constant 0 : i32
      %dma_wait3A_95 = tpu.memref_slice %arg3[%dma_wait3A_93, %dma_wait3A_94] : memref<80000x512xf32, #tpu.memory_space<hbm>> -> memref<80x128xf32, #tpu.memory_space<hbm>>
      tpu.wait_dma2 semaphore(%arg14 : memref<!tpu.dma_semaphore, #tpu.memory_space<semaphore_mem>>) src(%dma_wait3A_95 : memref<80x128xf32, #tpu.memory_space<hbm>>) dst(%arg9 : memref<80x128xf32, #tpu.memory_space<vmem>>)
      "tpu.region"() ({
        %run_scoped3A = tpu.sem_alloc : memref<!tpu.dma_semaphore, #tpu.memory_space<semaphore_mem>>
        %dma_start3A_96 = arith.constant 0 : i32
        %dma_start3A_97 = arith.constant 0 : i32
        %dma_start3A_98 = tpu.memref_slice %arg11[%dma_start3A_96, %dma_start3A_97] : memref<10000x128xf32, #tpu.memory_space<vmem_shared>> -> memref<10000x128xf32, #tpu.memory_space<vmem_shared>>
        tpu.enqueue_indirect_dma source(%arg9 : memref<80x128xf32, #tpu.memory_space<vmem>>) target(%dma_start3A_98 : memref<10000x128xf32, #tpu.memory_space<vmem_shared>>) offsets(%arg7 : memref<80xi32, #tpu.memory_space<vmem>>) semaphore(%run_scoped3A : memref<!tpu.dma_semaphore, #tpu.memory_space<semaphore_mem>>) {add = true}
        %dma_wait3A_99 = arith.constant 0 : i32
        %dma_wait3A_100 = arith.constant 0 : i32
        %dma_wait3A_101 = tpu.memref_slice %arg11[%dma_wait3A_99, %dma_wait3A_100] : memref<10000x128xf32, #tpu.memory_space<vmem_shared>> -> memref<10000x128xf32, #tpu.memory_space<vmem_shared>>
        tpu.wait_indirect_dma semaphore(%run_scoped3A : memref<!tpu.dma_semaphore, #tpu.memory_space<semaphore_mem>>) src(%arg9 : memref<80x128xf32, #tpu.memory_space<vmem>>) dst(%dma_wait3A_101 : memref<10000x128xf32, #tpu.memory_space<vmem_shared>>)
        tpu.yield
      }) : () -> ()
    } else {
    }
    %barrier3A_55 = arith.constant 0 : index
    tpu.barrier barrier_id(%barrier3A_55)
    %mul3A_56 = arith.constant 624 : i32
    %mul3A_57 = arith.muli %arg1, %mul3A_56 : i32
    %mul3A_58 = arith.constant 624 : i32
    %mul3A_59 = arith.muli %arg1, %mul3A_58 : i32
    "tpu.region"() ({
      %run_scoped3A = tpu.sem_alloc : memref<!tpu.dma_semaphore, #tpu.memory_space<semaphore_mem>>
      %dma_start3A = tpu.memref_slice %arg6[%mul3A_59, %mul3A_34] : memref<10000x512xf32, #tpu.memory_space<hbm>> -> memref<624x128xf32, #tpu.memory_space<hbm>>
      %dma_start3A_66 = arith.constant 0 : i32
      %dma_start3A_67 = tpu.memref_slice %arg11[%mul3A_57, %dma_start3A_66] : memref<10000x128xf32, #tpu.memory_space<vmem_shared>> -> memref<624x128xf32, #tpu.memory_space<vmem_shared>>
      tpu.enqueue_dma source(%dma_start3A_67 : memref<624x128xf32, #tpu.memory_space<vmem_shared>>) target(%dma_start3A : memref<624x128xf32, #tpu.memory_space<hbm>>) target_semaphore(%run_scoped3A : memref<!tpu.dma_semaphore, #tpu.memory_space<semaphore_mem>>)
      %dma_wait3A = tpu.memref_slice %arg6[%mul3A_59, %mul3A_34] : memref<10000x512xf32, #tpu.memory_space<hbm>> -> memref<624x128xf32, #tpu.memory_space<hbm>>
      %dma_wait3A_68 = arith.constant 0 : i32
      %dma_wait3A_69 = tpu.memref_slice %arg11[%mul3A_57, %dma_wait3A_68] : memref<10000x128xf32, #tpu.memory_space<vmem_shared>> -> memref<624x128xf32, #tpu.memory_space<vmem_shared>>
      tpu.wait_dma2 semaphore(%run_scoped3A : memref<!tpu.dma_semaphore, #tpu.memory_space<semaphore_mem>>) src(%dma_wait3A_69 : memref<624x128xf32, #tpu.memory_space<vmem_shared>>) dst(%dma_wait3A : memref<624x128xf32, #tpu.memory_space<hbm>>)
      tpu.yield
    }) : () -> ()
    %eq3A_60 = arith.constant 15 : i32
    %eq3A_61 = arith.cmpi eq, %arg1, %eq3A_60 : i32
    %convert_element_type3A_62 = arith.extui %eq3A_61 : i1 to i32
    %cond3A_63 = arith.constant 0 : i32
    %cond3A_64 = arith.cmpi ne, %convert_element_type3A_62, %cond3A_63 : i32
    scf.if %cond3A_64 {
      "tpu.region"() ({
        %run_scoped3A = tpu.sem_alloc : memref<!tpu.dma_semaphore, #tpu.memory_space<semaphore_mem>>
        %dma_start3A = arith.constant 9984 : i32
        %dma_start3A_66 = tpu.memref_slice %arg6[%dma_start3A, %mul3A_34] : memref<10000x512xf32, #tpu.memory_space<hbm>> -> memref<16x128xf32, #tpu.memory_space<hbm>>
        %dma_start3A_67 = arith.constant 9984 : i32
        %dma_start3A_68 = arith.constant 0 : i32
        %dma_start3A_69 = tpu.memref_slice %arg11[%dma_start3A_67, %dma_start3A_68] : memref<10000x128xf32, #tpu.memory_space<vmem_shared>> -> memref<16x128xf32, #tpu.memory_space<vmem_shared>>
        tpu.enqueue_dma source(%dma_start3A_69 : memref<16x128xf32, #tpu.memory_space<vmem_shared>>) target(%dma_start3A_66 : memref<16x128xf32, #tpu.memory_space<hbm>>) target_semaphore(%run_scoped3A : memref<!tpu.dma_semaphore, #tpu.memory_space<semaphore_mem>>)
        %dma_wait3A = arith.constant 9984 : i32
        %dma_wait3A_70 = tpu.memref_slice %arg6[%dma_wait3A, %mul3A_34] : memref<10000x512xf32, #tpu.memory_space<hbm>> -> memref<16x128xf32, #tpu.memory_space<hbm>>
        %dma_wait3A_71 = arith.constant 9984 : i32
        %dma_wait3A_72 = arith.constant 0 : i32
        %dma_wait3A_73 = tpu.memref_slice %arg11[%dma_wait3A_71, %dma_wait3A_72] : memref<10000x128xf32, #tpu.memory_space<vmem_shared>> -> memref<16x128xf32, #tpu.memory_space<vmem_shared>>
        tpu.wait_dma2 semaphore(%run_scoped3A : memref<!tpu.dma_semaphore, #tpu.memory_space<semaphore_mem>>) src(%dma_wait3A_73 : memref<16x128xf32, #tpu.memory_space<vmem_shared>>) dst(%dma_wait3A_70 : memref<16x128xf32, #tpu.memory_space<hbm>>)
        tpu.yield
      }) : () -> ()
    } else {
    }
    %barrier3A_65 = arith.constant 0 : index
    tpu.barrier barrier_id(%barrier3A_65)
    return
  }
}

#map = affine_map<(d0, d1) -> (0, 0)>
#map1 = affine_map<(d0, d1) -> (0)>
module attributes {stable_mosaic.version = 14 : i64} {
  func.func @_gather(%arg0: i32, %arg1: i32, %arg2: memref<10000x256xi32, #tpu.memory_space<hbm>>, %arg3: memref<80000xi32, #tpu.memory_space<hbm>>, %arg4: memref<80000x256xi32, #tpu.memory_space<hbm>>, %arg5: memref<80xi32, #tpu.memory_space<vmem>>, %arg6: memref<80xi32, #tpu.memory_space<vmem>>, %arg7: memref<80x256xi32, #tpu.memory_space<vmem>>, %arg8: memref<80x256xi32, #tpu.memory_space<vmem>>, %arg9: memref<!tpu.dma_semaphore, #tpu.memory_space<semaphore_mem>>, %arg10: memref<!tpu.dma_semaphore, #tpu.memory_space<semaphore_mem>>) attributes {dimension_semantics = [#tpu.dimension_semantics<core_parallel>, #tpu.dimension_semantics<subcore_parallel>], iteration_bounds = array<i64: 2, 16>, scalar_prefetch = 0 : i64, scratch_operands = 6 : i64, tpu.core_type = #tpu.core_type<sc_vector_subcore>, window_params = [{transform_indices = #map}, {transform_indices = #map1}, {transform_indices = #map}]} {
    %mul3A = arith.constant 16 : i32
    %mul3A_0 = arith.muli %arg0, %mul3A : i32
    %add3A = arith.addi %mul3A_0, %arg1 : i32
    %mul3A_1 = arith.constant 31 : i32
    %mul3A_2 = arith.muli %add3A, %mul3A_1 : i32
    %min3A = arith.constant 8 : i32
    %min3A_3 = arith.minsi %add3A, %min3A : i32
    %add3A_4 = arith.addi %mul3A_2, %min3A_3 : i32
    %lt3A = arith.constant 8 : i32
    %lt3A_5 = arith.cmpi slt, %add3A, %lt3A : i32
    %convert_element_type3A = arith.extui %lt3A_5 : i1 to i32
    %add3A_6 = arith.constant 30 : i32
    %add3A_7 = arith.addi %add3A_6, %convert_element_type3A : i32
    %min3A_8 = arith.constant 0 : i32
    %min3A_9 = arith.minsi %min3A_8, %add3A_7 : i32
    %add3A_10 = arith.addi %add3A_4, %min3A_9 : i32
    %mul3A_11 = arith.constant 80 : i32
    %mul3A_12 = arith.muli %add3A_10, %mul3A_11 : i32
    "tpu.region"() ({
      %run_scoped3A = tpu.sem_alloc : memref<!tpu.dma_semaphore, #tpu.memory_space<semaphore_mem>>
      %dma_start3A_32 = tpu.memref_slice %arg3[%mul3A_12] : memref<80000xi32, #tpu.memory_space<hbm>> -> memref<80xi32, #tpu.memory_space<hbm>>
      %dma_start3A_33 = tpu.memref_slice %arg3[%mul3A_12] : memref<80000xi32, #tpu.memory_space<hbm>> -> memref<80xi32, #tpu.memory_space<hbm>>
      tpu.enqueue_dma source(%dma_start3A_33 : memref<80xi32, #tpu.memory_space<hbm>>) target(%arg5 : memref<80xi32, #tpu.memory_space<vmem>>) target_semaphore(%run_scoped3A : memref<!tpu.dma_semaphore, #tpu.memory_space<semaphore_mem>>)
      %dma_wait3A_34 = tpu.memref_slice %arg3[%mul3A_12] : memref<80000xi32, #tpu.memory_space<hbm>> -> memref<80xi32, #tpu.memory_space<hbm>>
      %dma_wait3A_35 = tpu.memref_slice %arg3[%mul3A_12] : memref<80000xi32, #tpu.memory_space<hbm>> -> memref<80xi32, #tpu.memory_space<hbm>>
      tpu.wait_dma2 semaphore(%run_scoped3A : memref<!tpu.dma_semaphore, #tpu.memory_space<semaphore_mem>>) src(%dma_wait3A_35 : memref<80xi32, #tpu.memory_space<hbm>>) dst(%arg5 : memref<80xi32, #tpu.memory_space<vmem>>)
      tpu.yield
    }) : () -> ()
    %dma_start3A = arith.constant 0 : i32
    %dma_start3A_13 = arith.constant 0 : i32
    %dma_start3A_14 = tpu.memref_slice %arg2[%dma_start3A, %dma_start3A_13] : memref<10000x256xi32, #tpu.memory_space<hbm>> -> memref<10000x256xi32, #tpu.memory_space<hbm>>
    tpu.enqueue_indirect_dma source(%dma_start3A_14 : memref<10000x256xi32, #tpu.memory_space<hbm>>) target(%arg7 : memref<80x256xi32, #tpu.memory_space<vmem>>) offsets(%arg5 : memref<80xi32, #tpu.memory_space<vmem>>) semaphore(%arg9 : memref<!tpu.dma_semaphore, #tpu.memory_space<semaphore_mem>>)
    %min3A_15 = arith.constant 1 : i32
    %min3A_16 = arith.minsi %min3A_15, %add3A_7 : i32
    %add3A_17 = arith.addi %add3A_4, %min3A_16 : i32
    %mul3A_18 = arith.constant 80 : i32
    %mul3A_19 = arith.muli %add3A_17, %mul3A_18 : i32
    "tpu.region"() ({
      %run_scoped3A = tpu.sem_alloc : memref<!tpu.dma_semaphore, #tpu.memory_space<semaphore_mem>>
      %dma_start3A_32 = tpu.memref_slice %arg3[%mul3A_19] : memref<80000xi32, #tpu.memory_space<hbm>> -> memref<80xi32, #tpu.memory_space<hbm>>
      %dma_start3A_33 = tpu.memref_slice %arg3[%mul3A_19] : memref<80000xi32, #tpu.memory_space<hbm>> -> memref<80xi32, #tpu.memory_space<hbm>>
      tpu.enqueue_dma source(%dma_start3A_33 : memref<80xi32, #tpu.memory_space<hbm>>) target(%arg6 : memref<80xi32, #tpu.memory_space<vmem>>) target_semaphore(%run_scoped3A : memref<!tpu.dma_semaphore, #tpu.memory_space<semaphore_mem>>)
      %dma_wait3A_34 = tpu.memref_slice %arg3[%mul3A_19] : memref<80000xi32, #tpu.memory_space<hbm>> -> memref<80xi32, #tpu.memory_space<hbm>>
      %dma_wait3A_35 = tpu.memref_slice %arg3[%mul3A_19] : memref<80000xi32, #tpu.memory_space<hbm>> -> memref<80xi32, #tpu.memory_space<hbm>>
      tpu.wait_dma2 semaphore(%run_scoped3A : memref<!tpu.dma_semaphore, #tpu.memory_space<semaphore_mem>>) src(%dma_wait3A_35 : memref<80xi32, #tpu.memory_space<hbm>>) dst(%arg6 : memref<80xi32, #tpu.memory_space<vmem>>)
      tpu.yield
    }) : () -> ()
    %scan3A = arith.constant 0 : i32
    %scan3A_20 = arith.constant 0 : i32
    %scan3A_21 = arith.constant 16 : i32
    %scan3A_22 = arith.addi %scan3A_20, %scan3A_21 : i32
    %scan3A_23 = arith.constant 1 : i32
    scf.for %scan3A_32 = %scan3A_20 to %scan3A_22 step %scan3A_23  : i32 {
      %dma_start3A_33 = arith.constant 0 : i32
      %dma_start3A_34 = arith.constant 0 : i32
      %dma_start3A_35 = tpu.memref_slice %arg2[%dma_start3A_33, %dma_start3A_34] : memref<10000x256xi32, #tpu.memory_space<hbm>> -> memref<10000x256xi32, #tpu.memory_space<hbm>>
      tpu.enqueue_indirect_dma source(%dma_start3A_35 : memref<10000x256xi32, #tpu.memory_space<hbm>>) target(%arg8 : memref<80x256xi32, #tpu.memory_space<vmem>>) offsets(%arg6 : memref<80xi32, #tpu.memory_space<vmem>>) semaphore(%arg10 : memref<!tpu.dma_semaphore, #tpu.memory_space<semaphore_mem>>)
      %mul3A_36 = arith.constant 2 : i32
      %mul3A_37 = arith.muli %mul3A_36, %scan3A_32 : i32
      %dma_wait3A_38 = arith.constant 0 : i32
      %dma_wait3A_39 = arith.constant 0 : i32
      %dma_wait3A_40 = tpu.memref_slice %arg2[%dma_wait3A_38, %dma_wait3A_39] : memref<10000x256xi32, #tpu.memory_space<hbm>> -> memref<10000x256xi32, #tpu.memory_space<hbm>>
      tpu.wait_indirect_dma semaphore(%arg9 : memref<!tpu.dma_semaphore, #tpu.memory_space<semaphore_mem>>) src(%dma_wait3A_40 : memref<10000x256xi32, #tpu.memory_space<hbm>>) dst(%arg7 : memref<80x256xi32, #tpu.memory_space<vmem>>)
      %min3A_41 = arith.minsi %mul3A_37, %add3A_7 : i32
      %add3A_42 = arith.addi %add3A_4, %min3A_41 : i32
      %mul3A_43 = arith.constant 80 : i32
      %mul3A_44 = arith.muli %add3A_42, %mul3A_43 : i32
      "tpu.region"() ({
        %run_scoped3A = tpu.sem_alloc : memref<!tpu.dma_semaphore, #tpu.memory_space<semaphore_mem>>
        %dma_start3A_75 = arith.constant 0 : i32
        %dma_start3A_76 = tpu.memref_slice %arg4[%mul3A_44, %dma_start3A_75] : memref<80000x256xi32, #tpu.memory_space<hbm>> -> memref<80x256xi32, #tpu.memory_space<hbm>>
        %dma_start3A_77 = arith.constant 0 : i32
        %dma_start3A_78 = tpu.memref_slice %arg4[%mul3A_44, %dma_start3A_77] : memref<80000x256xi32, #tpu.memory_space<hbm>> -> memref<80x256xi32, #tpu.memory_space<hbm>>
        tpu.enqueue_dma source(%arg7 : memref<80x256xi32, #tpu.memory_space<vmem>>) target(%dma_start3A_78 : memref<80x256xi32, #tpu.memory_space<hbm>>) target_semaphore(%run_scoped3A : memref<!tpu.dma_semaphore, #tpu.memory_space<semaphore_mem>>)
        %dma_wait3A_79 = arith.constant 0 : i32
        %dma_wait3A_80 = tpu.memref_slice %arg4[%mul3A_44, %dma_wait3A_79] : memref<80000x256xi32, #tpu.memory_space<hbm>> -> memref<80x256xi32, #tpu.memory_space<hbm>>
        %dma_wait3A_81 = arith.constant 0 : i32
        %dma_wait3A_82 = tpu.memref_slice %arg4[%mul3A_44, %dma_wait3A_81] : memref<80000x256xi32, #tpu.memory_space<hbm>> -> memref<80x256xi32, #tpu.memory_space<hbm>>
        tpu.wait_dma2 semaphore(%run_scoped3A : memref<!tpu.dma_semaphore, #tpu.memory_space<semaphore_mem>>) src(%arg7 : memref<80x256xi32, #tpu.memory_space<vmem>>) dst(%dma_wait3A_82 : memref<80x256xi32, #tpu.memory_space<hbm>>)
        tpu.yield
      }) : () -> ()
      %mul3A_45 = arith.constant 2 : i32
      %mul3A_46 = arith.muli %mul3A_45, %scan3A_32 : i32
      %add3A_47 = arith.constant 2 : i32
      %add3A_48 = arith.addi %mul3A_46, %add3A_47 : i32
      %min3A_49 = arith.minsi %add3A_48, %add3A_7 : i32
      %add3A_50 = arith.addi %add3A_4, %min3A_49 : i32
      %mul3A_51 = arith.constant 80 : i32
      %mul3A_52 = arith.muli %add3A_50, %mul3A_51 : i32
      "tpu.region"() ({
        %run_scoped3A = tpu.sem_alloc : memref<!tpu.dma_semaphore, #tpu.memory_space<semaphore_mem>>
        %dma_start3A_75 = tpu.memref_slice %arg3[%mul3A_52] : memref<80000xi32, #tpu.memory_space<hbm>> -> memref<80xi32, #tpu.memory_space<hbm>>
        %dma_start3A_76 = tpu.memref_slice %arg3[%mul3A_52] : memref<80000xi32, #tpu.memory_space<hbm>> -> memref<80xi32, #tpu.memory_space<hbm>>
        tpu.enqueue_dma source(%dma_start3A_76 : memref<80xi32, #tpu.memory_space<hbm>>) target(%arg5 : memref<80xi32, #tpu.memory_space<vmem>>) target_semaphore(%run_scoped3A : memref<!tpu.dma_semaphore, #tpu.memory_space<semaphore_mem>>)
        %dma_wait3A_77 = tpu.memref_slice %arg3[%mul3A_52] : memref<80000xi32, #tpu.memory_space<hbm>> -> memref<80xi32, #tpu.memory_space<hbm>>
        %dma_wait3A_78 = tpu.memref_slice %arg3[%mul3A_52] : memref<80000xi32, #tpu.memory_space<hbm>> -> memref<80xi32, #tpu.memory_space<hbm>>
        tpu.wait_dma2 semaphore(%run_scoped3A : memref<!tpu.dma_semaphore, #tpu.memory_space<semaphore_mem>>) src(%dma_wait3A_78 : memref<80xi32, #tpu.memory_space<hbm>>) dst(%arg5 : memref<80xi32, #tpu.memory_space<vmem>>)
        tpu.yield
      }) : () -> ()
      %dma_start3A_53 = arith.constant 0 : i32
      %dma_start3A_54 = arith.constant 0 : i32
      %dma_start3A_55 = tpu.memref_slice %arg2[%dma_start3A_53, %dma_start3A_54] : memref<10000x256xi32, #tpu.memory_space<hbm>> -> memref<10000x256xi32, #tpu.memory_space<hbm>>
      tpu.enqueue_indirect_dma source(%dma_start3A_55 : memref<10000x256xi32, #tpu.memory_space<hbm>>) target(%arg7 : memref<80x256xi32, #tpu.memory_space<vmem>>) offsets(%arg5 : memref<80xi32, #tpu.memory_space<vmem>>) semaphore(%arg9 : memref<!tpu.dma_semaphore, #tpu.memory_space<semaphore_mem>>)
      %mul3A_56 = arith.constant 2 : i32
      %mul3A_57 = arith.muli %mul3A_56, %scan3A_32 : i32
      %add3A_58 = arith.constant 1 : i32
      %add3A_59 = arith.addi %mul3A_57, %add3A_58 : i32
      %dma_wait3A_60 = arith.constant 0 : i32
      %dma_wait3A_61 = arith.constant 0 : i32
      %dma_wait3A_62 = tpu.memref_slice %arg2[%dma_wait3A_60, %dma_wait3A_61] : memref<10000x256xi32, #tpu.memory_space<hbm>> -> memref<10000x256xi32, #tpu.memory_space<hbm>>
      tpu.wait_indirect_dma semaphore(%arg10 : memref<!tpu.dma_semaphore, #tpu.memory_space<semaphore_mem>>) src(%dma_wait3A_62 : memref<10000x256xi32, #tpu.memory_space<hbm>>) dst(%arg8 : memref<80x256xi32, #tpu.memory_space<vmem>>)
      %min3A_63 = arith.minsi %add3A_59, %add3A_7 : i32
      %add3A_64 = arith.addi %add3A_4, %min3A_63 : i32
      %mul3A_65 = arith.constant 80 : i32
      %mul3A_66 = arith.muli %add3A_64, %mul3A_65 : i32
      "tpu.region"() ({
        %run_scoped3A = tpu.sem_alloc : memref<!tpu.dma_semaphore, #tpu.memory_space<semaphore_mem>>
        %dma_start3A_75 = arith.constant 0 : i32
        %dma_start3A_76 = tpu.memref_slice %arg4[%mul3A_66, %dma_start3A_75] : memref<80000x256xi32, #tpu.memory_space<hbm>> -> memref<80x256xi32, #tpu.memory_space<hbm>>
        %dma_start3A_77 = arith.constant 0 : i32
        %dma_start3A_78 = tpu.memref_slice %arg4[%mul3A_66, %dma_start3A_77] : memref<80000x256xi32, #tpu.memory_space<hbm>> -> memref<80x256xi32, #tpu.memory_space<hbm>>
        tpu.enqueue_dma source(%arg8 : memref<80x256xi32, #tpu.memory_space<vmem>>) target(%dma_start3A_78 : memref<80x256xi32, #tpu.memory_space<hbm>>) target_semaphore(%run_scoped3A : memref<!tpu.dma_semaphore, #tpu.memory_space<semaphore_mem>>)
        %dma_wait3A_79 = arith.constant 0 : i32
        %dma_wait3A_80 = tpu.memref_slice %arg4[%mul3A_66, %dma_wait3A_79] : memref<80000x256xi32, #tpu.memory_space<hbm>> -> memref<80x256xi32, #tpu.memory_space<hbm>>
        %dma_wait3A_81 = arith.constant 0 : i32
        %dma_wait3A_82 = tpu.memref_slice %arg4[%mul3A_66, %dma_wait3A_81] : memref<80000x256xi32, #tpu.memory_space<hbm>> -> memref<80x256xi32, #tpu.memory_space<hbm>>
        tpu.wait_dma2 semaphore(%run_scoped3A : memref<!tpu.dma_semaphore, #tpu.memory_space<semaphore_mem>>) src(%arg8 : memref<80x256xi32, #tpu.memory_space<vmem>>) dst(%dma_wait3A_82 : memref<80x256xi32, #tpu.memory_space<hbm>>)
        tpu.yield
      }) : () -> ()
      %mul3A_67 = arith.constant 2 : i32
      %mul3A_68 = arith.muli %mul3A_67, %scan3A_32 : i32
      %add3A_69 = arith.constant 3 : i32
      %add3A_70 = arith.addi %mul3A_68, %add3A_69 : i32
      %min3A_71 = arith.minsi %add3A_70, %add3A_7 : i32
      %add3A_72 = arith.addi %add3A_4, %min3A_71 : i32
      %mul3A_73 = arith.constant 80 : i32
      %mul3A_74 = arith.muli %add3A_72, %mul3A_73 : i32
      "tpu.region"() ({
        %run_scoped3A = tpu.sem_alloc : memref<!tpu.dma_semaphore, #tpu.memory_space<semaphore_mem>>
        %dma_start3A_75 = tpu.memref_slice %arg3[%mul3A_74] : memref<80000xi32, #tpu.memory_space<hbm>> -> memref<80xi32, #tpu.memory_space<hbm>>
        %dma_start3A_76 = tpu.memref_slice %arg3[%mul3A_74] : memref<80000xi32, #tpu.memory_space<hbm>> -> memref<80xi32, #tpu.memory_space<hbm>>
        tpu.enqueue_dma source(%dma_start3A_76 : memref<80xi32, #tpu.memory_space<hbm>>) target(%arg6 : memref<80xi32, #tpu.memory_space<vmem>>) target_semaphore(%run_scoped3A : memref<!tpu.dma_semaphore, #tpu.memory_space<semaphore_mem>>)
        %dma_wait3A_77 = tpu.memref_slice %arg3[%mul3A_74] : memref<80000xi32, #tpu.memory_space<hbm>> -> memref<80xi32, #tpu.memory_space<hbm>>
        %dma_wait3A_78 = tpu.memref_slice %arg3[%mul3A_74] : memref<80000xi32, #tpu.memory_space<hbm>> -> memref<80xi32, #tpu.memory_space<hbm>>
        tpu.wait_dma2 semaphore(%run_scoped3A : memref<!tpu.dma_semaphore, #tpu.memory_space<semaphore_mem>>) src(%dma_wait3A_78 : memref<80xi32, #tpu.memory_space<hbm>>) dst(%arg6 : memref<80xi32, #tpu.memory_space<vmem>>)
        tpu.yield
      }) : () -> ()
    }
    %scan3A_24 = arith.constant 16 : i32
    %dma_wait3A = arith.constant 0 : i32
    %dma_wait3A_25 = arith.constant 0 : i32
    %dma_wait3A_26 = tpu.memref_slice %arg2[%dma_wait3A, %dma_wait3A_25] : memref<10000x256xi32, #tpu.memory_space<hbm>> -> memref<10000x256xi32, #tpu.memory_space<hbm>>
    tpu.wait_indirect_dma semaphore(%arg9 : memref<!tpu.dma_semaphore, #tpu.memory_space<semaphore_mem>>) src(%dma_wait3A_26 : memref<10000x256xi32, #tpu.memory_space<hbm>>) dst(%arg7 : memref<80x256xi32, #tpu.memory_space<vmem>>)
    %min3A_27 = arith.constant 32 : i32
    %min3A_28 = arith.minsi %min3A_27, %add3A_7 : i32
    %add3A_29 = arith.addi %add3A_4, %min3A_28 : i32
    %mul3A_30 = arith.constant 80 : i32
    %mul3A_31 = arith.muli %add3A_29, %mul3A_30 : i32
    "tpu.region"() ({
      %run_scoped3A = tpu.sem_alloc : memref<!tpu.dma_semaphore, #tpu.memory_space<semaphore_mem>>
      %dma_start3A_32 = arith.constant 0 : i32
      %dma_start3A_33 = tpu.memref_slice %arg4[%mul3A_31, %dma_start3A_32] : memref<80000x256xi32, #tpu.memory_space<hbm>> -> memref<80x256xi32, #tpu.memory_space<hbm>>
      %dma_start3A_34 = arith.constant 0 : i32
      %dma_start3A_35 = tpu.memref_slice %arg4[%mul3A_31, %dma_start3A_34] : memref<80000x256xi32, #tpu.memory_space<hbm>> -> memref<80x256xi32, #tpu.memory_space<hbm>>
      tpu.enqueue_dma source(%arg7 : memref<80x256xi32, #tpu.memory_space<vmem>>) target(%dma_start3A_35 : memref<80x256xi32, #tpu.memory_space<hbm>>) target_semaphore(%run_scoped3A : memref<!tpu.dma_semaphore, #tpu.memory_space<semaphore_mem>>)
      %dma_wait3A_36 = arith.constant 0 : i32
      %dma_wait3A_37 = tpu.memref_slice %arg4[%mul3A_31, %dma_wait3A_36] : memref<80000x256xi32, #tpu.memory_space<hbm>> -> memref<80x256xi32, #tpu.memory_space<hbm>>
      %dma_wait3A_38 = arith.constant 0 : i32
      %dma_wait3A_39 = tpu.memref_slice %arg4[%mul3A_31, %dma_wait3A_38] : memref<80000x256xi32, #tpu.memory_space<hbm>> -> memref<80x256xi32, #tpu.memory_space<hbm>>
      tpu.wait_dma2 semaphore(%run_scoped3A : memref<!tpu.dma_semaphore, #tpu.memory_space<semaphore_mem>>) src(%arg7 : memref<80x256xi32, #tpu.memory_space<vmem>>) dst(%dma_wait3A_39 : memref<80x256xi32, #tpu.memory_space<hbm>>)
      tpu.yield
    }) : () -> ()
    return
  }
}

module attributes {stable_mosaic.version = 14 : i64} {
  func.func @_node_body(%arg0: i32, %arg1: memref<1000x256xf32, #tpu.memory_space<vmem>>, %arg2: memref<256x512xf32, #tpu.memory_space<vmem>>, %arg3: memref<8x32xf32, #tpu.memory_space<vmem>>, %arg4: memref<32x512xf32, #tpu.memory_space<vmem>>, %arg5: memref<8x512xf32, #tpu.memory_space<vmem>>, %arg6: memref<1000x512xbf16, #tpu.memory_space<vmem>>) attributes {dimension_semantics = [#tpu.dimension_semantics<arbitrary>], iteration_bounds = array<i64: 10>, scalar_prefetch = 0 : i64, scratch_operands = 0 : i64, tpu.core_type = #tpu.core_type<tc>, window_params = [{transform_indices = @transform_0, window_bounds = array<i64: 1000, 256>}, {pipeline_mode = #tpu.pipeline_mode<synchronous>, transform_indices = @transform_1, window_bounds = array<i64: 256, 512>}, {pipeline_mode = #tpu.pipeline_mode<synchronous>, transform_indices = @transform_2, window_bounds = array<i64: 8, 32>}, {pipeline_mode = #tpu.pipeline_mode<synchronous>, transform_indices = @transform_3, window_bounds = array<i64: 32, 512>}, {pipeline_mode = #tpu.pipeline_mode<synchronous>, transform_indices = @transform_4, window_bounds = array<i64: 8, 512>}, {transform_indices = @transform_5, window_bounds = array<i64: 1000, 512>}]} {
    %get3A = arith.constant 0 : index
    %get3A_0 = arith.constant 0 : index
    %get3A_1 = vector.load %arg1[%get3A, %get3A_0] : memref<1000x256xf32, #tpu.memory_space<vmem>>, vector<1000x256xf32>
    %get3A_2 = arith.constant 0 : index
    %get3A_3 = arith.constant 0 : index
    %get3A_4 = vector.load %arg3[%get3A_2, %get3A_3] : memref<8x32xf32, #tpu.memory_space<vmem>>, vector<8x32xf32>
    %get3A_5 = arith.constant 0 : index
    %get3A_6 = arith.constant 0 : index
    %get3A_7 = vector.load %arg4[%get3A_5, %get3A_6] : memref<32x512xf32, #tpu.memory_space<vmem>>, vector<32x512xf32>
    %dot_general3A = arith.constant dense<0.000000e+00> : vector<8x512xf32>
    %dot_general3A_8 = tpu.matmul %get3A_4, %get3A_7, %dot_general3A {dimension_numbers = #tpu.dot_dimension_numbers<[1], [0], [0], [1], [0, 0, 1, 1], [], []>, transpose_lhs_hint = false} : vector<8x32xf32>, vector<32x512xf32>, vector<8x512xf32> -> vector<8x512xf32>
    %slice3A = vector.extract_strided_slice %get3A_1 {offsets = [0, 255], sizes = [1000, 1], strides = [1, 1]} : vector<1000x256xf32> to vector<1000x1xf32>
    %squeeze3A = vector.shape_cast %slice3A : vector<1000x1xf32> to vector<1000xf32>
    %convert_element_type3A = arith.fptosi %squeeze3A : vector<1000xf32> to vector<1000xi32>
    %reshape3A = vector.shape_cast %convert_element_type3A : vector<1000xi32> to vector<1000x1xi32>
    %iota3A = tpu.iota {dimensions = array<i32: 1>} : vector<1x8xi32>
    %eq3A = vector.broadcast %reshape3A : vector<1000x1xi32> to vector<1000x8xi32>
    %eq3A_9 = vector.broadcast %iota3A : vector<1x8xi32> to vector<1000x8xi32>
    %eq3A_10 = arith.cmpi eq, %eq3A, %eq3A_9 : vector<1000x8xi32>
    %convert_element_type3A_11 = arith.extui %eq3A_10 : vector<1000x8xi1> to vector<1000x8xi32>
    %convert_element_type3A_12 = arith.sitofp %convert_element_type3A_11 : vector<1000x8xi32> to vector<1000x8xf32>
    %get3A_13 = arith.constant 0 : index
    %get3A_14 = arith.constant 0 : index
    %get3A_15 = vector.load %arg2[%get3A_13, %get3A_14] : memref<256x512xf32, #tpu.memory_space<vmem>>, vector<256x512xf32>
    %dot_general3A_16 = arith.constant dense<0.000000e+00> : vector<1000x512xf32>
    %dot_general3A_17 = tpu.matmul %get3A_1, %get3A_15, %dot_general3A_16 {dimension_numbers = #tpu.dot_dimension_numbers<[1], [0], [0], [1], [0, 0, 1, 1], [], []>, transpose_lhs_hint = false} : vector<1000x256xf32>, vector<256x512xf32>, vector<1000x512xf32> -> vector<1000x512xf32>
    %dot_general3A_18 = arith.constant dense<0.000000e+00> : vector<1000x512xf32>
    %dot_general3A_19 = tpu.matmul %convert_element_type3A_12, %dot_general3A_8, %dot_general3A_18 {dimension_numbers = #tpu.dot_dimension_numbers<[1], [0], [0], [1], [0, 0, 1, 1], [], []>, transpose_lhs_hint = false} : vector<1000x8xf32>, vector<8x512xf32>, vector<1000x512xf32> -> vector<1000x512xf32>
    %add3A = arith.addf %dot_general3A_17, %dot_general3A_19 : vector<1000x512xf32>
    %get3A_20 = arith.constant 0 : index
    %get3A_21 = arith.constant 0 : index
    %get3A_22 = vector.load %arg5[%get3A_20, %get3A_21] : memref<8x512xf32, #tpu.memory_space<vmem>>, vector<1x512xf32>
    %add3A_23 = vector.broadcast %get3A_22 : vector<1x512xf32> to vector<1000x512xf32>
    %add3A_24 = arith.addf %add3A, %add3A_23 : vector<1000x512xf32>
    %convert_element_type3A_25 = arith.truncf %add3A_24 : vector<1000x512xf32> to vector<1000x512xbf16>
    %swap3A = arith.constant 0 : index
    %swap3A_26 = arith.constant 0 : index
    %swap3A_27 = vector.load %arg6[%swap3A, %swap3A_26] : memref<1000x512xbf16, #tpu.memory_space<vmem>>, vector<1000x512xbf16>
    tpu.vector_store %arg6[%swap3A, %swap3A_26], %convert_element_type3A_25 {strides = array<i32>} : memref<1000x512xbf16, #tpu.memory_space<vmem>>, vector<1000x512xbf16>,
    return
  }
  func.func @transform_0(%arg0: i32) -> (i32, i32) {
    %c0_i32 = arith.constant 0 : i32
    %c0_i32_0 = arith.constant 0 : i32
    return %arg0, %c0_i32 : i32, i32
  }
  func.func @transform_1(%arg0: i32) -> (i32, i32) {
    %c0_i32 = arith.constant 0 : i32
    %c0_i32_0 = arith.constant 0 : i32
    %c0_i32_1 = arith.constant 0 : i32
    return %c0_i32, %c0_i32_0 : i32, i32
  }
  func.func @transform_2(%arg0: i32) -> (i32, i32) {
    %c0_i32 = arith.constant 0 : i32
    %c0_i32_0 = arith.constant 0 : i32
    %c0_i32_1 = arith.constant 0 : i32
    return %c0_i32, %c0_i32_0 : i32, i32
  }
  func.func @transform_3(%arg0: i32) -> (i32, i32) {
    %c0_i32 = arith.constant 0 : i32
    %c0_i32_0 = arith.constant 0 : i32
    %c0_i32_1 = arith.constant 0 : i32
    return %c0_i32, %c0_i32_0 : i32, i32
  }
  func.func @transform_4(%arg0: i32) -> (i32, i32) {
    %c0_i32 = arith.constant 0 : i32
    %c0_i32_0 = arith.constant 0 : i32
    %c0_i32_1 = arith.constant 0 : i32
    return %c0_i32, %c0_i32_0 : i32, i32
  }
  func.func @transform_5(%arg0: i32) -> (i32, i32) {
    %c0_i32 = arith.constant 0 : i32
    %c0_i32_0 = arith.constant 0 : i32
    return %arg0, %c0_i32 : i32, i32
  }
}

module attributes {stable_mosaic.version = 14 : i64} {
  func.func @_mlp_body(%arg0: i32, %arg1: memref<1600x256xi32, #tpu.memory_space<vmem>>, %arg2: memref<1600x16xf32, #tpu.memory_space<vmem>>, %arg3: memref<16x512xf32, #tpu.memory_space<vmem>>, %arg4: memref<512x512xbf16, #tpu.memory_space<vmem>>, %arg5: memref<512x512xbf16, #tpu.memory_space<vmem>>, %arg6: memref<8x512xf32, #tpu.memory_space<vmem>>, %arg7: memref<1600x512xf32, #tpu.memory_space<vmem>>) attributes {dimension_semantics = [#tpu.dimension_semantics<arbitrary>], iteration_bounds = array<i64: 50>, scalar_prefetch = 0 : i64, scratch_operands = 0 : i64, tpu.core_type = #tpu.core_type<tc>, window_params = [{transform_indices = @transform_0, window_bounds = array<i64: 1600, 256>}, {transform_indices = @transform_1, window_bounds = array<i64: 1600, 16>}, {pipeline_mode = #tpu.pipeline_mode<synchronous>, transform_indices = @transform_2, window_bounds = array<i64: 16, 512>}, {pipeline_mode = #tpu.pipeline_mode<synchronous>, transform_indices = @transform_3, window_bounds = array<i64: 512, 512>}, {pipeline_mode = #tpu.pipeline_mode<synchronous>, transform_indices = @transform_4, window_bounds = array<i64: 512, 512>}, {pipeline_mode = #tpu.pipeline_mode<synchronous>, transform_indices = @transform_5, window_bounds = array<i64: 8, 512>}, {transform_indices = @transform_6, window_bounds = array<i64: 1600, 512>}]} {
    %get3A = arith.constant 0 : index
    %get3A_0 = arith.constant 0 : index
    %get3A_1 = vector.load %arg1[%get3A, %get3A_0] : memref<1600x256xi32, #tpu.memory_space<vmem>>, vector<1600x256xi32>
    %unpack_elementwise3A = tpu.unpack_elementwise %get3A_1, 0 {source_type = bf16} : vector<1600x256xi32> -> vector<1600x256xf32>
    %unpack_elementwise3A_2 = tpu.unpack_elementwise %get3A_1, 1 {source_type = bf16} : vector<1600x256xi32> -> vector<1600x256xf32>
    %concatenate3A = tpu.concatenate %unpack_elementwise3A, %unpack_elementwise3A_2 in 1 : vector<1600x256xf32>, vector<1600x256xf32> -> vector<1600x512xf32>
    %get3A_3 = arith.constant 0 : index
    %get3A_4 = arith.constant 0 : index
    %get3A_5 = vector.load %arg2[%get3A_3, %get3A_4] : memref<1600x16xf32, #tpu.memory_space<vmem>>, vector<1600x16xf32>
    %get3A_6 = arith.constant 0 : index
    %get3A_7 = arith.constant 0 : index
    %get3A_8 = vector.load %arg3[%get3A_6, %get3A_7] : memref<16x512xf32, #tpu.memory_space<vmem>>, vector<16x512xf32>
    %dot_general3A = arith.constant dense<0.000000e+00> : vector<1600x512xf32>
    %dot_general3A_9 = tpu.matmul %get3A_5, %get3A_8, %dot_general3A {dimension_numbers = #tpu.dot_dimension_numbers<[1], [0], [0], [1], [0, 0, 1, 1], [], []>, transpose_lhs_hint = false} : vector<1600x16xf32>, vector<16x512xf32>, vector<1600x512xf32> -> vector<1600x512xf32>
    %add3A = arith.addf %concatenate3A, %dot_general3A_9 : vector<1600x512xf32>
    %max3A = arith.constant 0.000000e+00 : f32
    %max3A_10 = vector.broadcast %max3A : f32 to vector<1600x512xf32>
    %max3A_11 = arith.maximumf %add3A, %max3A_10 : vector<1600x512xf32>
    %reduce_sum3A = arith.constant dense<0.000000e+00> : vector<1600xf32>
    %reduce_sum3A_12 = vector.multi_reduction <add>, %max3A_11, %reduce_sum3A [1] : vector<1600x512xf32> to vector<1600xf32>
    %broadcast_in_dim3A = vector.shape_cast %reduce_sum3A_12 : vector<1600xf32> to vector<1600x1xf32>
    %div3A = arith.constant 5.120000e+02 : f32
    %div3A_13 = vector.broadcast %div3A : f32 to vector<1600x1xf32>
    %div3A_14 = arith.divf %broadcast_in_dim3A, %div3A_13 : vector<1600x1xf32>
    %mul3A = arith.mulf %max3A_11, %max3A_11 : vector<1600x512xf32>
    %reduce_sum3A_15 = arith.constant dense<0.000000e+00> : vector<1600xf32>
    %reduce_sum3A_16 = vector.multi_reduction <add>, %mul3A, %reduce_sum3A_15 [1] : vector<1600x512xf32> to vector<1600xf32>
    %broadcast_in_dim3A_17 = vector.shape_cast %reduce_sum3A_16 : vector<1600xf32> to vector<1600x1xf32>
    %div3A_18 = arith.constant 5.120000e+02 : f32
    %div3A_19 = vector.broadcast %div3A_18 : f32 to vector<1600x1xf32>
    %div3A_20 = arith.divf %broadcast_in_dim3A_17, %div3A_19 : vector<1600x1xf32>
    %mul3A_21 = arith.mulf %div3A_14, %div3A_14 : vector<1600x1xf32>
    %sub3A = arith.subf %div3A_20, %mul3A_21 : vector<1600x1xf32>
    %add3A_22 = arith.constant 9.99999974E-6 : f32
    %add3A_23 = vector.broadcast %add3A_22 : f32 to vector<1600x1xf32>
    %add3A_24 = arith.addf %sub3A, %add3A_23 : vector<1600x1xf32>
    %rsqrt3A = math.rsqrt %add3A_24 : vector<1600x1xf32>
    %convert_element_type3A = arith.truncf %max3A_11 : vector<1600x512xf32> to vector<1600x512xbf16>
    %get3A_25 = arith.constant 0 : index
    %get3A_26 = arith.constant 0 : index
    %get3A_27 = vector.load %arg4[%get3A_25, %get3A_26] : memref<512x512xbf16, #tpu.memory_space<vmem>>, vector<512x512xbf16>
    %dot_general3A_28 = arith.constant dense<0.000000e+00> : vector<1600x512xf32>
    %dot_general3A_29 = tpu.matmul %convert_element_type3A, %get3A_27, %dot_general3A_28 {dimension_numbers = #tpu.dot_dimension_numbers<[1], [0], [0], [1], [0, 0, 1, 1], [], []>, transpose_lhs_hint = false} : vector<1600x512xbf16>, vector<512x512xbf16>, vector<1600x512xf32> -> vector<1600x512xf32>
    %mul3A_30 = vector.broadcast %rsqrt3A : vector<1600x1xf32> to vector<1600x512xf32>
    %mul3A_31 = arith.mulf %dot_general3A_29, %mul3A_30 : vector<1600x512xf32>
    %mul3A_32 = arith.mulf %div3A_14, %rsqrt3A : vector<1600x1xf32>
    %get3A_33 = arith.constant 1 : index
    %get3A_34 = arith.constant 0 : index
    %get3A_35 = vector.load %arg6[%get3A_33, %get3A_34] : memref<8x512xf32, #tpu.memory_space<vmem>>, vector<1x512xf32>
    %mul3A_36 = vector.broadcast %mul3A_32 : vector<1600x1xf32> to vector<1600x512xf32>
    %mul3A_37 = vector.broadcast %get3A_35 : vector<1x512xf32> to vector<1600x512xf32>
    %mul3A_38 = arith.mulf %mul3A_36, %mul3A_37 : vector<1600x512xf32>
    %sub3A_39 = arith.subf %mul3A_31, %mul3A_38 : vector<1600x512xf32>
    %get3A_40 = arith.constant 0 : index
    %get3A_41 = arith.constant 0 : index
    %get3A_42 = vector.load %arg6[%get3A_40, %get3A_41] : memref<8x512xf32, #tpu.memory_space<vmem>>, vector<1x512xf32>
    %add3A_43 = vector.broadcast %get3A_42 : vector<1x512xf32> to vector<1600x512xf32>
    %add3A_44 = arith.addf %sub3A_39, %add3A_43 : vector<1600x512xf32>
    %max3A_45 = arith.constant 0.000000e+00 : f32
    %max3A_46 = vector.broadcast %max3A_45 : f32 to vector<1600x512xf32>
    %max3A_47 = arith.maximumf %add3A_44, %max3A_46 : vector<1600x512xf32>
    %reduce_sum3A_48 = arith.constant dense<0.000000e+00> : vector<1600xf32>
    %reduce_sum3A_49 = vector.multi_reduction <add>, %max3A_47, %reduce_sum3A_48 [1] : vector<1600x512xf32> to vector<1600xf32>
    %broadcast_in_dim3A_50 = vector.shape_cast %reduce_sum3A_49 : vector<1600xf32> to vector<1600x1xf32>
    %div3A_51 = arith.constant 5.120000e+02 : f32
    %div3A_52 = vector.broadcast %div3A_51 : f32 to vector<1600x1xf32>
    %div3A_53 = arith.divf %broadcast_in_dim3A_50, %div3A_52 : vector<1600x1xf32>
    %mul3A_54 = arith.mulf %max3A_47, %max3A_47 : vector<1600x512xf32>
    %reduce_sum3A_55 = arith.constant dense<0.000000e+00> : vector<1600xf32>
    %reduce_sum3A_56 = vector.multi_reduction <add>, %mul3A_54, %reduce_sum3A_55 [1] : vector<1600x512xf32> to vector<1600xf32>
    %broadcast_in_dim3A_57 = vector.shape_cast %reduce_sum3A_56 : vector<1600xf32> to vector<1600x1xf32>
    %div3A_58 = arith.constant 5.120000e+02 : f32
    %div3A_59 = vector.broadcast %div3A_58 : f32 to vector<1600x1xf32>
    %div3A_60 = arith.divf %broadcast_in_dim3A_57, %div3A_59 : vector<1600x1xf32>
    %mul3A_61 = arith.mulf %div3A_53, %div3A_53 : vector<1600x1xf32>
    %sub3A_62 = arith.subf %div3A_60, %mul3A_61 : vector<1600x1xf32>
    %add3A_63 = arith.constant 9.99999974E-6 : f32
    %add3A_64 = vector.broadcast %add3A_63 : f32 to vector<1600x1xf32>
    %add3A_65 = arith.addf %sub3A_62, %add3A_64 : vector<1600x1xf32>
    %rsqrt3A_66 = math.rsqrt %add3A_65 : vector<1600x1xf32>
    %convert_element_type3A_67 = arith.truncf %max3A_47 : vector<1600x512xf32> to vector<1600x512xbf16>
    %get3A_68 = arith.constant 0 : index
    %get3A_69 = arith.constant 0 : index
    %get3A_70 = vector.load %arg5[%get3A_68, %get3A_69] : memref<512x512xbf16, #tpu.memory_space<vmem>>, vector<512x512xbf16>
    %dot_general3A_71 = arith.constant dense<0.000000e+00> : vector<1600x512xf32>
    %dot_general3A_72 = tpu.matmul %convert_element_type3A_67, %get3A_70, %dot_general3A_71 {dimension_numbers = #tpu.dot_dimension_numbers<[1], [0], [0], [1], [0, 0, 1, 1], [], []>, transpose_lhs_hint = false} : vector<1600x512xbf16>, vector<512x512xbf16>, vector<1600x512xf32> -> vector<1600x512xf32>
    %mul3A_73 = vector.broadcast %rsqrt3A_66 : vector<1600x1xf32> to vector<1600x512xf32>
    %mul3A_74 = arith.mulf %dot_general3A_72, %mul3A_73 : vector<1600x512xf32>
    %mul3A_75 = arith.mulf %div3A_53, %rsqrt3A_66 : vector<1600x1xf32>
    %get3A_76 = arith.constant 3 : index
    %get3A_77 = arith.constant 0 : index
    %get3A_78 = vector.load %arg6[%get3A_76, %get3A_77] : memref<8x512xf32, #tpu.memory_space<vmem>>, vector<1x512xf32>
    %mul3A_79 = vector.broadcast %mul3A_75 : vector<1600x1xf32> to vector<1600x512xf32>
    %mul3A_80 = vector.broadcast %get3A_78 : vector<1x512xf32> to vector<1600x512xf32>
    %mul3A_81 = arith.mulf %mul3A_79, %mul3A_80 : vector<1600x512xf32>
    %sub3A_82 = arith.subf %mul3A_74, %mul3A_81 : vector<1600x512xf32>
    %get3A_83 = arith.constant 2 : index
    %get3A_84 = arith.constant 0 : index
    %get3A_85 = vector.load %arg6[%get3A_83, %get3A_84] : memref<8x512xf32, #tpu.memory_space<vmem>>, vector<1x512xf32>
    %add3A_86 = vector.broadcast %get3A_85 : vector<1x512xf32> to vector<1600x512xf32>
    %add3A_87 = arith.addf %sub3A_82, %add3A_86 : vector<1600x512xf32>
    %max3A_88 = arith.constant 0.000000e+00 : f32
    %max3A_89 = vector.broadcast %max3A_88 : f32 to vector<1600x512xf32>
    %max3A_90 = arith.maximumf %add3A_87, %max3A_89 : vector<1600x512xf32>
    %reduce_sum3A_91 = arith.constant dense<0.000000e+00> : vector<1600xf32>
    %reduce_sum3A_92 = vector.multi_reduction <add>, %max3A_90, %reduce_sum3A_91 [1] : vector<1600x512xf32> to vector<1600xf32>
    %broadcast_in_dim3A_93 = vector.shape_cast %reduce_sum3A_92 : vector<1600xf32> to vector<1600x1xf32>
    %div3A_94 = arith.constant 5.120000e+02 : f32
    %div3A_95 = vector.broadcast %div3A_94 : f32 to vector<1600x1xf32>
    %div3A_96 = arith.divf %broadcast_in_dim3A_93, %div3A_95 : vector<1600x1xf32>
    %mul3A_97 = arith.mulf %max3A_90, %max3A_90 : vector<1600x512xf32>
    %reduce_sum3A_98 = arith.constant dense<0.000000e+00> : vector<1600xf32>
    %reduce_sum3A_99 = vector.multi_reduction <add>, %mul3A_97, %reduce_sum3A_98 [1] : vector<1600x512xf32> to vector<1600xf32>
    %broadcast_in_dim3A_100 = vector.shape_cast %reduce_sum3A_99 : vector<1600xf32> to vector<1600x1xf32>
    %div3A_101 = arith.constant 5.120000e+02 : f32
    %div3A_102 = vector.broadcast %div3A_101 : f32 to vector<1600x1xf32>
    %div3A_103 = arith.divf %broadcast_in_dim3A_100, %div3A_102 : vector<1600x1xf32>
    %mul3A_104 = arith.mulf %div3A_96, %div3A_96 : vector<1600x1xf32>
    %sub3A_105 = arith.subf %div3A_103, %mul3A_104 : vector<1600x1xf32>
    %add3A_106 = arith.constant 9.99999974E-6 : f32
    %add3A_107 = vector.broadcast %add3A_106 : f32 to vector<1600x1xf32>
    %add3A_108 = arith.addf %sub3A_105, %add3A_107 : vector<1600x1xf32>
    %rsqrt3A_109 = math.rsqrt %add3A_108 : vector<1600x1xf32>
    %sub3A_110 = vector.broadcast %div3A_96 : vector<1600x1xf32> to vector<1600x512xf32>
    %sub3A_111 = arith.subf %max3A_90, %sub3A_110 : vector<1600x512xf32>
    %get3A_112 = arith.constant 4 : index
    %get3A_113 = arith.constant 0 : index
    %get3A_114 = vector.load %arg6[%get3A_112, %get3A_113] : memref<8x512xf32, #tpu.memory_space<vmem>>, vector<1x512xf32>
    %mul3A_115 = vector.broadcast %rsqrt3A_109 : vector<1600x1xf32> to vector<1600x512xf32>
    %mul3A_116 = vector.broadcast %get3A_114 : vector<1x512xf32> to vector<1600x512xf32>
    %mul3A_117 = arith.mulf %mul3A_115, %mul3A_116 : vector<1600x512xf32>
    %mul3A_118 = arith.mulf %sub3A_111, %mul3A_117 : vector<1600x512xf32>
    %get3A_119 = arith.constant 5 : index
    %get3A_120 = arith.constant 0 : index
    %get3A_121 = vector.load %arg6[%get3A_119, %get3A_120] : memref<8x512xf32, #tpu.memory_space<vmem>>, vector<1x512xf32>
    %add3A_122 = vector.broadcast %get3A_121 : vector<1x512xf32> to vector<1600x512xf32>
    %add3A_123 = arith.addf %mul3A_118, %add3A_122 : vector<1600x512xf32>
    %swap3A = arith.constant 0 : index
    %swap3A_124 = arith.constant 0 : index
    %swap3A_125 = vector.load %arg7[%swap3A, %swap3A_124] : memref<1600x512xf32, #tpu.memory_space<vmem>>, vector<1600x512xf32>
    tpu.vector_store %arg7[%swap3A, %swap3A_124], %add3A_123 {strides = array<i32>} : memref<1600x512xf32, #tpu.memory_space<vmem>>, vector<1600x512xf32>,
    return
  }
  func.func @transform_0(%arg0: i32) -> (i32, i32) {
    %c0_i32 = arith.constant 0 : i32
    %c0_i32_0 = arith.constant 0 : i32
    return %arg0, %c0_i32 : i32, i32
  }
  func.func @transform_1(%arg0: i32) -> (i32, i32) {
    %c0_i32 = arith.constant 0 : i32
    %c0_i32_0 = arith.constant 0 : i32
    return %arg0, %c0_i32 : i32, i32
  }
  func.func @transform_2(%arg0: i32) -> (i32, i32) {
    %c0_i32 = arith.constant 0 : i32
    %c0_i32_0 = arith.constant 0 : i32
    %c0_i32_1 = arith.constant 0 : i32
    return %c0_i32, %c0_i32_0 : i32, i32
  }
  func.func @transform_3(%arg0: i32) -> (i32, i32) {
    %c0_i32 = arith.constant 0 : i32
    %c0_i32_0 = arith.constant 0 : i32
    %c0_i32_1 = arith.constant 0 : i32
    return %c0_i32, %c0_i32_0 : i32, i32
  }
  func.func @transform_4(%arg0: i32) -> (i32, i32) {
    %c0_i32 = arith.constant 0 : i32
    %c0_i32_0 = arith.constant 0 : i32
    %c0_i32_1 = arith.constant 0 : i32
    return %c0_i32, %c0_i32_0 : i32, i32
  }
  func.func @transform_5(%arg0: i32) -> (i32, i32) {
    %c0_i32 = arith.constant 0 : i32
    %c0_i32_0 = arith.constant 0 : i32
    %c0_i32_1 = arith.constant 0 : i32
    return %c0_i32, %c0_i32_0 : i32, i32
  }
  func.func @transform_6(%arg0: i32) -> (i32, i32) {
    %c0_i32 = arith.constant 0 : i32
    %c0_i32_0 = arith.constant 0 : i32
    return %arg0, %c0_i32 : i32, i32
  }
}

</mosaic_0001>

<sc_bundles>
// kernel: kernel.11.cloned.1.call-start
scs
__scs_entry_jumppad:
0x0: {  	(pc) =	sbr.rel $0x88, $3  }
0x1: {  	(tag) =	ssettag $0x0;
	lr =	simm.s32 $0x1  }
0x2: {  	[smem:$0x3F91] =	sst lr;
	_ =	strace $0xD0000000  }
0x3: {  	_ = 	snop  }
0x4: {  	_ = 	snop  }
0x5: {  	_ = 	snop  }
0x6: {  	_ = 	snop  }
0x7: {  	_ = 	snop  }
__scs_overlays_trampoline_lowered:
0x8: {  	[smem:$0x3FA0] =	sst s0  }
0x9: {  	[smem:$0x3FA1] =	sst s1  }
0xa: {  	[smem:$0x3FA2] =	sst s2  }
0xb: {  	[smem:$0x3FA3] =	sst s3  }
0xc: {  	[smem:$0x3FA4] =	sst s4  }
0xd: {  	[smem:$0x3FA5] =	sst s5  }
0xe: {  	[smem:$0x3FA6] =	sst s6  }
0xf: {  	[smem:$0x3FA7] =	sst s7  }
0x10: {  	[smem:$0x3FA8] =	sst s8  }
0x11: {  	[smem:$0x3FA9] =	sst s9;
	s0 =	simm.s32 @!p0 $0x0  }
0x12: {  	s1 =	sld [smem:$0x3F8F];
	s0 =	simm.s32 @p0 $0x1  }
0x13: {  	[smem:$0x3FAA] =	sst s0;
	s0 =	simm.s32 @!p1 $0x0  }
0x14: {  	s2 =	sld [smem:$0x3F8E];
	s0 =	simm.s32 @p1 $0x1  }
0x15: {  	[smem:$0x3FAB] =	sst s0;
	s0 =	simm.s32 @!p2 $0x0  }
0x16: {  	s3 =	sld [smem:$0x3FDB];
	s0 =	simm.s32 @p2 $0x1  }
0x17: {  	s4 =	simm.s32 $0x1BF5;
	[smem:$0x3FAD] =	sst s0  }
0x18: {  	s0 =	sld [smem:$0x3F90];
	_ =	swait.ge [sflag:s4], $0x0  }
0x19: {  	s7 =	sld [smem:$0x3F91]  }
0x1a: {  	s8 =	sadd.s32 $0xFFFFE003, lr  }
0x1b: {  	s9 =	sadd.s32 $0xFFFFFEF7, lr;
	s5 =	simm.s32 $0xFFFFFFFF;
	p2 =	slt.u32 s8, $0xFFFFF086  }
0x1c: {  	p1 =	slt.u32 s9, $0xF7A;
	s5 =	simm.s32 @!p2 $0x0  }
0x1d: {  	s5 =	simm.s32 @p1 $0x1;
	p0 =	seq.s32 s7, s2  }
0x1e: {  	s7 =	smul.u32 @!p0 $0xF7A, s2;
	p2 =	seq.s32 @!p0 s5, $0x0  }
0x1f: {  	s9 =	smul.u32 $0xF7A, s1;
	s8 =	simm.s32 @!p0 $0x1BF5;
	p2 =	por !p2, p0  }
0x20: {  	[sflag:s8] =	ssyncset.s32 @!p0 $0xFFFFF086;
	s6 =	sadd.s32 @!p0 s3, s7;
	s7 =	simm.s32 @!p0 $0x108  }
0x21: {  	s3 =	sadd.s32 s3, s9;
	s6 =	sadd.s32 @!p0 $0x88, s6;
	s7 =	simm.s32 @p2 $0x1082  }
0x22: {  	[simem:s7], [sflag:s8] =	dma.local @!p0 [hbm:s6], $0xF7A  }
0x23: {  	s9 =	sor.u32 $0xD0000000, s2;
	s6 =	simm.s32 $0x108;
	_ =	swait.ge @!p0 [sflag:s8], $0x0  }
0x24: {  	s3 =	sadd.s32 $0x88, s3;
	s6 =	simm.s32 @!p1 $0x1082;
	[sflag:s4] =	ssyncset.s32 $0xFFFFF086  }
0x25: {  	[simem:s6], [sflag:s4] =	dma.local [hbm:s3], $0xF7A  }
0x26: {  	[smem:$0x3F91] =	sst s1;
	(tag) =	ssettag s2;
	_ =	strace s9  }
0x27: {  	s1 =	sld [smem:$0x3FA1]  }
0x28: {  	s2 =	sld [smem:$0x3FA2]  }
0x29: {  	s4 =	sld [smem:$0x3FA4]  }
0x2a: {  	p0 =	seq.s32 s5, $0x0;
	s5 =	sld [smem:$0x3FA5]  }
0x2b: {  	s6 =	sld [smem:$0x3FA6]  }
0x2c: {  	s7 =	sld [smem:$0x3FA7]  }
0x2d: {  	s3 =	simm.s32 $0x108;
	s8 =	sld [smem:$0x3FA8]  }
0x2e: {  	s3 =	simm.s32 @!p0 $0x1082;
	s9 =	sld [smem:$0x3FA9]  }
0x2f: {  	lr =	sadd.s32 s0, s3;
	s0 =	sld [smem:$0x3FA0]  }
0x30: {  	s3 =	sld [smem:$0x3FA3]  }
0x31: {  	[smem:$0x3FAC] =	sst s10  }
0x32: {  	s10 =	sld [smem:$0x3FAA];
	_ =	sdelay $0x3  }
0x33: {  	p0 =	seq.s32 s10, $0x1;
	s10 =	sld [smem:$0x3FAC];
	_ =	sdelay $0x3  }
0x34: {  	[smem:$0x3FAC] =	sst s10  }
0x35: {  	s10 =	sld [smem:$0x3FAB];
	_ =	sdelay $0x3  }
0x36: {  	p1 =	seq.s32 s10, $0x1;
	s10 =	sld [smem:$0x3FAC];
	_ =	sdelay $0x3  }
0x37: {  	[smem:$0x3FAC] =	sst s10  }
0x38: {  	s10 =	sld [smem:$0x3FAD]  }
0x39: {  	_ = 	snop;
	(pc) =	sbr.ind lr, $3  }
0x3a: {  	_ = 	snop  }
0x3b: {  	_ = 	snop  }
0x3c: {  	p2 =	seq.s32 s10, $0x1;
	s10 =	sld [smem:$0x3FAC]  }
0x3d: {  	_ =	shalt  }
0x3e: {  	_ =	shalt  }
0x3f: {  	_ =	shalt  }
0x40: {  	_ =	shalt  }
0x41: {  	_ =	shalt  }
0x42: {  	_ =	shalt  }
0x43: {  	_ =	shalt  }
0x44: {  	_ =	shalt  }
0x45: {  	_ =	shalt  }
0x46: {  	_ =	shalt  }
0x47: {  	_ =	shalt  }
0x48: {  	_ =	shalt  }
0x49: {  	_ =	shalt  }
0x4a: {  	_ =	shalt  }
0x4b: {  	_ =	shalt  }
0x4c: {  	_ =	shalt  }
0x4d: {  	_ =	shalt  }
0x4e: {  	_ =	shalt  }
0x4f: {  	_ =	shalt  }
0x50: {  	_ =	shalt  }
0x51: {  	_ =	shalt  }
0x52: {  	_ =	shalt  }
0x53: {  	_ =	shalt  }
0x54: {  	_ =	shalt  }
0x55: {  	_ =	shalt  }
0x56: {  	_ =	shalt  }
0x57: {  	_ =	shalt  }
0x58: {  	_ =	shalt  }
0x59: {  	_ =	shalt  }
0x5a: {  	_ =	shalt  }
0x5b: {  	_ =	shalt  }
0x5c: {  	_ =	shalt  }
0x5d: {  	_ =	shalt  }
0x5e: {  	_ =	shalt  }
0x5f: {  	_ =	shalt  }
0x60: {  	_ =	shalt  }
0x61: {  	_ =	shalt  }
0x62: {  	_ =	shalt  }
0x63: {  	_ =	shalt  }
0x64: {  	_ =	shalt  }
0x65: {  	_ =	shalt  }
0x66: {  	_ =	shalt  }
0x67: {  	_ =	shalt  }
0x68: {  	_ =	shalt  }
0x69: {  	_ =	shalt  }
0x6a: {  	_ =	shalt  }
0x6b: {  	_ =	shalt  }
0x6c: {  	_ =	shalt  }
0x6d: {  	_ =	shalt  }
0x6e: {  	_ =	shalt  }
0x6f: {  	_ =	shalt  }
0x70: {  	_ =	shalt  }
0x71: {  	_ =	shalt  }
0x72: {  	_ =	shalt  }
0x73: {  	_ =	shalt  }
0x74: {  	_ =	shalt  }
0x75: {  	_ =	shalt  }
0x76: {  	_ =	shalt  }
0x77: {  	_ =	shalt  }
0x78: {  	_ =	shalt  }
0x79: {  	_ =	shalt  }
0x7a: {  	_ =	shalt  }
0x7b: {  	_ =	shalt  }
0x7c: {  	_ =	shalt  }
0x7d: {  	_ =	shalt  }
0x7e: {  	_ =	shalt  }
0x7f: {  	_ =	shalt  }
0x80: {  	_ =	shalt  }
0x81: {  	_ =	shalt  }
0x82: {  	_ =	shalt  }
0x83: {  	_ =	shalt  }
0x84: {  	_ =	shalt  }
0x85: {  	_ =	shalt  }
0x86: {  	_ =	shalt  }
0x87: {  	_ =	shalt  }
.Lfunc_end0:
.L_simem_size_0:
called_computation.1_lowered:
.L_overlay_start_0:
0x88: {  	s2 =	sld [smem:$0x3FD9]  }
0x89: {  	s3 =	sld [smem:$0x3FFE];
	_ =	sdelay $0x1  }
0x8a: {  	s1 =	srdreg.scid  }
0x8b: {  	s0 =	sand.u32 $0x1, s1  }
0x8c: {  	s17 =	sshll.u32 s0, $0xA;
	s2 =	sadd.s32 s3, s2  }
0x8d: {  	s2 =	sadd.s32 s2, s17  }
0x8e: {  	[smem:$0x3FB8] =	sst s2  }
0x8f: {  	_ = 	snop  }
0x90: {  	s2 =	sld [smem:$0x3FD0];
	(tm) =	ssettm $0x1  }
0x91: {  	s18 =	sld [smem:$0x3FFB];
	_ =	sdelay $0x3  }
0x92: {  	_ =	strace s18  }
0x93: {  	s3 =	sld [smem:$0x3FFC];
	_ =	sdelay $0x3  }
0x94: {  	_ =	strace s3  }
0x95: {  	s3 =	sld [smem:$0x3FFD];
	_ =	sdelay $0x3  }
0x96: {  	_ =	strace s3  }
0x97: {  	_ =	strace $0x8FFFFFFF  }
0x98: {  	s19 =	sld [smem:$0x3FDB];
	_ =	sdelay $0x1  }
0x99: {  	s4 =	simm.s32 $_scs_section_size  }
0x9a: {  	s5 =	simm.s32 $_size__tile_overlayer_lowered;
	s6 =	simm.s32 $_tile_overlayer_lowered  }
0x9b: {  	s22 =	simm.s32 $0x1BFF;
	s21 =	sshll.u32 s6, $0x1;
	s3 =	sadd.s32 s4, s19  }
0x9c: {  	s7 =	simm.s32 $0x0;
	s20 =	sshll.u32 s5, $0x1;
	s5 =	sadd.s32 s21, s3  }
0x9d: {  	[timem:s7], [sflag:s22] =	dma.local [hbm:s5], s20  }
0x9e: {  	_ =	swait.ge [sflag:s22], s20  }
0x9f: {  	s4 =	ssub.s32 $0x0, s20;
	[sflag:s22] =	ssyncset.done $0x0  }
0xa0: {  	[sflag:s22] =	ssyncadd.s32 s4;
	_ =	sdelay $0x1  }
0xa1: {  	s23 =	simm.s32 $0x1B8B  }
0xa2: {  	_ =	swait.ge [sflag:s23], $0x1  }
0xa3: {  	[sflag:s23] =	ssyncset.done $0x0  }
0xa4: {  	s25 =	simm.s32 $0x1B8E;
	s24 =	sld [smem:$0x3FFE];
	[sflag:s23] =	ssyncadd.s32 $0xFFFFFFFF  }
0xa5: {  	s26 =	simm.s32 $execute0_lowered;
	[smem:$0x3FD2] =	sst s25  }
0xa6: {  	s5 =	sshll.u32 s26, $0x1;
	_ =	strace $0x80000046;
	[dreg:$0x1] =	wrdreg $0xFFFFFFFF  }
0xa7: {  	s28 =	simm.s32 $_size_execute0_lowered;
	s3 =	sadd.s32 s3, s5;
	[dreg:$0x0] =	wrdreg $0x0  }
0xa8: {  	s5 =	sshll.u32 s28, $0x1;
	[dreg:$0x2] =	wrdreg s3  }
0xa9: {  	[dreg:$0x3] =	wrdreg s5  }
0xaa: {  	[dreg:$0x4] =	wrdreg $0xC0  }
0xab: {  	_ =	task [dreg:s7], $0x5FFFF  }
0xac: {  	[dreg:$0x1] =	wrdreg $0xFFFFFFFF  }
0xad: {  	[dreg:$0x0] =	wrdreg $0x60  }
0xae: {  	[dreg:$0x2] =	wrdreg s2  }
0xaf: {  	[dreg:$0x3] =	wrdreg s24  }
0xb0: {  	[dreg:$0x4] =	wrdreg $0xA  }
0xb1: {  	_ =	task.clear_ibuf [dreg:s7], $0x5FFFF;
	_ =	strace $0x90000046  }
0xb2: {  	s29 =	simm.s32 $0xA;
	_ =	strace $0x80000048  }
0xb3: {  	_ =	swait.ge [sflag:s29], $0x1  }
0xb4: {  	[sflag:s29] =	ssyncadd.s32 $0xFFFFFFFF  }
0xb5: {  	_ =	strace $0x90000048  }
0xb6: {  	_ =	sfence  }
0xb7: {  	s30 =	sld [smem:$0x0];
	_ =	sdelay $0x2  }
0xb8: {  	s31 =	sshll.u32 s1, $0xD;
	s1 =	sshrl.u32 s1, $0x2  }
0xb9: {  	s3 =	sand.u32 $0x4000, s31;
	s1 =	sadd.s32 s1, s30  }
0xba: {  	s0 =	sor.u32 s3, s0;
	s1 =	sshll.u32 s1, $0x11  }
0xbb: {  	s0 =	sor.u32 s1, s0  }
0xbc: {  	s0 =	sadd.s32 $0x8F2B, s0  }
0xbd: {  	[sflag:s0] =	ssyncadd.remote.s32 $0x1  }
0xbe: {  	_ =	sfence.sel $0xFFFF  }
0xbf: {  	[dreg:$0x0] =	wrdreg $0xFFFFFFFF;
	(pc) =	sbr.abs _section_cstart, $3  }
0xc0: {  	[dreg:$0x1] =	wrdreg $0xFFFFFFFF  }
0xc1: {  	_ =	task.clear_ibuf [dreg:s7], $0x2FFFF;
	_ =	strace $0x9FFFFFFF  }
0xc2: {  	(tm) =	ssettm $0x7FFFFFFF  }
0xc3: {  	_ =	shalt  }
tec
execute0_lowered:
.L_overlay_start_1:
0x0: {  	(tag) =	ssettag $0x1  }
0x1: {  	s0 =	srdreg.scid;
	s2 =	rddreg [dreg:$0x0]  }
0x2: {  	s26 =	stileid.u32;
	s6 =	rddreg [dreg:$0x1];
	s3 =	simm.s32 $0x0  }
0x3: {  	s17 =	simm.s32 $0x5900;
	s16 =	simm.s32 $0x1900;
	s18 =	simm.s32 $0x6100  }
0x4: {  	s19 =	simm.s32 $0x6900;
	s20 =	simm.s32 $0x7100;
	s21 =	simm.s32 $0x7900  }
0x5: {  	s22 =	simm.s32 $0x8100;
	s23 =	simm.s32 $0x8900;
	s24 =	simm.s32 $0x9100  }
0x6: {  	s25 =	simm.s32 $0x9900;
	s28 =	simm.s32 $0x2;
	s29 =	simm.s32 $0x0  }
0x7: {  	s8 =	sand.u32 $0x1, s0;
	[smem:$0x7FF] =	sst s3;
	s4 =	sadd.s32 $0x6000, s6  }
0x8: {  	s6 =	sadd.s32 $0x8800, s6;
	_ =	strace $0x80000047;
	[dreg:$0x3] =	wrdreg s17  }
0x9: {  	s13 =	smul.u32 $0x1F, s26;
	s1 =	sshll.u32 s8, $0x4;
	[dreg:$0x4] =	wrdreg s18  }
0xa: {  	s10 =	ssub.s32 $0x2, s8;
	s8 =	smul.u32 $0x1F0, s8;
	[dreg:$0x5] =	wrdreg s19  }
0xb: {  	s17 =	simm.s32 $0x2100;
	s18 =	simm.s32 $0x2900;
	[dreg:$0x6] =	wrdreg s20  }
0xc: {  	s19 =	simm.s32 $0x3100;
	s20 =	simm.s32 $0x3900;
	[dreg:$0x7] =	wrdreg s21  }
0xd: {  	s21 =	simm.s32 $0x4100;
	[dreg:$0x8] =	wrdreg s22;
	s22 =	simm.s32 $0x4900  }
0xe: {  	[dreg:$0x9] =	wrdreg s23;
	s23 =	simm.s32 $0x80;
	s7 =	sor.u32 s26, s1  }
0xf: {  	[dreg:$0xa] =	wrdreg s24;
	s24 =	simm.s32 $0x5100;
	s5 =	smul.u32 $0x1F, s7  }
0x10: {  	[dreg:$0xb] =	wrdreg s25;
	s25 =	simm.s32 $0x1;
	s9 =	smin.u32 s7, $0x8  }
0x11: {  	s12 =	sshrl.u32 s10, $0x1;
	p0 =	slt.u32 s7, $0x8;
	s5 =	sadd.s32 s9, s5  }
0x12: {  	s7 =	simm.s32 $0x1F;
	s8 =	sor.u32 s8, s9;
	s11 =	smul.u32 $0x50, s5  }
0x13: {  	s7 =	simm.s32 @!p0 $0x1E;
	s8 =	sadd.s32 s13, s8;
	s14 =	smul.u32 $0xA, s5  }
0x14: {  	s26 =	simm.s32 $0x3;
	s15 =	sadd.s32 s7, s5;
	s13 =	smul.u32 $0xA00, s8  }
0x15: {  	s12 =	ssub.s32 s10, s12;
	s31 =	smul.u32 $0xA00, s15;
	s15 =	simm.s32 $0x1100  }
0x16: {  	v2 =	vlaneseq.u32;
	s30 =	sshrl.u32 s11, $0x3;
	s8 =	sadd.s32 s4, s14;
	s11 =	smax.u32 s12, $0x1  }
0x17: {  	vm0 =	vmmov $0xffff;
	v1 =	vshrl.u32 v2, $0x3;
	s12 =	sadd.s32 s13, s6;
	s13 =	simm.s32 $0x100;
	s9 =	sadd.s32 s4, s30  }
0x18: {  	v0 =	vand.u32 $0x7, v2;
	v2 =	vor.u32 $0x8, v2;
	v1 =	vmul.u32 $0x8, v1;
	s14 =	simm.s32 $0x900;
	s10 =	sadd.s32 s6, s31;
	s9 =	sadd.s32 $0xA, s9  }
.LBB2_1:
0x19: {  	[tilespmem:s3], [sflag:$0x3] =	stream.linear.gather [hbm4b:s8+s3], $0x50, $0x38;
	[tilespmem:$0xA100] =	vst v63  }
0x1a: {  	_ =	swait.ge [sflag:s26], $0x50  }
0x1b: {  	[sflag:s26] =	ssyncset.done $0x0  }
0x1c: {  	[sflag:s26] =	ssyncadd.s32 $0xFFFFFFB0  }
0x1d: {  	v3 =	vld [tilespmem:$0x0];
	_ =	sdelay $0x4  }
0x1e: {  	v4 =	vshll.u32 v3, $0x1  }
0x1f: {  	v3 =	vand.u32 $0x7, v3;
	v4 =	vand.u32 $0xFFFFFFF0, v4  }
0x20: {  	v3 =	vor.u32 v3, v4  }
0x21: {  	v4 =	vperm.xlane v3, v0;
	_ =	sdelay $0x1  }
0x22: {  	v3 =	vperm.xlane v3, v2;
	v4 =	vadd.s32 v1, v4;
	_ =	sdelay $0x1  }
0x23: {  	v3 =	vadd.s32 v1, v3;
	_ =	sdelay $0x2  }
0x24: {  	[tilespmem:s13], [sflag:$0x1] =	stream.indirect_vreg.gather [hbm4b:s2+s3], $0x80, v4, vm0, $0xb8;
	[tilespmem:$0xA100] =	vst v63  }
0x25: {  	_ = 	snop  }
0x26: {  	[tilespmem:s14], [sflag:$0x1] =	stream.indirect_vreg.gather [hbm4b:s2+s3], $0x80, v3, vm0, $0xb8;
	[tilespmem:$0xA100] =	vst v63  }
0x27: {  	v3 =	vld [tilespmem:$0x10];
	_ =	sdelay $0x4  }
0x28: {  	v60 =	vshll.u32 v3, $0x1  }
0x29: {  	v3 =	vand.u32 $0x7, v3;
	v4 =	vand.u32 $0xFFFFFFF0, v60  }
0x2a: {  	v3 =	vor.u32 v3, v4  }
0x2b: {  	v4 =	vperm.xlane v3, v0;
	_ =	sdelay $0x1  }
0x2c: {  	v3 =	vperm.xlane v3, v2;
	v4 =	vadd.s32 v1, v4;
	_ =	sdelay $0x1  }
0x2d: {  	v3 =	vadd.s32 v1, v3;
	_ =	sdelay $0x2  }
0x2e: {  	[tilespmem:s15], [sflag:$0x1] =	stream.indirect_vreg.gather [hbm4b:s2+s3], $0x80, v4, vm0, $0xb8;
	[tilespmem:$0xA100] =	vst v63  }
0x2f: {  	_ = 	snop  }
0x30: {  	[tilespmem:s16], [sflag:$0x1] =	stream.indirect_vreg.gather [hbm4b:s2+s3], $0x80, v3, vm0, $0xb8;
	[tilespmem:$0xA100] =	vst v63  }
0x31: {  	v3 =	vld [tilespmem:$0x20];
	_ =	sdelay $0x4  }
0x32: {  	v61 =	vshll.u32 v3, $0x1  }
0x33: {  	v3 =	vand.u32 $0x7, v3;
	v4 =	vand.u32 $0xFFFFFFF0, v61  }
0x34: {  	v3 =	vor.u32 v3, v4  }
0x35: {  	v4 =	vperm.xlane v3, v0;
	_ =	sdelay $0x1  }
0x36: {  	v3 =	vperm.xlane v3, v2;
	v4 =	vadd.s32 v1, v4;
	_ =	sdelay $0x1  }
0x37: {  	v3 =	vadd.s32 v1, v3;
	_ =	sdelay $0x2  }
0x38: {  	[tilespmem:s17], [sflag:$0x1] =	stream.indirect_vreg.gather [hbm4b:s2+s3], $0x80, v4, vm0, $0xb8;
	[tilespmem:$0xA100] =	vst v63  }
0x39: {  	_ = 	snop  }
0x3a: {  	[tilespmem:s18], [sflag:$0x1] =	stream.indirect_vreg.gather [hbm4b:s2+s3], $0x80, v3, vm0, $0xb8;
	[tilespmem:$0xA100] =	vst v63  }
0x3b: {  	v3 =	vld [tilespmem:$0x30];
	_ =	sdelay $0x4  }
0x3c: {  	v62 =	vshll.u32 v3, $0x1  }
0x3d: {  	v3 =	vand.u32 $0x7, v3;
	v4 =	vand.u32 $0xFFFFFFF0, v62  }
0x3e: {  	v3 =	vor.u32 v3, v4  }
0x3f: {  	v4 =	vperm.xlane v3, v0;
	_ =	sdelay $0x1  }
0x40: {  	v3 =	vperm.xlane v3, v2;
	v4 =	vadd.s32 v1, v4;
	_ =	sdelay $0x1  }
0x41: {  	v3 =	vadd.s32 v1, v3;
	_ =	sdelay $0x2  }
0x42: {  	[tilespmem:s19], [sflag:$0x1] =	stream.indirect_vreg.gather [hbm4b:s2+s3], $0x80, v4, vm0, $0xb8;
	[tilespmem:$0xA100] =	vst v63  }
0x43: {  	_ = 	snop  }
0x44: {  	[tilespmem:s20], [sflag:$0x1] =	stream.indirect_vreg.gather [hbm4b:s2+s3], $0x80, v3, vm0, $0xb8;
	[tilespmem:$0xA100] =	vst v63  }
0x45: {  	v3 =	vld [tilespmem:$0x40];
	_ =	sdelay $0x4  }
0x46: {  	v63 =	vshll.u32 v3, $0x1  }
0x47: {  	v3 =	vand.u32 $0x7, v3;
	v4 =	vand.u32 $0xFFFFFFF0, v63  }
0x48: {  	v3 =	vor.u32 v3, v4  }
0x49: {  	v4 =	vperm.xlane v3, v0;
	_ =	sdelay $0x1  }
0x4a: {  	v3 =	vperm.xlane v3, v2;
	v4 =	vadd.s32 v1, v4;
	_ =	sdelay $0x1  }
0x4b: {  	v3 =	vadd.s32 v1, v3;
	_ =	sdelay $0x2  }
0x4c: {  	[tilespmem:s21], [sflag:$0x1] =	stream.indirect_vreg.gather [hbm4b:s2+s3], $0x80, v4, vm0, $0xb8;
	[tilespmem:$0xA100] =	vst v63  }
0x4d: {  	_ = 	snop  }
0x4e: {  	[tilespmem:s22], [sflag:$0x1] =	stream.indirect_vreg.gather [hbm4b:s2+s3], $0x80, v3, vm0, $0xb8;
	[tilespmem:$0xA100] =	vst v63  }
0x4f: {  	_ = 	snop  }
0x50: {  	[tilespmem:s23], [sflag:$0x3] =	stream.linear.gather [hbm4b:s9+s3], $0x50, $0x38;
	[tilespmem:$0xA100] =	vst v63  }
0x51: {  	_ =	swait.ge [sflag:s26], $0x50  }
0x52: {  	[sflag:s26] =	ssyncset.done $0x0  }
0x53: {  	s30 =	smov.u32 s12;
	s31 =	simm.s32 $0x3;
	[sflag:s26] =	ssyncadd.s32 $0xFFFFFFB0  }
.LBB2_2:
0x54: {  	v3 =	vld [tilespmem:$0x80];
	_ =	sdelay $0x4  }
0x55: {  	v4 =	vshll.u32 v3, $0x1  }
0x56: {  	v3 =	vand.u32 $0x7, v3;
	v4 =	vand.u32 $0xFFFFFFF0, v4  }
0x57: {  	v3 =	vor.u32 v3, v4  }
0x58: {  	v4 =	vperm.xlane v3, v0;
	_ =	sdelay $0x1  }
0x59: {  	v3 =	vperm.xlane v3, v2;
	v4 =	vadd.s32 v1, v4;
	_ =	sdelay $0x1  }
0x5a: {  	v3 =	vadd.s32 v1, v3;
	_ =	sdelay $0x2  }
0x5b: {  	[tilespmem:s24], [sflag:$0x2] =	stream.indirect_vreg.gather [hbm4b:s2+s3], $0x80, v4, vm0, $0xb8;
	[tilespmem:$0xA100] =	vst v63  }
0x5c: {  	s1 =	rddreg [dreg:$0x3]  }
0x5d: {  	[tilespmem:s1], [sflag:$0x2] =	stream.indirect_vreg.gather [hbm4b:s2+s3], $0x80, v3, vm0, $0xb8;
	[tilespmem:$0xA100] =	vst v63  }
0x5e: {  	v3 =	vld [tilespmem:$0x90];
	_ =	sdelay $0x4  }
0x5f: {  	v55 =	vshll.u32 v3, $0x1  }
0x60: {  	v3 =	vand.u32 $0x7, v3;
	v4 =	vand.u32 $0xFFFFFFF0, v55  }
0x61: {  	v3 =	vor.u32 v3, v4  }
0x62: {  	v4 =	vperm.xlane v3, v0;
	_ =	sdelay $0x1  }
0x63: {  	v3 =	vperm.xlane v3, v2;
	v4 =	vadd.s32 v1, v4;
	_ =	sdelay $0x1  }
0x64: {  	v3 =	vadd.s32 v1, v3;
	_ =	sdelay $0x1  }
0x65: {  	s1 =	rddreg [dreg:$0x4]  }
0x66: {  	[tilespmem:s1], [sflag:$0x2] =	stream.indirect_vreg.gather [hbm4b:s2+s3], $0x80, v4, vm0, $0xb8;
	[tilespmem:$0xA100] =	vst v63  }
0x67: {  	s0 =	rddreg [dreg:$0x5]  }
0x68: {  	[tilespmem:s0], [sflag:$0x2] =	stream.indirect_vreg.gather [hbm4b:s2+s3], $0x80, v3, vm0, $0xb8;
	[tilespmem:$0xA100] =	vst v63  }
0x69: {  	v3 =	vld [tilespmem:$0xA0];
	_ =	sdelay $0x4  }
0x6a: {  	v56 =	vshll.u32 v3, $0x1  }
0x6b: {  	v3 =	vand.u32 $0x7, v3;
	v4 =	vand.u32 $0xFFFFFFF0, v56  }
0x6c: {  	v3 =	vor.u32 v3, v4  }
0x6d: {  	v4 =	vperm.xlane v3, v0;
	_ =	sdelay $0x1  }
0x6e: {  	v3 =	vperm.xlane v3, v2;
	v4 =	vadd.s32 v1, v4;
	_ =	sdelay $0x1  }
0x6f: {  	v3 =	vadd.s32 v1, v3;
	_ =	sdelay $0x1  }
0x70: {  	s0 =	rddreg [dreg:$0x6]  }
0x71: {  	[tilespmem:s0], [sflag:$0x2] =	stream.indirect_vreg.gather [hbm4b:s2+s3], $0x80, v4, vm0, $0xb8;
	[tilespmem:$0xA100] =	vst v63  }
0x72: {  	s1 =	rddreg [dreg:$0x7]  }
0x73: {  	[tilespmem:s1], [sflag:$0x2] =	stream.indirect_vreg.gather [hbm4b:s2+s3], $0x80, v3, vm0, $0xb8;
	[tilespmem:$0xA100] =	vst v63  }
0x74: {  	v3 =	vld [tilespmem:$0xB0];
	_ =	sdelay $0x4  }
0x75: {  	v57 =	vshll.u32 v3, $0x1  }
0x76: {  	v3 =	vand.u32 $0x7, v3;
	v4 =	vand.u32 $0xFFFFFFF0, v57  }
0x77: {  	v3 =	vor.u32 v3, v4  }
0x78: {  	v4 =	vperm.xlane v3, v0;
	_ =	sdelay $0x1  }
0x79: {  	v3 =	vperm.xlane v3, v2;
	v4 =	vadd.s32 v1, v4;
	_ =	sdelay $0x1  }
0x7a: {  	v3 =	vadd.s32 v1, v3;
	_ =	sdelay $0x1  }
0x7b: {  	s0 =	rddreg [dreg:$0x8]  }
0x7c: {  	[tilespmem:s0], [sflag:$0x2] =	stream.indirect_vreg.gather [hbm4b:s2+s3], $0x80, v4, vm0, $0xb8;
	[tilespmem:$0xA100] =	vst v63  }
0x7d: {  	s1 =	rddreg [dreg:$0x9]  }
0x7e: {  	[tilespmem:s1], [sflag:$0x2] =	stream.indirect_vreg.gather [hbm4b:s2+s3], $0x80, v3, vm0, $0xb8;
	[tilespmem:$0xA100] =	vst v63  }
0x7f: {  	v3 =	vld [tilespmem:$0xC0];
	_ =	sdelay $0x4  }
0x80: {  	v58 =	vshll.u32 v3, $0x1  }
0x81: {  	v3 =	vand.u32 $0x7, v3;
	v4 =	vand.u32 $0xFFFFFFF0, v58  }
0x82: {  	v3 =	vor.u32 v3, v4  }
0x83: {  	v4 =	vperm.xlane v3, v0;
	_ =	sdelay $0x1  }
0x84: {  	v3 =	vperm.xlane v3, v2;
	v4 =	vadd.s32 v1, v4;
	_ =	sdelay $0x1  }
0x85: {  	v3 =	vadd.s32 v1, v3;
	_ =	sdelay $0x1  }
0x86: {  	s0 =	rddreg [dreg:$0xa]  }
0x87: {  	[tilespmem:s0], [sflag:$0x2] =	stream.indirect_vreg.gather [hbm4b:s2+s3], $0x80, v4, vm0, $0xb8;
	[tilespmem:$0xA100] =	vst v63  }
0x88: {  	s1 =	rddreg [dreg:$0xb];
	s0 =	sadd.s32 $0xFFFFFFFF, s31  }
0x89: {  	[tilespmem:s1], [sflag:$0x2] =	stream.indirect_vreg.gather [hbm4b:s2+s3], $0x80, v3, vm0, $0xb8;
	[tilespmem:$0xA100] =	vst v63  }
0x8a: {  	p0 =	slt.s32 s0, s7;
	s1 =	smov.u32 s7;
	_ =	swait.ge [sflag:s25], $0x5000  }
0x8b: {  	s1 =	smov.u32 @p0 s0;
	[sflag:s25] =	ssyncset.done $0x0  }
0x8c: {  	s0 =	sadd.s32 s5, s1;
	[sflag:s25] =	ssyncadd.s32 $0xFFFFB000  }
0x8d: {  	[hbm4b:s30+s3] =	stream.linear.scatter [tilespmem:s13], [sflag:$0x3], $0x5000, $0x38;
	[tilespmem:$0xA100] =	vst v63  }
0x8e: {  	s0 =	smul.u32 $0xA, s0;
	_ =	swait.ge [sflag:s26], $0x5000  }
0x8f: {  	[sflag:s26] =	ssyncset.done $0x0  }
0x90: {  	s0 =	sadd.s32 s4, s0;
	[sflag:s26] =	ssyncadd.s32 $0xFFFFB000  }
0x91: {  	[tilespmem:s3], [sflag:$0x3] =	stream.linear.gather [hbm4b:s0+s3], $0x50, $0x38;
	[tilespmem:$0xA100] =	vst v63  }
0x92: {  	_ =	swait.ge [sflag:s26], $0x50  }
0x93: {  	[sflag:s26] =	ssyncset.done $0x0  }
0x94: {  	[sflag:s26] =	ssyncadd.s32 $0xFFFFFFB0  }
0x95: {  	v3 =	vld [tilespmem:$0x0];
	_ =	sdelay $0x4  }
0x96: {  	v59 =	vshll.u32 v3, $0x1  }
0x97: {  	v3 =	vand.u32 $0x7, v3;
	v4 =	vand.u32 $0xFFFFFFF0, v59  }
0x98: {  	v3 =	vor.u32 v3, v4  }
0x99: {  	v4 =	vperm.xlane v3, v0;
	_ =	sdelay $0x1  }
0x9a: {  	v3 =	vperm.xlane v3, v2;
	v4 =	vadd.s32 v1, v4;
	_ =	sdelay $0x1  }
0x9b: {  	v3 =	vadd.s32 v1, v3;
	_ =	sdelay $0x2  }
0x9c: {  	[tilespmem:s13], [sflag:$0x1] =	stream.indirect_vreg.gather [hbm4b:s2+s3], $0x80, v4, vm0, $0xb8;
	[tilespmem:$0xA100] =	vst v63  }
0x9d: {  	_ = 	snop  }
0x9e: {  	[tilespmem:s14], [sflag:$0x1] =	stream.indirect_vreg.gather [hbm4b:s2+s3], $0x80, v3, vm0, $0xb8;
	[tilespmem:$0xA100] =	vst v63  }
0x9f: {  	v3 =	vld [tilespmem:$0x10];
	_ =	sdelay $0x4  }
0xa0: {  	v60 =	vshll.u32 v3, $0x1  }
0xa1: {  	v3 =	vand.u32 $0x7, v3;
	v4 =	vand.u32 $0xFFFFFFF0, v60  }
0xa2: {  	v3 =	vor.u32 v3, v4  }
0xa3: {  	v4 =	vperm.xlane v3, v0;
	_ =	sdelay $0x1  }
0xa4: {  	v3 =	vperm.xlane v3, v2;
	v4 =	vadd.s32 v1, v4;
	_ =	sdelay $0x1  }
0xa5: {  	v3 =	vadd.s32 v1, v3;
	_ =	sdelay $0x2  }
0xa6: {  	[tilespmem:s15], [sflag:$0x1] =	stream.indirect_vreg.gather [hbm4b:s2+s3], $0x80, v4, vm0, $0xb8;
	[tilespmem:$0xA100] =	vst v63  }
0xa7: {  	_ = 	snop  }
0xa8: {  	[tilespmem:s16], [sflag:$0x1] =	stream.indirect_vreg.gather [hbm4b:s2+s3], $0x80, v3, vm0, $0xb8;
	[tilespmem:$0xA100] =	vst v63  }
0xa9: {  	v3 =	vld [tilespmem:$0x20];
	_ =	sdelay $0x4  }
0xaa: {  	v61 =	vshll.u32 v3, $0x1  }
0xab: {  	v3 =	vand.u32 $0x7, v3;
	v4 =	vand.u32 $0xFFFFFFF0, v61  }
0xac: {  	v3 =	vor.u32 v3, v4  }
0xad: {  	v4 =	vperm.xlane v3, v0;
	_ =	sdelay $0x1  }
0xae: {  	v3 =	vperm.xlane v3, v2;
	v4 =	vadd.s32 v1, v4;
	_ =	sdelay $0x1  }
0xaf: {  	v3 =	vadd.s32 v1, v3;
	_ =	sdelay $0x2  }
0xb0: {  	[tilespmem:s17], [sflag:$0x1] =	stream.indirect_vreg.gather [hbm4b:s2+s3], $0x80, v4, vm0, $0xb8;
	[tilespmem:$0xA100] =	vst v63  }
0xb1: {  	_ = 	snop  }
0xb2: {  	[tilespmem:s18], [sflag:$0x1] =	stream.indirect_vreg.gather [hbm4b:s2+s3], $0x80, v3, vm0, $0xb8;
	[tilespmem:$0xA100] =	vst v63  }
0xb3: {  	v3 =	vld [tilespmem:$0x30];
	_ =	sdelay $0x4  }
0xb4: {  	v62 =	vshll.u32 v3, $0x1  }
0xb5: {  	v3 =	vand.u32 $0x7, v3;
	v4 =	vand.u32 $0xFFFFFFF0, v62  }
0xb6: {  	v3 =	vor.u32 v3, v4  }
0xb7: {  	v4 =	vperm.xlane v3, v0;
	_ =	sdelay $0x1  }
0xb8: {  	v3 =	vperm.xlane v3, v2;
	v4 =	vadd.s32 v1, v4;
	_ =	sdelay $0x1  }
0xb9: {  	v3 =	vadd.s32 v1, v3;
	_ =	sdelay $0x2  }
0xba: {  	[tilespmem:s19], [sflag:$0x1] =	stream.indirect_vreg.gather [hbm4b:s2+s3], $0x80, v4, vm0, $0xb8;
	[tilespmem:$0xA100] =	vst v63  }
0xbb: {  	_ = 	snop  }
0xbc: {  	[tilespmem:s20], [sflag:$0x1] =	stream.indirect_vreg.gather [hbm4b:s2+s3], $0x80, v3, vm0, $0xb8;
	[tilespmem:$0xA100] =	vst v63  }
0xbd: {  	v3 =	vld [tilespmem:$0x40];
	_ =	sdelay $0x4  }
0xbe: {  	v63 =	vshll.u32 v3, $0x1  }
0xbf: {  	v3 =	vand.u32 $0x7, v3;
	v4 =	vand.u32 $0xFFFFFFF0, v63  }
0xc0: {  	v3 =	vor.u32 v3, v4  }
0xc1: {  	v4 =	vperm.xlane v3, v0;
	_ =	sdelay $0x1  }
0xc2: {  	v3 =	vperm.xlane v3, v2;
	v4 =	vadd.s32 v1, v4;
	_ =	sdelay $0x1  }
0xc3: {  	s0 =	sadd.s32 $0xFFFFFFFE, s31;
	v3 =	vadd.s32 v1, v3  }
0xc4: {  	s1 =	smov.u32 s7;
	p0 =	slt.s32 s0, s7  }
0xc5: {  	s1 =	smov.u32 @p0 s0  }
0xc6: {  	[tilespmem:s21], [sflag:$0x1] =	stream.indirect_vreg.gather [hbm4b:s2+s3], $0x80, v4, vm0, $0xb8;
	[tilespmem:$0xA100] =	vst v63  }
0xc7: {  	s0 =	sadd.s32 s5, s1  }
0xc8: {  	[tilespmem:s22], [sflag:$0x1] =	stream.indirect_vreg.gather [hbm4b:s2+s3], $0x80, v3, vm0, $0xb8;
	[tilespmem:$0xA100] =	vst v63  }
0xc9: {  	s0 =	smul.u32 $0xA00, s0;
	_ =	swait.ge [sflag:s28], $0x5000  }
0xca: {  	[sflag:s28] =	ssyncset.done $0x0  }
0xcb: {  	s0 =	sadd.s32 s6, s0;
	[sflag:s28] =	ssyncadd.s32 $0xFFFFB000  }
0xcc: {  	[hbm4b:s0+s3] =	stream.linear.scatter [tilespmem:s24], [sflag:$0x3], $0x5000, $0x38;
	[tilespmem:$0xA100] =	vst v63  }
0xcd: {  	p0 =	slt.s32 s31, s7;
	s0 =	smov.u32 s7  }
0xce: {  	s0 =	smov.u32 @p0 s31  }
0xcf: {  	s0 =	sadd.s32 s5, s0  }
0xd0: {  	_ =	swait.ge [sflag:s26], $0x5000;
	s0 =	smul.u32 $0xA, s0  }
0xd1: {  	p0 =	sne.s32 s31, $0x21;
	[sflag:s26] =	ssyncset.done $0x0  }
.Ltmp0:
0xd2: {  	[sflag:s26] =	ssyncadd.s32 $0xFFFFB000;
	s0 =	sadd.s32 s4, s0;
	(pc) =	sbr.rel @p0 .LBB2_2-.Ltmp0, $4  }
0xd3: {  	[tilespmem:s23], [sflag:$0x3] =	stream.linear.gather [hbm4b:s0+s3], $0x50, $0x38;
	[tilespmem:$0xA100] =	vst v63  }
0xd4: {  	_ =	swait.ge [sflag:s26], $0x50  }
0xd5: {  	[sflag:s26] =	ssyncset.done $0x0  }
0xd6: {  	s30 =	sadd.s32 $0x1400, s30;
	s31 =	sadd.s32 $0x2, s31;
	[sflag:s26] =	ssyncadd.s32 $0xFFFFFFB0  }
0xd7: {  	_ =	swait.ge [sflag:s25], $0x5000;
	s29 =	sadd.s32 $0x1, s29  }
0xd8: {  	[sflag:s25] =	ssyncset.done $0x0;
	p0 =	sne.s32 s29, s11  }
.Ltmp1:
0xd9: {  	[sflag:s25] =	ssyncadd.s32 $0xFFFFB000;
	(pc) =	sbr.rel @p0 .LBB2_1-.Ltmp1, $4  }
0xda: {  	[hbm4b:s10+s3] =	stream.linear.scatter [tilespmem:s13], [sflag:$0x3], $0x5000, $0x38;
	[tilespmem:$0xA100] =	vst v63  }
0xdb: {  	_ =	swait.ge [sflag:s26], $0x5000  }
0xdc: {  	[sflag:s26] =	ssyncset.done $0x0  }
0xdd: {  	[sflag:s26] =	ssyncadd.s32 $0xFFFFB000  }
0xde: {  	_ =	sfence.sel $0x180000  }
0xdf: {  	[bflag:$0x0] =	sbarrier.arrive $0xFFFF  }
0xe0: {  	_ =	strace $0x90000047  }
0xe1: {  	s0 =	stileid.u32;
	[bflag:$0x2] =	sbarrier.arrive $0xFFFF  }
0xe2: {  	p0 =	sne.s32 s0, $0x0;
	s0 =	rddreg [dreg:$0x2]  }
0xe3: {  	s0 =	sadd.s32 @!p0 $0x100000, s0  }
0xe4: {  	[sflag:s0] =	ssyncadd.tile.s32 @!p0 $0x1;
	_ =	shalt  }
.Lfunc_end2:
_tile_overlayer_lowered:
.L_overlay_start_2:
0xe5: {  	(tag) =	ssettag $0x2  }
0xe6: {  	s0 =	rddreg [dreg:$0x0];
	s2 =	stileid.u32  }
0xe7: {  	s1 =	rddreg [dreg:$0x1];
	p0 =	sne.s32 s2, $0x0  }
0xe8: {  	s3 =	rddreg [dreg:$0x2];
	[bflag:$0x3] =	sbarrier.arrive $0xFFFF;
	s2 =	simm.s32 @!p0 $0x1C03  }
0xe9: {  	[timem:s3], [sflag:s2] =	dma.local @!p0 [hbm:s0], s1  }
0xea: {  	s0 =	simm.s32 @!p0 $0x3  }
0xeb: {  	_ =	swait.ge @!p0 [sflag:s0], s1  }
0xec: {  	s1 =	ssub.s32 @!p0 $0x0, s1;
	[sflag:s0] =	ssyncset.done @!p0 $0x0  }
0xed: {  	[sflag:s0] =	ssyncadd.s32 @!p0 s1  }
0xee: {  	[bflag:$0x3] =	sbarrier.arrive $0xFFFF  }
0xef: {  	_ =	shalt  }

// kernel: kernel.14.cloned.1.call-start
scs
__scs_entry_jumppad:
0x0: {  	(pc) =	sbr.rel $0x88, $3  }
0x1: {  	(tag) =	ssettag $0x0;
	lr =	simm.s32 $0x1  }
0x2: {  	[smem:$0x3F91] =	sst lr;
	_ =	strace $0xD0000000  }
0x3: {  	_ = 	snop  }
0x4: {  	_ = 	snop  }
0x5: {  	_ = 	snop  }
0x6: {  	_ = 	snop  }
0x7: {  	_ = 	snop  }
__scs_overlays_trampoline_lowered:
0x8: {  	[smem:$0x3FA0] =	sst s0  }
0x9: {  	[smem:$0x3FA1] =	sst s1  }
0xa: {  	[smem:$0x3FA2] =	sst s2  }
0xb: {  	[smem:$0x3FA3] =	sst s3  }
0xc: {  	[smem:$0x3FA4] =	sst s4  }
0xd: {  	[smem:$0x3FA5] =	sst s5  }
0xe: {  	[smem:$0x3FA6] =	sst s6  }
0xf: {  	[smem:$0x3FA7] =	sst s7  }
0x10: {  	[smem:$0x3FA8] =	sst s8  }
0x11: {  	[smem:$0x3FA9] =	sst s9;
	s0 =	simm.s32 @!p0 $0x0  }
0x12: {  	s1 =	sld [smem:$0x3F8F];
	s0 =	simm.s32 @p0 $0x1  }
0x13: {  	[smem:$0x3FAA] =	sst s0;
	s0 =	simm.s32 @!p1 $0x0  }
0x14: {  	s2 =	sld [smem:$0x3F8E];
	s0 =	simm.s32 @p1 $0x1  }
0x15: {  	[smem:$0x3FAB] =	sst s0;
	s0 =	simm.s32 @!p2 $0x0  }
0x16: {  	s3 =	sld [smem:$0x3FDB];
	s0 =	simm.s32 @p2 $0x1  }
0x17: {  	s4 =	simm.s32 $0x1BF5;
	[smem:$0x3FAD] =	sst s0  }
0x18: {  	s0 =	sld [smem:$0x3F90];
	_ =	swait.ge [sflag:s4], $0x0  }
0x19: {  	s7 =	sld [smem:$0x3F91]  }
0x1a: {  	s8 =	sadd.s32 $0xFFFFE003, lr  }
0x1b: {  	s9 =	sadd.s32 $0xFFFFFEF7, lr;
	s5 =	simm.s32 $0xFFFFFFFF;
	p2 =	slt.u32 s8, $0xFFFFF086  }
0x1c: {  	p1 =	slt.u32 s9, $0xF7A;
	s5 =	simm.s32 @!p2 $0x0  }
0x1d: {  	s5 =	simm.s32 @p1 $0x1;
	p0 =	seq.s32 s7, s2  }
0x1e: {  	s7 =	smul.u32 @!p0 $0xF7A, s2;
	p2 =	seq.s32 @!p0 s5, $0x0  }
0x1f: {  	s9 =	smul.u32 $0xF7A, s1;
	s8 =	simm.s32 @!p0 $0x1BF5;
	p2 =	por !p2, p0  }
0x20: {  	[sflag:s8] =	ssyncset.s32 @!p0 $0xFFFFF086;
	s6 =	sadd.s32 @!p0 s3, s7;
	s7 =	simm.s32 @!p0 $0x108  }
0x21: {  	s3 =	sadd.s32 s3, s9;
	s6 =	sadd.s32 @!p0 $0x88, s6;
	s7 =	simm.s32 @p2 $0x1082  }
0x22: {  	[simem:s7], [sflag:s8] =	dma.local @!p0 [hbm:s6], $0xF7A  }
0x23: {  	s9 =	sor.u32 $0xD0000000, s2;
	s6 =	simm.s32 $0x108;
	_ =	swait.ge @!p0 [sflag:s8], $0x0  }
0x24: {  	s3 =	sadd.s32 $0x88, s3;
	s6 =	simm.s32 @!p1 $0x1082;
	[sflag:s4] =	ssyncset.s32 $0xFFFFF086  }
0x25: {  	[simem:s6], [sflag:s4] =	dma.local [hbm:s3], $0xF7A  }
0x26: {  	[smem:$0x3F91] =	sst s1;
	(tag) =	ssettag s2;
	_ =	strace s9  }
0x27: {  	s1 =	sld [smem:$0x3FA1]  }
0x28: {  	s2 =	sld [smem:$0x3FA2]  }
0x29: {  	s4 =	sld [smem:$0x3FA4]  }
0x2a: {  	p0 =	seq.s32 s5, $0x0;
	s5 =	sld [smem:$0x3FA5]  }
0x2b: {  	s6 =	sld [smem:$0x3FA6]  }
0x2c: {  	s7 =	sld [smem:$0x3FA7]  }
0x2d: {  	s3 =	simm.s32 $0x108;
	s8 =	sld [smem:$0x3FA8]  }
0x2e: {  	s3 =	simm.s32 @!p0 $0x1082;
	s9 =	sld [smem:$0x3FA9]  }
0x2f: {  	lr =	sadd.s32 s0, s3;
	s0 =	sld [smem:$0x3FA0]  }
0x30: {  	s3 =	sld [smem:$0x3FA3]  }
0x31: {  	[smem:$0x3FAC] =	sst s10  }
0x32: {  	s10 =	sld [smem:$0x3FAA];
	_ =	sdelay $0x3  }
0x33: {  	p0 =	seq.s32 s10, $0x1;
	s10 =	sld [smem:$0x3FAC];
	_ =	sdelay $0x3  }
0x34: {  	[smem:$0x3FAC] =	sst s10  }
0x35: {  	s10 =	sld [smem:$0x3FAB];
	_ =	sdelay $0x3  }
0x36: {  	p1 =	seq.s32 s10, $0x1;
	s10 =	sld [smem:$0x3FAC];
	_ =	sdelay $0x3  }
0x37: {  	[smem:$0x3FAC] =	sst s10  }
0x38: {  	s10 =	sld [smem:$0x3FAD]  }
0x39: {  	_ = 	snop;
	(pc) =	sbr.ind lr, $3  }
0x3a: {  	_ = 	snop  }
0x3b: {  	_ = 	snop  }
0x3c: {  	p2 =	seq.s32 s10, $0x1;
	s10 =	sld [smem:$0x3FAC]  }
0x3d: {  	_ =	shalt  }
0x3e: {  	_ =	shalt  }
0x3f: {  	_ =	shalt  }
0x40: {  	_ =	shalt  }
0x41: {  	_ =	shalt  }
0x42: {  	_ =	shalt  }
0x43: {  	_ =	shalt  }
0x44: {  	_ =	shalt  }
0x45: {  	_ =	shalt  }
0x46: {  	_ =	shalt  }
0x47: {  	_ =	shalt  }
0x48: {  	_ =	shalt  }
0x49: {  	_ =	shalt  }
0x4a: {  	_ =	shalt  }
0x4b: {  	_ =	shalt  }
0x4c: {  	_ =	shalt  }
0x4d: {  	_ =	shalt  }
0x4e: {  	_ =	shalt  }
0x4f: {  	_ =	shalt  }
0x50: {  	_ =	shalt  }
0x51: {  	_ =	shalt  }
0x52: {  	_ =	shalt  }
0x53: {  	_ =	shalt  }
0x54: {  	_ =	shalt  }
0x55: {  	_ =	shalt  }
0x56: {  	_ =	shalt  }
0x57: {  	_ =	shalt  }
0x58: {  	_ =	shalt  }
0x59: {  	_ =	shalt  }
0x5a: {  	_ =	shalt  }
0x5b: {  	_ =	shalt  }
0x5c: {  	_ =	shalt  }
0x5d: {  	_ =	shalt  }
0x5e: {  	_ =	shalt  }
0x5f: {  	_ =	shalt  }
0x60: {  	_ =	shalt  }
0x61: {  	_ =	shalt  }
0x62: {  	_ =	shalt  }
0x63: {  	_ =	shalt  }
0x64: {  	_ =	shalt  }
0x65: {  	_ =	shalt  }
0x66: {  	_ =	shalt  }
0x67: {  	_ =	shalt  }
0x68: {  	_ =	shalt  }
0x69: {  	_ =	shalt  }
0x6a: {  	_ =	shalt  }
0x6b: {  	_ =	shalt  }
0x6c: {  	_ =	shalt  }
0x6d: {  	_ =	shalt  }
0x6e: {  	_ =	shalt  }
0x6f: {  	_ =	shalt  }
0x70: {  	_ =	shalt  }
0x71: {  	_ =	shalt  }
0x72: {  	_ =	shalt  }
0x73: {  	_ =	shalt  }
0x74: {  	_ =	shalt  }
0x75: {  	_ =	shalt  }
0x76: {  	_ =	shalt  }
0x77: {  	_ =	shalt  }
0x78: {  	_ =	shalt  }
0x79: {  	_ =	shalt  }
0x7a: {  	_ =	shalt  }
0x7b: {  	_ =	shalt  }
0x7c: {  	_ =	shalt  }
0x7d: {  	_ =	shalt  }
0x7e: {  	_ =	shalt  }
0x7f: {  	_ =	shalt  }
0x80: {  	_ =	shalt  }
0x81: {  	_ =	shalt  }
0x82: {  	_ =	shalt  }
0x83: {  	_ =	shalt  }
0x84: {  	_ =	shalt  }
0x85: {  	_ =	shalt  }
0x86: {  	_ =	shalt  }
0x87: {  	_ =	shalt  }
.Lfunc_end0:
.L_simem_size_0:
called_computation.2_lowered:
.L_overlay_start_0:
0x88: {  	s2 =	sld [smem:$0x3FD9]  }
0x89: {  	s3 =	sld [smem:$0x3FFE];
	_ =	sdelay $0x1  }
0x8a: {  	s1 =	srdreg.scid  }
0x8b: {  	s0 =	sand.u32 $0x1, s1  }
0x8c: {  	s17 =	sshll.u32 s0, $0xA;
	s2 =	sadd.s32 s3, s2  }
0x8d: {  	s2 =	sadd.s32 s2, s17  }
0x8e: {  	[smem:$0x3FB8] =	sst s2  }
0x8f: {  	_ = 	snop  }
0x90: {  	s2 =	sld [smem:$0x3FD0];
	(tm) =	ssettm $0x1  }
0x91: {  	s18 =	sld [smem:$0x3FFB];
	_ =	sdelay $0x3  }
0x92: {  	_ =	strace s18  }
0x93: {  	s3 =	sld [smem:$0x3FFC];
	_ =	sdelay $0x3  }
0x94: {  	_ =	strace s3  }
0x95: {  	s3 =	sld [smem:$0x3FFD];
	_ =	sdelay $0x3  }
0x96: {  	_ =	strace s3  }
0x97: {  	_ =	strace $0x8FFFFFFF  }
0x98: {  	s19 =	sld [smem:$0x3FDB];
	_ =	sdelay $0x1  }
0x99: {  	s4 =	simm.s32 $_scs_section_size  }
0x9a: {  	s5 =	simm.s32 $_size__tile_overlayer_lowered;
	s6 =	simm.s32 $_tile_overlayer_lowered  }
0x9b: {  	s22 =	simm.s32 $0x1BFF;
	s21 =	sshll.u32 s6, $0x1;
	s3 =	sadd.s32 s4, s19  }
0x9c: {  	s7 =	simm.s32 $0x0;
	s20 =	sshll.u32 s5, $0x1;
	s5 =	sadd.s32 s21, s3  }
0x9d: {  	[timem:s7], [sflag:s22] =	dma.local [hbm:s5], s20  }
0x9e: {  	_ =	swait.ge [sflag:s22], s20  }
0x9f: {  	s4 =	ssub.s32 $0x0, s20;
	[sflag:s22] =	ssyncset.done $0x0  }
0xa0: {  	[sflag:s22] =	ssyncadd.s32 s4;
	_ =	sdelay $0x1  }
0xa1: {  	s23 =	simm.s32 $0x1B8B  }
0xa2: {  	_ =	swait.ge [sflag:s23], $0x1  }
0xa3: {  	[sflag:s23] =	ssyncset.done $0x0  }
0xa4: {  	s25 =	simm.s32 $0x1B8E;
	s24 =	sld [smem:$0x3FFE];
	[sflag:s23] =	ssyncadd.s32 $0xFFFFFFFF  }
0xa5: {  	s26 =	simm.s32 $execute0_lowered;
	[smem:$0x3FD2] =	sst s25  }
0xa6: {  	s5 =	sshll.u32 s26, $0x1;
	_ =	strace $0x8000004C;
	[dreg:$0x1] =	wrdreg $0xFFFFFFFF  }
0xa7: {  	s28 =	simm.s32 $_size_execute0_lowered;
	s3 =	sadd.s32 s3, s5;
	[dreg:$0x0] =	wrdreg $0x0  }
0xa8: {  	s5 =	sshll.u32 s28, $0x1;
	[dreg:$0x2] =	wrdreg s3  }
0xa9: {  	[dreg:$0x3] =	wrdreg s5  }
0xaa: {  	[dreg:$0x4] =	wrdreg $0xC0  }
0xab: {  	_ =	task [dreg:s7], $0x5FFFF  }
0xac: {  	[dreg:$0x1] =	wrdreg $0xFFFFFFFF  }
0xad: {  	[dreg:$0x0] =	wrdreg $0x60  }
0xae: {  	[dreg:$0x2] =	wrdreg s24  }
0xaf: {  	[dreg:$0x3] =	wrdreg s2  }
0xb0: {  	[dreg:$0x4] =	wrdreg $0x51000  }
0xb1: {  	[dreg:$0x5] =	wrdreg $0x9  }
0xb2: {  	_ =	task.clear_ibuf [dreg:s7], $0x6FFFF;
	_ =	strace $0x9000004C  }
0xb3: {  	s29 =	simm.s32 $0x9;
	_ =	strace $0x8000004E  }
0xb4: {  	_ =	swait.ge [sflag:s29], $0x1  }
0xb5: {  	[sflag:s29] =	ssyncadd.s32 $0xFFFFFFFF  }
0xb6: {  	_ =	strace $0x9000004E  }
0xb7: {  	_ =	sfence  }
0xb8: {  	s30 =	sld [smem:$0x0];
	_ =	sdelay $0x2  }
0xb9: {  	s31 =	sshll.u32 s1, $0xD;
	s1 =	sshrl.u32 s1, $0x2  }
0xba: {  	s3 =	sand.u32 $0x4000, s31;
	s1 =	sadd.s32 s1, s30  }
0xbb: {  	s0 =	sor.u32 s3, s0;
	s1 =	sshll.u32 s1, $0x11  }
0xbc: {  	s0 =	sor.u32 s1, s0  }
0xbd: {  	s0 =	sadd.s32 $0x8F2B, s0  }
0xbe: {  	[sflag:s0] =	ssyncadd.remote.s32 $0x1  }
0xbf: {  	_ =	sfence.sel $0xFFFF  }
0xc0: {  	[dreg:$0x0] =	wrdreg $0xFFFFFFFF;
	(pc) =	sbr.abs _section_cstart, $3  }
0xc1: {  	[dreg:$0x1] =	wrdreg $0xFFFFFFFF  }
0xc2: {  	_ =	task.clear_ibuf [dreg:s7], $0x2FFFF;
	_ =	strace $0x9FFFFFFF  }
0xc3: {  	(tm) =	ssettm $0x7FFFFFFF  }
tec
execute0_lowered:
.L_overlay_start_1:
0x0: {  	(tag) =	ssettag $0x1  }
0x1: {  	s0 =	rddreg [dreg:$0x0]  }
0x2: {  	s1 =	rddreg [dreg:$0x1]  }
0x3: {  	s2 =	rddreg [dreg:$0x2];
	s3 =	simm.s32 $0x0  }
0x4: {  	s22 =	stileid.u32;
	s5 =	srdreg.scid;
	s29 =	simm.s32 $0x5  }
0x5: {  	s30 =	simm.s32 $0x400;
	s31 =	simm.s32 $0x1000;
	s6 =	smul.u32 $0x2700, s22  }
0x6: {  	[smem:$0x7FF] =	sst s3;
	s4 =	sadd.s32 $0xC40000, s0;
	s11 =	smul.u32 $0x4E000, s22  }
0x7: {  	s10 =	sand.u32 $0x1, s5;
	s5 =	sadd.s32 $0x75E000, s0;
	s23 =	smul.u32 $0x2710, s22  }
0x8: {  	s12 =	sadd.s32 $0x1000, s0;
	s24 =	sshll.u32 s22, $0x6;
	s14 =	smul.u32 $0x4E2000, s22  }
0x9: {  	p0 =	sne.s32 s22, $0xF;
	p1 =	sgt.u32 s22, $0x7;
	_ =	strace $0x8000004D  }
0xa: {  	s7 =	ssub.s32 $0x2, s10;
	s15 =	sshll.u32 s10, $0xB;
	s10 =	sshll.u32 s10, $0x8  }
0xb: {  	s8 =	sadd.s32 s6, s0;
	s21 =	sshrl.u32 s7, $0x1;
	s9 =	sshrl.u32 s11, $0x2  }
0xc: {  	s16 =	sadd.s32 $0xFFFEC780, s23;
	s14 =	sor.u32 s15, s14;
	s6 =	sadd.s32 $0x2D000, s0  }
0xd: {  	s28 =	sor.u32 s15, s11;
	s13 =	ssub.s32 s7, s21;
	s7 =	sadd.s32 s9, s2  }
0xe: {  	s20 =	sadd.s32 $0x6000, s8;
	s8 =	sor.u32 $0x1C05, s24;
	s9 =	sshrl.u32 s23, $0x3  }
0xf: {  	s17 =	sshll.u32 s16, $0x9;
	s18 =	sshrl.u32 s14, $0x3;
	s23 =	sadd.s32 s10, s1  }
0x10: {  	s24 =	sadd.s32 s12, s9;
	s17 =	sor.u32 s15, s17;
	s25 =	sadd.s32 s4, s18  }
0x11: {  	s9 =	sor.u32 $0x80, s10;
	s18 =	sshll.u32 s16, $0x6;
	s13 =	smax.u32 s13, $0x1  }
0x12: {  	s15 =	sadd.s32 $0xA000, s14;
	[dreg:$0x4] =	wrdreg s25;
	s26 =	sshrl.u32 s17, $0x3  }
0x13: {  	s17 =	smul.u32 $0x9C400, s22;
	s21 =	sadd.s32 s5, s9;
	s25 =	sshrl.u32 s11, $0x3  }
0x14: {  	[dreg:$0xc] =	wrdreg s13;
	s13 =	simm.s32 $0x2;
	s0 =	sadd.s32 s5, s26  }
0x15: {  	s26 =	smul.u32 $0x4E2, s22;
	[dreg:$0x5] =	wrdreg s0;
	s0 =	sshrl.u32 s28, $0x3  }
0x16: {  	s19 =	sadd.s32 s4, s17;
	s28 =	sadd.s32 $0x9C000, s23;
	s16 =	sadd.s32 s17, s5  }
0x17: {  	s17 =	sadd.s32 $0x14000, s14;
	s0 =	sadd.s32 s1, s0;
	[dreg:$0x9] =	wrdreg s28  }
0x18: {  	s1 =	sadd.s32 s1, s9;
	[dreg:$0xd] =	wrdreg s17;
	s17 =	simm.s32 $0x3  }
0x19: {  	[dreg:$0x6] =	wrdreg s0;
	s0 =	sadd.s32 s18, s21;
	s18 =	smov.u32 s6  }
0x1a: {  	s6 =	smov.u32 s7;
	s7 =	smov.u32 s20;
	s20 =	sadd.s32 s26, s12  }
0x1b: {  	s21 =	sadd.s32 s10, s19;
	s26 =	sadd.s32 $0x138000, s2;
	[dreg:$0x7] =	wrdreg s0  }
0x1c: {  	s12 =	simm.s32 $0x50;
	s0 =	sadd.s32 s25, s1;
	[dreg:$0x10] =	wrdreg s26  }
0x1d: {  	s1 =	sadd.s32 s9, s19;
	s9 =	sadd.s32 $0x9C080, s23;
	[dreg:$0x8] =	wrdreg s0  }
0x1e: {  	s19 =	sadd.s32 $0xFD8FA000, s14;
	s28 =	sadd.s32 $0x14, s20;
	[dreg:$0xa] =	wrdreg s1  }
.Ltmp0:
0x1f: {  	s14 =	simm.s32 $0x1;
	[dreg:$0xb] =	wrdreg s9;
	(pc) =	sbr.rel .LBB2_1-.Ltmp0, $4  }
0x20: {  	s1 =	sadd.s32 s10, s16;
	s0 =	sshrl.u32 s15, $0x3;
	[dreg:$0xe] =	wrdreg s19  }
0x21: {  	[dreg:$0x11] =	wrdreg s28;
	s10 =	simm.s32 $0x2900;
	s15 =	simm.s32 $0x4  }
0x22: {  	s19 =	simm.s32 $0x0;
	s23 =	sadd.s32 s0, s4;
	s25 =	sadd.s32 $0xFFB1F480, s1  }
0x23: {  	s0 =	simm.s32 $0x100;
	s1 =	simm.s32 $0x80;
	[dreg:$0xf] =	wrdreg s25  }
.LBB2_20:
0x24: {  	s9 =	sadd.s32 $0xA, s25;
	[sflag:s29] =	ssyncadd.s32 $0xFFFFD800  }
0x25: {  	[tilespmem:s1], [sflag:$0x2] =	stream.linear.gather [hbm4b:s9+s3], $0x50, $0x38;
	[tilespmem:$0x18980] =	vst v63  }
0x26: {  	_ = 	snop  }
0x27: {  	[tilespmem:s10], [sflag:$0x4] =	stream.strided.gather [hbm4b:s11+s30], $0x2800, s31, s30, $0x38;
	[tilespmem:$0x18980] =	vst v63  }
0x28: {  	_ =	swait.ge [sflag:s14], $0x50  }
0x29: {  	[sflag:s14] =	ssyncset.done $0x0  }
0x2a: {  	[sflag:s14] =	ssyncadd.s32 $0xFFFFFFB0  }
0x2b: {  	_ =	swait.ge [sflag:s17], $0x2800  }
0x2c: {  	[sflag:s17] =	ssyncset.done $0x0  }
0x2d: {  	[sflag:s17] =	ssyncadd.s32 $0xFFFFD800  }
0x2e: {  	[spmem:s2] =	stream.indirect.scatter.add.f32 [tilespmem:s0], [sflag:$0x5], $0x80, s3, s12, $0xb8;
	[tilespmem:$0x18980] =	vst v63  }
0x2f: {  	_ =	swait.ge [sflag:s29], $0x2800  }
0x30: {  	[sflag:s29] =	ssyncset.done $0x0  }
0x31: {  	s26 =	sadd.s32 $0x14, s25;
	[sflag:s29] =	ssyncadd.s32 $0xFFFFD800  }
0x32: {  	[tilespmem:s3], [sflag:$0x1] =	stream.linear.gather [hbm4b:s26+s3], $0x50, $0x38;
	[tilespmem:$0x18980] =	vst v63  }
0x33: {  	s28 =	sadd.s32 $0x1400, s11  }
0x34: {  	[tilespmem:s0], [sflag:$0x3] =	stream.strided.gather [hbm4b:s28+s30], $0x2800, s31, s30, $0x38;
	[tilespmem:$0x18980] =	vst v63  }
0x35: {  	_ =	swait.ge [sflag:s13], $0x50  }
0x36: {  	[sflag:s13] =	ssyncset.done $0x0  }
0x37: {  	[sflag:s13] =	ssyncadd.s32 $0xFFFFFFB0  }
0x38: {  	_ =	swait.ge [sflag:s15], $0x2800  }
0x39: {  	[sflag:s15] =	ssyncset.done $0x0  }
0x3a: {  	[sflag:s15] =	ssyncadd.s32 $0xFFFFD800  }
0x3b: {  	[spmem:s2] =	stream.indirect.scatter.add.f32 [tilespmem:s10], [sflag:$0x5], $0x80, s1, s12, $0xb8;
	[tilespmem:$0x18980] =	vst v63  }
0x3c: {  	_ =	swait.ge [sflag:s29], $0x2800  }
0x3d: {  	[sflag:s29] =	ssyncset.done $0x0  }
0x3e: {  	[sflag:s29] =	ssyncadd.s32 $0xFFFFD800  }
0x3f: {  	_ =	swait.ge [sflag:s14], $0x50  }
0x40: {  	[sflag:s14] =	ssyncset.done $0x0  }
0x41: {  	[sflag:s14] =	ssyncadd.s32 $0xFFFFFFB0  }
0x42: {  	_ =	swait.ge [sflag:s17], $0x2800  }
0x43: {  	[sflag:s17] =	ssyncset.done $0x0  }
0x44: {  	[sflag:s17] =	ssyncadd.s32 $0xFFFFD800  }
0x45: {  	[spmem:s2] =	stream.indirect.scatter.add.f32 [tilespmem:s0], [sflag:$0x5], $0x80, s3, s12, $0xb8;
	[tilespmem:$0x18980] =	vst v63  }
0x46: {  	_ =	swait.ge [sflag:s29], $0x2800  }
0x47: {  	s24 =	smov.u32 s18;
	s18 =	smov.u32 s6;
	[sflag:s29] =	ssyncset.done $0x0  }
0x48: {  	s6 =	smov.u32 s7;
	s7 =	smov.u32 s22;
	[sflag:s29] =	ssyncadd.s32 $0xFFFFD800  }
.LBB2_21:
0x49: {  	[bflag:$0x0] =	sbarrier.arrive $0xFFFF  }
0x4a: {  	s9 =	rddreg [dreg:$0x8]  }
0x4b: {  	s11 =	simm.s32 $0x8;
	s22 =	simm.s32 $0x200;
	s25 =	rddreg [dreg:$0x12]  }
0x4c: {  	[hbm:s9@s22], [sflag:s8] =	dma.strided [spmem:s25@s1], $0x2700, s11, $0x10   }
0x4d: {  	_ =	swait.ge [sflag:s29], $0x2700  }
0x4e: {  	s9 =	simm.s32 @!p0 $0x8;
	s11 =	simm.s32 @!p0 $0x200;
	[sflag:s29] =	ssyncset.done $0x0  }
0x4f: {  	s22 =	simm.s32 @!p0 $0x80;
	s25 =	rddreg [dreg:$0xb];
	[sflag:s29] =	ssyncadd.s32 $0xFFFFD900  }
0x50: {  	[hbm:s25@s11], [sflag:s8] =	dma.strided @!p0 [spmem:s16@s22], $0x100, s9, $0x10   }
0x51: {  	s9 =	simm.s32 @!p0 $0x5  }
0x52: {  	_ =	swait.ge @!p0 [sflag:s9], $0x100  }
0x53: {  	s19 =	sadd.s32 $0x1, s19;
	s28 =	rddreg [dreg:$0xc]  }
0x54: {  	p2 =	sne.s32 s19, s28  }
.Ltmp1:
0x55: {  	_ = 	snop;
	(pc) =	sbr.rel @!p2 .LBB2_22-.Ltmp1, $3  }
0x56: {  	[sflag:s9] =	ssyncset.done @!p0 $0x0  }
0x57: {  	[sflag:s9] =	ssyncadd.s32 @!p0 $0xFFFFFF00  }
0x58: {  	[bflag:$0x0] =	sbarrier.arrive $0xFFFF;
	_ =	sdelay $0x1  }
.LBB2_1:
0x59: {  	s9 =	sshrl.u32 s6, $0x3  }
.Ltmp2:
0x5a: {  	[dreg:$0x12] =	wrdreg s9;
	(pc) =	sbr.rel @p0 .LBB2_6-.Ltmp2, $4  }
0x5b: {  	[spmem:s9], [sflag:s8] =	dma.local [hbm:s7], $0x2700  }
0x5c: {  	_ =	swait.ge [sflag:s29], $0x2700  }
0x5d: {  	[sflag:s29] =	ssyncset.done $0x0  }
0x5e: {  	[sflag:s29] =	ssyncadd.s32 $0xFFFFD900  }
0x5f: {  	s9 =	rddreg [dreg:$0x10]  }
0x60: {  	s11 =	sshrl.u32 s9, $0x3  }
0x61: {  	[spmem:s11], [sflag:s8] =	dma.local [hbm:s18], $0x100  }
.Ltmp3:
0x62: {  	_ =	swait.ge [sflag:s29], $0x100;
	(pc) =	sbr.rel .LBB2_3-.Ltmp3, $3  }
0x63: {  	[sflag:s29] =	ssyncset.done $0x0  }
0x64: {  	[sflag:s29] =	ssyncadd.s32 $0xFFFFFF00  }
0x65: {  	[bflag:$0x0] =	sbarrier.arrive $0xFFFF;
	_ =	sdelay $0x1  }
.LBB2_6:
.Ltmp4:
0x66: {  	(pc) =	sbr.rel @p1 .LBB2_3-.Ltmp4, $3  }
0x67: {  	_ =	sdelay $0x1  }
0x68: {  	[bflag:$0x0] =	sbarrier.arrive $0xFFFF  }
0x69: {  	s22 =	rddreg [dreg:$0xd]  }
0x6a: {  	p4 =	por $0x0, $0x0  }
.Ltmp5:
0x6b: {  	s25 =	simm.s32 $0x0;
	(pc) =	sbr.rel @p4 .LBB2_12-.Ltmp5, $4  }
0x6c: {  	s9 =	rddreg [dreg:$0x4];
	s16 =	simm.s32 $0x2800;
	p2 =	por $0x0, $0x0  }
0x6d: {  	[tilespmem:s25], [sflag:$0x1] =	stream.linear.gather [hbm4b:s24+s25], $0x50, $0x38;
	[tilespmem:$0x18980] =	vst v63  }
0x6e: {  	s28 =	rddreg [dreg:$0x11];
	s11 =	smov.u32 s22;
	p3 =	por $0x0, $0x0  }
0x6f: {  	[tilespmem:s0], [sflag:$0x3] =	stream.strided.gather [hbm4b:s9+s30], $0x2800, s31, s30, $0x38;
	[tilespmem:$0x18980] =	vst v63  }
0x70: {  	s9 =	rddreg [dreg:$0x11]  }
0x71: {  	s11 =	sadd.s32 $0xFFFFFFF6, s9  }
0x72: {  	[tilespmem:s1], [sflag:$0x2] =	stream.linear.gather [hbm4b:s11+s3], $0x50, $0x38;
	[tilespmem:$0x18980] =	vst v63  }
0x73: {  	s25 =	sadd.s32 $0x0, s23  }
0x74: {  	[tilespmem:s10], [sflag:$0x4] =	stream.strided.gather [hbm4b:s25+s30], $0x2800, s31, s30, $0x38;
	[tilespmem:$0x18980] =	vst v63  }
0x75: {  	_ =	swait.ge [sflag:s14], $0x50  }
0x76: {  	[sflag:s14] =	ssyncset.done $0x0  }
0x77: {  	[sflag:s14] =	ssyncadd.s32 $0xFFFFFFB0  }
0x78: {  	_ =	swait.ge [sflag:s17], $0x2800  }
0x79: {  	[sflag:s17] =	ssyncset.done $0x0  }
0x7a: {  	[sflag:s17] =	ssyncadd.s32 $0xFFFFD800  }
0x7b: {  	[spmem:s2] =	stream.indirect.scatter.add.f32 [tilespmem:s0], [sflag:$0x5], $0x80, s3, s12, $0xb8;
	[tilespmem:$0x18980] =	vst v63  }
0x7c: {  	_ =	swait.ge [sflag:s29], $0x2800  }
0x7d: {  	[sflag:s29] =	ssyncset.done $0x0  }
0x7e: {  	s26 =	sshrl.u32 s22, $0x3;
	[sflag:s29] =	ssyncadd.s32 $0xFFFFD800  }
0x7f: {  	[tilespmem:s3], [sflag:$0x1] =	stream.linear.gather [hbm4b:s9+s3], $0x50, $0x38;
	[tilespmem:$0x18980] =	vst v63  }
0x80: {  	s11 =	sadd.s32 s4, s26  }
0x81: {  	[tilespmem:s0], [sflag:$0x3] =	stream.strided.gather [hbm4b:s11+s30], $0x2800, s31, s30, $0x38;
	[tilespmem:$0x18980] =	vst v63  }
0x82: {  	_ =	swait.ge [sflag:s13], $0x50  }
0x83: {  	[sflag:s13] =	ssyncset.done $0x0  }
0x84: {  	[sflag:s13] =	ssyncadd.s32 $0xFFFFFFB0  }
0x85: {  	p4 =	por $0x0, $0x0;
	_ =	swait.ge [sflag:s15], $0x2800  }
.Ltmp6:
0x86: {  	[sflag:s15] =	ssyncset.done $0x0;
	(pc) =	sbr.rel @p4 .LBB2_9-.Ltmp6, $4  }
0x87: {  	[sflag:s15] =	ssyncadd.s32 $0xFFFFD800  }
0x88: {  	[spmem:s2] =	stream.indirect.scatter.add.f32 [tilespmem:s10], [sflag:$0x5], $0x80, s1, s12, $0xb8;
	[tilespmem:$0x18980] =	vst v63  }
0x89: {  	p3 =	por $0x1, $0x1;
	s28 =	sadd.s32 $0x14, s9;
	_ =	swait.ge [sflag:s29], $0x2800  }
0x8a: {  	s25 =	simm.s32 $0x5000;
	s11 =	smov.u32 s22;
	[sflag:s29] =	ssyncset.done $0x0  }
.LBB2_10:
0x8b: {  	s26 =	sadd.s32 $0xFFFFFFF6, s28  }
0x8c: {  	[sflag:s29] =	ssyncadd.s32 $0xFFFFD800;
	s11 =	sadd.s32 $0x14000, s11;
	s9 =	smov.u32 s25  }
0x8d: {  	[tilespmem:s1], [sflag:$0x2] =	stream.linear.gather [hbm4b:s26+s3], $0x50, $0x38;
	[tilespmem:$0x18980] =	vst v63  }
0x8e: {  	p4 =	seq.s32 s25, $0x98800;
	s25 =	sadd.s32 $0x2800, s25;
	s16 =	sadd.s32 s16, s23  }
0x8f: {  	[tilespmem:s10], [sflag:$0x4] =	stream.strided.gather [hbm4b:s16+s30], $0x2800, s31, s30, $0x38;
	[tilespmem:$0x18980] =	vst v63  }
0x90: {  	s16 =	smov.u32 s9;
	_ =	swait.ge [sflag:s14], $0x50  }
0x91: {  	[sflag:s14] =	ssyncset.done $0x0  }
0x92: {  	[sflag:s14] =	ssyncadd.s32 $0xFFFFFFB0  }
0x93: {  	_ =	swait.ge [sflag:s17], $0x2800  }
0x94: {  	[sflag:s17] =	ssyncset.done $0x0  }
0x95: {  	[sflag:s17] =	ssyncadd.s32 $0xFFFFD800  }
0x96: {  	[spmem:s2] =	stream.indirect.scatter.add.f32 [tilespmem:s0], [sflag:$0x5], $0x80, s3, s12, $0xb8;
	[tilespmem:$0x18980] =	vst v63  }
0x97: {  	_ =	swait.ge [sflag:s29], $0x2800  }
0x98: {  	[sflag:s29] =	ssyncset.done $0x0  }
0x99: {  	s9 =	sshrl.u32 s11, $0x3;
	[sflag:s29] =	ssyncadd.s32 $0xFFFFD800  }
0x9a: {  	[tilespmem:s3], [sflag:$0x1] =	stream.linear.gather [hbm4b:s28+s3], $0x50, $0x38;
	[tilespmem:$0x18980] =	vst v63  }
0x9b: {  	s9 =	sadd.s32 s4, s9  }
0x9c: {  	[tilespmem:s0], [sflag:$0x3] =	stream.strided.gather [hbm4b:s9+s30], $0x2800, s31, s30, $0x38;
	[tilespmem:$0x18980] =	vst v63  }
0x9d: {  	_ =	swait.ge [sflag:s13], $0x50  }
0x9e: {  	[sflag:s13] =	ssyncset.done $0x0  }
0x9f: {  	[sflag:s13] =	ssyncadd.s32 $0xFFFFFFB0  }
0xa0: {  	_ =	swait.ge [sflag:s15], $0x2800  }
.Ltmp7:
0xa1: {  	[sflag:s15] =	ssyncset.done $0x0;
	(pc) =	sbr.rel @!p4 .LBB2_10-.Ltmp7, $4  }
0xa2: {  	[sflag:s15] =	ssyncadd.s32 $0xFFFFD800  }
0xa3: {  	[spmem:s2] =	stream.indirect.scatter.add.f32 [tilespmem:s10], [sflag:$0x5], $0x80, s1, s12, $0xb8;
	[tilespmem:$0x18980] =	vst v63  }
0xa4: {  	_ =	swait.ge [sflag:s29], $0x2800  }
0xa5: {  	s28 =	sadd.s32 $0x14, s28;
	[sflag:s29] =	ssyncset.done $0x0  }
0xa6: {  	s25 =	smov.u32 s16  }
.LBB2_12:
0xa7: {  	s9 =	sadd.s32 $0xFFFFFFF6, s28;
	[sflag:s29] =	ssyncadd.s32 @p3 $0xFFFFD800  }
0xa8: {  	[tilespmem:s1], [sflag:$0x2] =	stream.linear.gather [hbm4b:s9+s3], $0x50, $0x38;
	[tilespmem:$0x18980] =	vst v63  }
0xa9: {  	s26 =	sadd.s32 s25, s23  }
0xaa: {  	[tilespmem:s10], [sflag:$0x4] =	stream.strided.gather [hbm4b:s26+s30], $0x2800, s31, s30, $0x38;
	[tilespmem:$0x18980] =	vst v63  }
0xab: {  	_ =	swait.ge [sflag:s14], $0x50  }
0xac: {  	[sflag:s14] =	ssyncset.done $0x0  }
0xad: {  	[sflag:s14] =	ssyncadd.s32 $0xFFFFFFB0  }
0xae: {  	_ =	swait.ge [sflag:s17], $0x2800  }
0xaf: {  	[sflag:s17] =	ssyncset.done $0x0  }
0xb0: {  	[sflag:s17] =	ssyncadd.s32 $0xFFFFD800  }
0xb1: {  	[spmem:s2] =	stream.indirect.scatter.add.f32 [tilespmem:s0], [sflag:$0x5], $0x80, s3, s12, $0xb8;
	[tilespmem:$0x18980] =	vst v63  }
0xb2: {  	s9 =	sadd.s32 @p3 $0x14000, s11;
	s11 =	smov.u32 s22;
	_ =	swait.ge [sflag:s29], $0x2800  }
0xb3: {  	s11 =	smov.u32 @p3 s9;
	[sflag:s29] =	ssyncset.done $0x0  }
0xb4: {  	s9 =	sshrl.u32 s11, $0x3;
	[sflag:s29] =	ssyncadd.s32 $0xFFFFD800  }
0xb5: {  	[tilespmem:s3], [sflag:$0x1] =	stream.linear.gather [hbm4b:s28+s3], $0x50, $0x38;
	[tilespmem:$0x18980] =	vst v63  }
0xb6: {  	s9 =	sadd.s32 s4, s9  }
0xb7: {  	[tilespmem:s0], [sflag:$0x3] =	stream.strided.gather [hbm4b:s9+s30], $0x2800, s31, s30, $0x38;
	[tilespmem:$0x18980] =	vst v63  }
0xb8: {  	_ =	swait.ge [sflag:s13], $0x50  }
0xb9: {  	[sflag:s13] =	ssyncset.done $0x0  }
0xba: {  	[sflag:s13] =	ssyncadd.s32 $0xFFFFFFB0  }
0xbb: {  	_ =	swait.ge [sflag:s15], $0x2800  }
0xbc: {  	[sflag:s15] =	ssyncset.done $0x0  }
.Ltmp8:
0xbd: {  	[sflag:s15] =	ssyncadd.s32 $0xFFFFD800;
	(pc) =	sbr.rel .LBB2_13-.Ltmp8, $4  }
0xbe: {  	[spmem:s2] =	stream.indirect.scatter.add.f32 [tilespmem:s10], [sflag:$0x5], $0x80, s1, s12, $0xb8;
	[tilespmem:$0x18980] =	vst v63  }
0xbf: {  	_ =	swait.ge [sflag:s29], $0x2800  }
0xc0: {  	[sflag:s29] =	ssyncset.done $0x0  }
0xc1: {  	p3 =	por $0x1, $0x1;
	[sflag:s29] =	ssyncadd.s32 $0xFFFFD800  }
.LBB2_3:
0xc2: {  	[tilespmem:s3], [sflag:$0x1] =	stream.linear.gather [hbm4b:s24+s3], $0x50, $0x38;
	[tilespmem:$0x18980] =	vst v63  }
0xc3: {  	s9 =	rddreg [dreg:$0x5]  }
0xc4: {  	s28 =	sadd.s32 $0xFFFFFB28, s20;
	s22 =	rddreg [dreg:$0xe]  }
0xc5: {  	[tilespmem:s0], [sflag:$0x3] =	stream.strided.gather [hbm4b:s9+s30], $0x2800, s31, s30, $0x38;
	[tilespmem:$0x18980] =	vst v63  }
0xc6: {  	s11 =	sadd.s32 $0x4E2, s28;
	s16 =	sshrl.u32 s22, $0x3  }
0xc7: {  	[tilespmem:s1], [sflag:$0x2] =	stream.linear.gather [hbm4b:s11+s3], $0x50, $0x38;
	[tilespmem:$0x18980] =	vst v63  }
0xc8: {  	s25 =	sadd.s32 s5, s16  }
0xc9: {  	[tilespmem:s10], [sflag:$0x4] =	stream.strided.gather [hbm4b:s25+s30], $0x2800, s31, s30, $0x38;
	[tilespmem:$0x18980] =	vst v63  }
0xca: {  	_ =	swait.ge [sflag:s14], $0x50  }
0xcb: {  	[sflag:s14] =	ssyncset.done $0x0  }
0xcc: {  	[sflag:s14] =	ssyncadd.s32 $0xFFFFFFB0  }
0xcd: {  	_ =	swait.ge [sflag:s17], $0x2800  }
0xce: {  	[sflag:s17] =	ssyncset.done $0x0  }
0xcf: {  	[sflag:s17] =	ssyncadd.s32 $0xFFFFD800  }
0xd0: {  	[spmem:s2] =	stream.indirect.scatter.add.f32 [tilespmem:s0], [sflag:$0x5], $0x80, s3, s12, $0xb8;
	[tilespmem:$0x18980] =	vst v63  }
0xd1: {  	_ =	swait.ge [sflag:s29], $0x2800  }
0xd2: {  	s26 =	sadd.s32 $0xA000, s22;
	[sflag:s29] =	ssyncset.done $0x0  }
0xd3: {  	s9 =	sadd.s32 $0x4EC, s28;
	s11 =	sshrl.u32 s26, $0x3;
	[sflag:s29] =	ssyncadd.s32 $0xFFFFD800  }
0xd4: {  	[tilespmem:s3], [sflag:$0x1] =	stream.linear.gather [hbm4b:s9+s3], $0x50, $0x38;
	[tilespmem:$0x18980] =	vst v63  }
0xd5: {  	s28 =	sadd.s32 s5, s11  }
0xd6: {  	[tilespmem:s0], [sflag:$0x3] =	stream.strided.gather [hbm4b:s28+s30], $0x2800, s31, s30, $0x38;
	[tilespmem:$0x18980] =	vst v63  }
0xd7: {  	_ =	swait.ge [sflag:s13], $0x50  }
0xd8: {  	[sflag:s13] =	ssyncset.done $0x0  }
0xd9: {  	[sflag:s13] =	ssyncadd.s32 $0xFFFFFFB0  }
0xda: {  	_ =	swait.ge [sflag:s15], $0x2800  }
0xdb: {  	[sflag:s15] =	ssyncset.done $0x0  }
0xdc: {  	s16 =	simm.s32 $0xFFFFFB50;
	[sflag:s15] =	ssyncadd.s32 $0xFFFFD800  }
0xdd: {  	[spmem:s2] =	stream.indirect.scatter.add.f32 [tilespmem:s10], [sflag:$0x5], $0x80, s1, s12, $0xb8;
	[tilespmem:$0x18980] =	vst v63  }
0xde: {  	s11 =	sadd.s32 $0x14000, s22;
	s25 =	sadd.s32 $0xFFFFFB3C, s20;
	_ =	swait.ge [sflag:s29], $0x2800  }
.LBB2_4:
0xdf: {  	s9 =	sadd.s32 $0x4E2, s25  }
0xe0: {  	s26 =	sshrl.u32 s11, $0x3;
	[sflag:s29] =	ssyncset.done $0x0;
	s28 =	smov.u32 s16  }
0xe1: {  	p2 =	sne.s32 s16, $0xFFFFFFEC;
	s16 =	sadd.s32 $0x14, s16;
	[sflag:s29] =	ssyncadd.s32 $0xFFFFD800  }
0xe2: {  	[tilespmem:s1], [sflag:$0x2] =	stream.linear.gather [hbm4b:s9+s3], $0x50, $0x38;
	[tilespmem:$0x18980] =	vst v63  }
0xe3: {  	s9 =	sadd.s32 s5, s26  }
0xe4: {  	[tilespmem:s10], [sflag:$0x4] =	stream.strided.gather [hbm4b:s9+s30], $0x2800, s31, s30, $0x38;
	[tilespmem:$0x18980] =	vst v63  }
0xe5: {  	_ =	swait.ge [sflag:s14], $0x50  }
0xe6: {  	[sflag:s14] =	ssyncset.done $0x0  }
0xe7: {  	[sflag:s14] =	ssyncadd.s32 $0xFFFFFFB0  }
0xe8: {  	_ =	swait.ge [sflag:s17], $0x2800  }
0xe9: {  	[sflag:s17] =	ssyncset.done $0x0  }
0xea: {  	[sflag:s17] =	ssyncadd.s32 $0xFFFFD800  }
0xeb: {  	[spmem:s2] =	stream.indirect.scatter.add.f32 [tilespmem:s0], [sflag:$0x5], $0x80, s3, s12, $0xb8;
	[tilespmem:$0x18980] =	vst v63  }
0xec: {  	_ =	swait.ge [sflag:s29], $0x2800  }
0xed: {  	s9 =	sadd.s32 $0x4EC, s25;
	s25 =	sadd.s32 $0xA000, s11;
	[sflag:s29] =	ssyncset.done $0x0  }
0xee: {  	s25 =	sshrl.u32 s25, $0x3;
	[sflag:s29] =	ssyncadd.s32 $0xFFFFD800  }
0xef: {  	[tilespmem:s3], [sflag:$0x1] =	stream.linear.gather [hbm4b:s9+s3], $0x50, $0x38;
	[tilespmem:$0x18980] =	vst v63  }
0xf0: {  	s9 =	sadd.s32 s5, s25  }
0xf1: {  	[tilespmem:s0], [sflag:$0x3] =	stream.strided.gather [hbm4b:s9+s30], $0x2800, s31, s30, $0x38;
	[tilespmem:$0x18980] =	vst v63  }
0xf2: {  	_ =	swait.ge [sflag:s13], $0x50  }
0xf3: {  	[sflag:s13] =	ssyncset.done $0x0  }
0xf4: {  	[sflag:s13] =	ssyncadd.s32 $0xFFFFFFB0  }
.Ltmp9:
0xf5: {  	_ =	swait.ge [sflag:s15], $0x2800;
	(pc) =	sbr.rel @p2 .LBB2_4-.Ltmp9, $4  }
0xf6: {  	[sflag:s15] =	ssyncset.done $0x0  }
0xf7: {  	[sflag:s15] =	ssyncadd.s32 $0xFFFFD800  }
0xf8: {  	[spmem:s2] =	stream.indirect.scatter.add.f32 [tilespmem:s10], [sflag:$0x5], $0x80, s1, s12, $0xb8;
	[tilespmem:$0x18980] =	vst v63  }
0xf9: {  	s11 =	sadd.s32 $0x14000, s11;
	s25 =	sadd.s32 s28, s20;
	_ =	swait.ge [sflag:s29], $0x2800  }
0xfa: {  	[sflag:s29] =	ssyncset.done $0x0  }
0xfb: {  	s9 =	sadd.s32 $0x4E2, s25;
	s16 =	sshrl.u32 s11, $0x3;
	[sflag:s29] =	ssyncadd.s32 $0xFFFFD800  }
0xfc: {  	[tilespmem:s1], [sflag:$0x2] =	stream.linear.gather [hbm4b:s9+s3], $0x50, $0x38;
	[tilespmem:$0x18980] =	vst v63  }
0xfd: {  	s22 =	sadd.s32 s5, s16  }
0xfe: {  	[tilespmem:s10], [sflag:$0x4] =	stream.strided.gather [hbm4b:s22+s30], $0x2800, s31, s30, $0x38;
	[tilespmem:$0x18980] =	vst v63  }
0xff: {  	_ =	swait.ge [sflag:s14], $0x50  }
0x100: {  	[sflag:s14] =	ssyncset.done $0x0  }
0x101: {  	[sflag:s14] =	ssyncadd.s32 $0xFFFFFFB0  }
0x102: {  	_ =	swait.ge [sflag:s17], $0x2800  }
0x103: {  	[sflag:s17] =	ssyncset.done $0x0  }
0x104: {  	[sflag:s17] =	ssyncadd.s32 $0xFFFFD800  }
0x105: {  	[spmem:s2] =	stream.indirect.scatter.add.f32 [tilespmem:s0], [sflag:$0x5], $0x80, s3, s12, $0xb8;
	[tilespmem:$0x18980] =	vst v63  }
0x106: {  	_ =	swait.ge [sflag:s29], $0x2800  }
0x107: {  	s26 =	sadd.s32 $0xA000, s11;
	[sflag:s29] =	ssyncset.done $0x0  }
0x108: {  	s28 =	sadd.s32 $0x4EC, s25;
	s9 =	sshrl.u32 s26, $0x3;
	[sflag:s29] =	ssyncadd.s32 $0xFFFFD800  }
0x109: {  	[tilespmem:s3], [sflag:$0x1] =	stream.linear.gather [hbm4b:s28+s3], $0x50, $0x38;
	[tilespmem:$0x18980] =	vst v63  }
0x10a: {  	s9 =	sadd.s32 s5, s9  }
0x10b: {  	[tilespmem:s0], [sflag:$0x3] =	stream.strided.gather [hbm4b:s9+s30], $0x2800, s31, s30, $0x38;
	[tilespmem:$0x18980] =	vst v63  }
0x10c: {  	_ =	swait.ge [sflag:s13], $0x50  }
0x10d: {  	[sflag:s13] =	ssyncset.done $0x0  }
0x10e: {  	[sflag:s13] =	ssyncadd.s32 $0xFFFFFFB0  }
0x10f: {  	_ =	swait.ge [sflag:s15], $0x2800  }
0x110: {  	[sflag:s15] =	ssyncset.done $0x0  }
0x111: {  	[sflag:s15] =	ssyncadd.s32 $0xFFFFD800  }
0x112: {  	[spmem:s2] =	stream.indirect.scatter.add.f32 [tilespmem:s10], [sflag:$0x5], $0x80, s1, s12, $0xb8;
	[tilespmem:$0x18980] =	vst v63  }
0x113: {  	_ =	swait.ge [sflag:s29], $0x2800  }
0x114: {  	[sflag:s29] =	ssyncset.done $0x0  }
0x115: {  	p3 =	por $0x0, $0x0;
	p2 =	por $0x1, $0x1;
	[sflag:s29] =	ssyncadd.s32 $0xFFFFD800  }
.LBB2_13:
0x116: {  	_ =	swait.ge [sflag:s14], $0x50  }
0x117: {  	[sflag:s14] =	ssyncset.done $0x0  }
0x118: {  	[sflag:s14] =	ssyncadd.s32 $0xFFFFFFB0  }
0x119: {  	_ =	swait.ge [sflag:s17], $0x2800  }
0x11a: {  	[sflag:s17] =	ssyncset.done $0x0  }
0x11b: {  	[sflag:s17] =	ssyncadd.s32 $0xFFFFD800  }
0x11c: {  	[spmem:s2] =	stream.indirect.scatter.add.f32 [tilespmem:s0], [sflag:$0x5], $0x80, s3, s12, $0xb8;
	[tilespmem:$0x18980] =	vst v63  }
0x11d: {  	_ =	swait.ge [sflag:s29], $0x2800  }
0x11e: {  	[sflag:s29] =	ssyncset.done $0x0  }
0x11f: {  	[sflag:s29] =	ssyncadd.s32 $0xFFFFD800  }
0x120: {  	[bflag:$0x0] =	sbarrier.arrive $0xFFFF  }
0x121: {  	s9 =	rddreg [dreg:$0x6]  }
0x122: {  	s11 =	simm.s32 $0x8;
	s16 =	simm.s32 $0x200;
	s22 =	rddreg [dreg:$0x12]  }
0x123: {  	[hbm:s9@s16], [sflag:s8] =	dma.strided [spmem:s22@s1], $0x2700, s11, $0x10   }
0x124: {  	_ =	swait.ge [sflag:s29], $0x2700  }
0x125: {  	[sflag:s29] =	ssyncset.done $0x0  }
0x126: {  	[sflag:s29] =	ssyncadd.s32 $0xFFFFD900  }
0x127: {  	s9 =	sshrl.u32 @p0 s6, $0x3;
	[bflag:$0x0] =	sbarrier.arrive @p0 $0xFFFF  }
0x128: {  	[spmem:s9], [sflag:s8] =	dma.local @p0 [hbm:s7], $0x2700  }
0x129: {  	s9 =	simm.s32 @p0 $0x5  }
0x12a: {  	_ =	swait.ge @p0 [sflag:s9], $0x2700  }
0x12b: {  	s25 =	simm.s32 @!p0 $0x80;
	[sflag:s9] =	ssyncset.done @p0 $0x0  }
0x12c: {  	s11 =	simm.s32 @!p0 $0x200;
	[sflag:s9] =	ssyncadd.s32 @p0 $0xFFFFD900;
	s9 =	rddreg [dreg:$0x10]  }
0x12d: {  	s22 =	rddreg [dreg:$0x9];
	s16 =	sshrl.u32 @!p0 s9, $0x3;
	s9 =	simm.s32 @!p0 $0x8  }
0x12e: {  	[hbm:s22@s11], [sflag:s8] =	dma.strided @!p0 [spmem:s16@s25], $0x100, s9, $0x10   }
0x12f: {  	s9 =	simm.s32 @!p0 $0x5  }
0x130: {  	_ =	swait.ge @!p0 [sflag:s9], $0x100  }
0x131: {  	[sflag:s9] =	ssyncset.done @!p0 $0x0  }
0x132: {  	[sflag:s9] =	ssyncadd.s32 @!p0 $0xFFFFFF00  }
0x133: {  	s11 =	sshrl.u32 @!p0 s6, $0x3;
	[bflag:$0x0] =	sbarrier.arrive @!p0 $0xFFFF  }
0x134: {  	[spmem:s11], [sflag:s8] =	dma.local @!p0 [hbm:s7], $0x2700  }
0x135: {  	_ =	swait.ge @!p0 [sflag:s9], $0x2700  }
0x136: {  	[sflag:s9] =	ssyncset.done @!p0 $0x0  }
0x137: {  	[sflag:s9] =	ssyncadd.s32 @!p0 $0xFFFFD900  }
0x138: {  	[spmem:s16], [sflag:s8] =	dma.local @!p0 [hbm:s18], $0x100  }
.Ltmp10:
0x139: {  	_ =	swait.ge @!p0 [sflag:s9], $0x100;
	(pc) =	sbr.rel @!p3 .LBB2_17-.Ltmp10, $3  }
0x13a: {  	[sflag:s9] =	ssyncset.done @!p0 $0x0  }
0x13b: {  	[sflag:s9] =	ssyncadd.s32 @!p0 $0xFFFFFF00  }
0x13c: {  	[bflag:$0x0] =	sbarrier.arrive $0xFFFF;
	_ =	sdelay $0x1  }
0x13d: {  	s9 =	simm.s32 $0x0;
	s25 =	rddreg [dreg:$0xa]  }
0x13e: {  	[tilespmem:s9], [sflag:$0x1] =	stream.linear.gather [hbm4b:s24+s9], $0x50, $0x38;
	[tilespmem:$0x18980] =	vst v63  }
0x13f: {  	s22 =	rddreg [dreg:$0x11]  }
0x140: {  	[tilespmem:s0], [sflag:$0x3] =	stream.strided.gather [hbm4b:s25+s30], $0x2800, s31, s30, $0x38;
	[tilespmem:$0x18980] =	vst v63  }
0x141: {  	s11 =	sadd.s32 $0x0, s21;
	s26 =	sadd.s32 $0xFFFFFFF6, s22  }
0x142: {  	[tilespmem:s1], [sflag:$0x2] =	stream.linear.gather [hbm4b:s26+s3], $0x50, $0x38;
	[tilespmem:$0x18980] =	vst v63  }
0x143: {  	s25 =	sadd.s32 $0x1480, s11  }
0x144: {  	[tilespmem:s10], [sflag:$0x4] =	stream.strided.gather [hbm4b:s25+s30], $0x2800, s31, s30, $0x38;
	[tilespmem:$0x18980] =	vst v63  }
0x145: {  	_ =	swait.ge [sflag:s14], $0x50  }
0x146: {  	[sflag:s14] =	ssyncset.done $0x0  }
0x147: {  	[sflag:s14] =	ssyncadd.s32 $0xFFFFFFB0  }
0x148: {  	_ =	swait.ge [sflag:s17], $0x2800  }
0x149: {  	[sflag:s17] =	ssyncset.done $0x0  }
0x14a: {  	[sflag:s17] =	ssyncadd.s32 $0xFFFFD800  }
0x14b: {  	[spmem:s2] =	stream.indirect.scatter.add.f32 [tilespmem:s0], [sflag:$0x5], $0x80, s3, s12, $0xb8;
	[tilespmem:$0x18980] =	vst v63  }
0x14c: {  	_ =	swait.ge [sflag:s29], $0x2800  }
0x14d: {  	[sflag:s29] =	ssyncset.done $0x0  }
0x14e: {  	[sflag:s29] =	ssyncadd.s32 $0xFFFFD800  }
0x14f: {  	[tilespmem:s3], [sflag:$0x1] =	stream.linear.gather [hbm4b:s22+s3], $0x50, $0x38;
	[tilespmem:$0x18980] =	vst v63  }
0x150: {  	s26 =	sadd.s32 $0x2880, s11  }
0x151: {  	[tilespmem:s0], [sflag:$0x3] =	stream.strided.gather [hbm4b:s26+s30], $0x2800, s31, s30, $0x38;
	[tilespmem:$0x18980] =	vst v63  }
0x152: {  	_ =	swait.ge [sflag:s13], $0x50  }
0x153: {  	[sflag:s13] =	ssyncset.done $0x0  }
0x154: {  	[sflag:s13] =	ssyncadd.s32 $0xFFFFFFB0  }
0x155: {  	_ =	swait.ge [sflag:s15], $0x2800  }
0x156: {  	[sflag:s15] =	ssyncset.done $0x0  }
0x157: {  	[sflag:s15] =	ssyncadd.s32 $0xFFFFD800  }
0x158: {  	[spmem:s2] =	stream.indirect.scatter.add.f32 [tilespmem:s10], [sflag:$0x5], $0x80, s1, s12, $0xb8;
	[tilespmem:$0x18980] =	vst v63  }
0x159: {  	s28 =	simm.s32 $0x5000;
	_ =	swait.ge [sflag:s29], $0x2800  }
0x15a: {  	s11 =	sadd.s32 $0x14, s22;
	s25 =	simm.s32 $0x2800;
	[sflag:s29] =	ssyncset.done $0x0  }
.LBB2_15:
0x15b: {  	s9 =	sadd.s32 $0xFFFFFFF6, s11  }
0x15c: {  	s26 =	sadd.s32 s25, s21;
	[sflag:s29] =	ssyncadd.s32 $0xFFFFD800;
	s25 =	smov.u32 s28  }
0x15d: {  	[tilespmem:s1], [sflag:$0x2] =	stream.linear.gather [hbm4b:s9+s3], $0x50, $0x38;
	[tilespmem:$0x18980] =	vst v63  }
0x15e: {  	p3 =	sne.s32 s28, $0x98800;
	s28 =	sadd.s32 $0x2800, s28;
	s9 =	sadd.s32 $0x1480, s26  }
0x15f: {  	[tilespmem:s10], [sflag:$0x4] =	stream.strided.gather [hbm4b:s9+s30], $0x2800, s31, s30, $0x38;
	[tilespmem:$0x18980] =	vst v63  }
0x160: {  	_ =	swait.ge [sflag:s14], $0x50  }
0x161: {  	[sflag:s14] =	ssyncset.done $0x0  }
0x162: {  	[sflag:s14] =	ssyncadd.s32 $0xFFFFFFB0  }
0x163: {  	_ =	swait.ge [sflag:s17], $0x2800  }
0x164: {  	[sflag:s17] =	ssyncset.done $0x0  }
0x165: {  	[sflag:s17] =	ssyncadd.s32 $0xFFFFD800  }
0x166: {  	[spmem:s2] =	stream.indirect.scatter.add.f32 [tilespmem:s0], [sflag:$0x5], $0x80, s3, s12, $0xb8;
	[tilespmem:$0x18980] =	vst v63  }
0x167: {  	_ =	swait.ge [sflag:s29], $0x2800  }
0x168: {  	[sflag:s29] =	ssyncset.done $0x0  }
0x169: {  	[sflag:s29] =	ssyncadd.s32 $0xFFFFD800  }
0x16a: {  	[tilespmem:s3], [sflag:$0x1] =	stream.linear.gather [hbm4b:s11+s3], $0x50, $0x38;
	[tilespmem:$0x18980] =	vst v63  }
0x16b: {  	s9 =	sadd.s32 $0x2880, s26  }
0x16c: {  	[tilespmem:s0], [sflag:$0x3] =	stream.strided.gather [hbm4b:s9+s30], $0x2800, s31, s30, $0x38;
	[tilespmem:$0x18980] =	vst v63  }
0x16d: {  	_ =	swait.ge [sflag:s13], $0x50  }
0x16e: {  	[sflag:s13] =	ssyncset.done $0x0  }
0x16f: {  	[sflag:s13] =	ssyncadd.s32 $0xFFFFFFB0  }
0x170: {  	_ =	swait.ge [sflag:s15], $0x2800  }
.Ltmp11:
0x171: {  	[sflag:s15] =	ssyncset.done $0x0;
	(pc) =	sbr.rel @p3 .LBB2_15-.Ltmp11, $4  }
0x172: {  	[sflag:s15] =	ssyncadd.s32 $0xFFFFD800  }
0x173: {  	[spmem:s2] =	stream.indirect.scatter.add.f32 [tilespmem:s10], [sflag:$0x5], $0x80, s1, s12, $0xb8;
	[tilespmem:$0x18980] =	vst v63  }
0x174: {  	_ =	swait.ge [sflag:s29], $0x2800  }
0x175: {  	s11 =	sadd.s32 $0x14, s11;
	[sflag:s29] =	ssyncset.done $0x0  }
0x176: {  	s9 =	sadd.s32 $0xFFFFFFF6, s11;
	s25 =	sadd.s32 s25, s21;
	[sflag:s29] =	ssyncadd.s32 $0xFFFFD800  }
0x177: {  	[tilespmem:s1], [sflag:$0x2] =	stream.linear.gather [hbm4b:s9+s3], $0x50, $0x38;
	[tilespmem:$0x18980] =	vst v63  }
0x178: {  	s26 =	sadd.s32 $0x1480, s25  }
0x179: {  	[tilespmem:s10], [sflag:$0x4] =	stream.strided.gather [hbm4b:s26+s30], $0x2800, s31, s30, $0x38;
	[tilespmem:$0x18980] =	vst v63  }
0x17a: {  	_ =	swait.ge [sflag:s14], $0x50  }
0x17b: {  	[sflag:s14] =	ssyncset.done $0x0  }
0x17c: {  	[sflag:s14] =	ssyncadd.s32 $0xFFFFFFB0  }
0x17d: {  	_ =	swait.ge [sflag:s17], $0x2800  }
0x17e: {  	[sflag:s17] =	ssyncset.done $0x0  }
0x17f: {  	[sflag:s17] =	ssyncadd.s32 $0xFFFFD800  }
0x180: {  	[spmem:s2] =	stream.indirect.scatter.add.f32 [tilespmem:s0], [sflag:$0x5], $0x80, s3, s12, $0xb8;
	[tilespmem:$0x18980] =	vst v63  }
0x181: {  	_ =	swait.ge [sflag:s29], $0x2800  }
0x182: {  	[sflag:s29] =	ssyncset.done $0x0  }
0x183: {  	[sflag:s29] =	ssyncadd.s32 $0xFFFFD800  }
0x184: {  	[tilespmem:s3], [sflag:$0x1] =	stream.linear.gather [hbm4b:s11+s3], $0x50, $0x38;
	[tilespmem:$0x18980] =	vst v63  }
0x185: {  	s28 =	sadd.s32 $0x2880, s25  }
0x186: {  	[tilespmem:s0], [sflag:$0x3] =	stream.strided.gather [hbm4b:s28+s30], $0x2800, s31, s30, $0x38;
	[tilespmem:$0x18980] =	vst v63  }
0x187: {  	_ =	swait.ge [sflag:s13], $0x50  }
0x188: {  	[sflag:s13] =	ssyncset.done $0x0  }
0x189: {  	[sflag:s13] =	ssyncadd.s32 $0xFFFFFFB0  }
0x18a: {  	_ =	swait.ge [sflag:s15], $0x2800  }
0x18b: {  	[sflag:s15] =	ssyncset.done $0x0  }
0x18c: {  	[sflag:s15] =	ssyncadd.s32 $0xFFFFD800  }
0x18d: {  	[spmem:s2] =	stream.indirect.scatter.add.f32 [tilespmem:s10], [sflag:$0x5], $0x80, s1, s12, $0xb8;
	[tilespmem:$0x18980] =	vst v63  }
0x18e: {  	_ =	swait.ge [sflag:s29], $0x2800  }
0x18f: {  	[sflag:s29] =	ssyncset.done $0x0  }
0x190: {  	[sflag:s29] =	ssyncadd.s32 $0xFFFFD800  }
0x191: {  	_ =	swait.ge [sflag:s14], $0x50  }
0x192: {  	[sflag:s14] =	ssyncset.done $0x0  }
0x193: {  	[sflag:s14] =	ssyncadd.s32 $0xFFFFFFB0  }
0x194: {  	_ =	swait.ge [sflag:s17], $0x2800  }
0x195: {  	[sflag:s17] =	ssyncset.done $0x0  }
0x196: {  	[sflag:s17] =	ssyncadd.s32 $0xFFFFD800  }
0x197: {  	[spmem:s2] =	stream.indirect.scatter.add.f32 [tilespmem:s0], [sflag:$0x5], $0x80, s3, s12, $0xb8;
	[tilespmem:$0x18980] =	vst v63  }
0x198: {  	_ =	swait.ge [sflag:s29], $0x2800  }
0x199: {  	[sflag:s29] =	ssyncset.done $0x0  }
0x19a: {  	[sflag:s29] =	ssyncadd.s32 $0xFFFFD800  }
.LBB2_17:
.Ltmp12:
0x19b: {  	(pc) =	sbr.rel @!p2 .LBB2_21-.Ltmp12, $1  }
0x19c: {  	_ =	sdelay $0x3  }
0x19d: {  	s9 =	simm.s32 $0x0  }
0x19e: {  	[tilespmem:s9], [sflag:$0x1] =	stream.linear.gather [hbm4b:s24+s9], $0x50, $0x38;
	[tilespmem:$0x18980] =	vst v63  }
0x19f: {  	s25 =	rddreg [dreg:$0x7];
	s26 =	sadd.s32 $0x0, s20  }
0x1a0: {  	[tilespmem:s0], [sflag:$0x3] =	stream.strided.gather [hbm4b:s25+s30], $0x2800, s31, s30, $0x38;
	[tilespmem:$0x18980] =	vst v63  }
0x1a1: {  	s22 =	smov.u32 s7;
	s7 =	smov.u32 s6;
	s11 =	sadd.s32 $0xA, s26  }
0x1a2: {  	[tilespmem:s1], [sflag:$0x2] =	stream.linear.gather [hbm4b:s11+s3], $0x50, $0x38;
	[tilespmem:$0x18980] =	vst v63  }
0x1a3: {  	s6 =	smov.u32 s18;
	s18 =	smov.u32 s24;
	s24 =	rddreg [dreg:$0xf]  }
0x1a4: {  	[tilespmem:s10], [sflag:$0x4] =	stream.strided.gather [hbm4b:s24+s30], $0x2800, s31, s30, $0x38;
	[tilespmem:$0x18980] =	vst v63  }
0x1a5: {  	_ =	swait.ge [sflag:s14], $0x50  }
0x1a6: {  	[sflag:s14] =	ssyncset.done $0x0  }
0x1a7: {  	[sflag:s14] =	ssyncadd.s32 $0xFFFFFFB0  }
0x1a8: {  	_ =	swait.ge [sflag:s17], $0x2800  }
0x1a9: {  	[sflag:s17] =	ssyncset.done $0x0  }
0x1aa: {  	[sflag:s17] =	ssyncadd.s32 $0xFFFFD800  }
0x1ab: {  	[spmem:s2] =	stream.indirect.scatter.add.f32 [tilespmem:s0], [sflag:$0x5], $0x80, s3, s12, $0xb8;
	[tilespmem:$0x18980] =	vst v63  }
0x1ac: {  	_ =	swait.ge [sflag:s29], $0x2800  }
0x1ad: {  	[sflag:s29] =	ssyncset.done $0x0  }
0x1ae: {  	s9 =	sadd.s32 $0x14, s26;
	[sflag:s29] =	ssyncadd.s32 $0xFFFFD800  }
0x1af: {  	[tilespmem:s3], [sflag:$0x1] =	stream.linear.gather [hbm4b:s9+s3], $0x50, $0x38;
	[tilespmem:$0x18980] =	vst v63  }
0x1b0: {  	s26 =	sadd.s32 $0x1400, s24  }
0x1b1: {  	[tilespmem:s0], [sflag:$0x3] =	stream.strided.gather [hbm4b:s26+s30], $0x2800, s31, s30, $0x38;
	[tilespmem:$0x18980] =	vst v63  }
0x1b2: {  	_ =	swait.ge [sflag:s13], $0x50  }
0x1b3: {  	[sflag:s13] =	ssyncset.done $0x0  }
0x1b4: {  	[sflag:s13] =	ssyncadd.s32 $0xFFFFFFB0  }
0x1b5: {  	_ =	swait.ge [sflag:s15], $0x2800  }
0x1b6: {  	[sflag:s15] =	ssyncset.done $0x0  }
0x1b7: {  	[sflag:s15] =	ssyncadd.s32 $0xFFFFD800  }
0x1b8: {  	[spmem:s2] =	stream.indirect.scatter.add.f32 [tilespmem:s10], [sflag:$0x5], $0x80, s1, s12, $0xb8;
	[tilespmem:$0x18980] =	vst v63  }
0x1b9: {  	s28 =	simm.s32 $0x28;
	_ =	swait.ge [sflag:s29], $0x2800  }
0x1ba: {  	s25 =	sadd.s32 $0x14, s20;
	s11 =	sadd.s32 $0x2800, s24;
	[sflag:s29] =	ssyncset.done $0x0  }
.LBB2_19:
0x1bb: {  	s9 =	sadd.s32 $0xA, s25  }
0x1bc: {  	[sflag:s29] =	ssyncadd.s32 $0xFFFFD800;
	s26 =	smov.u32 s28;
	s24 =	sadd.s32 $0x14, s28  }
0x1bd: {  	[tilespmem:s1], [sflag:$0x2] =	stream.linear.gather [hbm4b:s9+s3], $0x50, $0x38;
	[tilespmem:$0x18980] =	vst v63  }
0x1be: {  	p2 =	sne.s32 s28, $0x4C4  }
0x1bf: {  	[tilespmem:s10], [sflag:$0x4] =	stream.strided.gather [hbm4b:s11+s30], $0x2800, s31, s30, $0x38;
	[tilespmem:$0x18980] =	vst v63  }
0x1c0: {  	_ =	swait.ge [sflag:s14], $0x50  }
0x1c1: {  	[sflag:s14] =	ssyncset.done $0x0  }
0x1c2: {  	[sflag:s14] =	ssyncadd.s32 $0xFFFFFFB0  }
0x1c3: {  	_ =	swait.ge [sflag:s17], $0x2800  }
0x1c4: {  	[sflag:s17] =	ssyncset.done $0x0  }
0x1c5: {  	[sflag:s17] =	ssyncadd.s32 $0xFFFFD800  }
0x1c6: {  	[spmem:s2] =	stream.indirect.scatter.add.f32 [tilespmem:s0], [sflag:$0x5], $0x80, s3, s12, $0xb8;
	[tilespmem:$0x18980] =	vst v63  }
0x1c7: {  	_ =	swait.ge [sflag:s29], $0x2800  }
0x1c8: {  	[sflag:s29] =	ssyncset.done $0x0  }
0x1c9: {  	s9 =	sadd.s32 $0x14, s25;
	[sflag:s29] =	ssyncadd.s32 $0xFFFFD800  }
0x1ca: {  	[tilespmem:s3], [sflag:$0x1] =	stream.linear.gather [hbm4b:s9+s3], $0x50, $0x38;
	[tilespmem:$0x18980] =	vst v63  }
0x1cb: {  	s9 =	sadd.s32 $0x1400, s11  }
0x1cc: {  	[tilespmem:s0], [sflag:$0x3] =	stream.strided.gather [hbm4b:s9+s30], $0x2800, s31, s30, $0x38;
	[tilespmem:$0x18980] =	vst v63  }
0x1cd: {  	_ =	swait.ge [sflag:s13], $0x50  }
0x1ce: {  	[sflag:s13] =	ssyncset.done $0x0  }
0x1cf: {  	[sflag:s13] =	ssyncadd.s32 $0xFFFFFFB0  }
0x1d0: {  	_ =	swait.ge [sflag:s15], $0x2800  }
.Ltmp13:
0x1d1: {  	[sflag:s15] =	ssyncset.done $0x0;
	(pc) =	sbr.rel @p2 .LBB2_19-.Ltmp13, $4  }
0x1d2: {  	[sflag:s15] =	ssyncadd.s32 $0xFFFFD800  }
0x1d3: {  	[spmem:s2] =	stream.indirect.scatter.add.f32 [tilespmem:s10], [sflag:$0x5], $0x80, s1, s12, $0xb8;
	[tilespmem:$0x18980] =	vst v63  }
0x1d4: {  	s25 =	sadd.s32 s26, s20;
	_ =	swait.ge [sflag:s29], $0x2800  }
0x1d5: {  	s28 =	smov.u32 s24;
	s11 =	sadd.s32 $0x2800, s11;
	[sflag:s29] =	ssyncset.done $0x0  }
.Ltmp14:
0x1d6: {  	_ = 	snop;
	(pc) =	sbr.rel .LBB2_20-.Ltmp14, $1  }
0x1d7: {  	_ =	sdelay $0x3  }
.LBB2_9:
.Ltmp15:
0x1d8: {  	(pc) =	sbr.rel .LBB2_12-.Ltmp15, $2  }
0x1d9: {  	_ =	sdelay $0x2  }
0x1da: {  	s11 =	smov.u32 s22;
	s25 =	simm.s32 $0x2800  }
.LBB2_22:
0x1db: {  	_ =	sfence.sel $0x180000  }
0x1dc: {  	[bflag:$0x0] =	sbarrier.arrive $0xFFFF  }
0x1dd: {  	_ =	strace $0x9000004D  }
0x1de: {  	s0 =	stileid.u32;
	[bflag:$0x2] =	sbarrier.arrive $0xFFFF  }
0x1df: {  	p0 =	sne.s32 s0, $0x0;
	s0 =	rddreg [dreg:$0x3]  }
0x1e0: {  	s0 =	sadd.s32 @!p0 $0x100000, s0  }
0x1e1: {  	[sflag:s0] =	ssyncadd.tile.s32 @!p0 $0x1;
	_ =	shalt  }
.Lfunc_end2:
_tile_overlayer_lowered:
.L_overlay_start_2:
0x1e2: {  	(tag) =	ssettag $0x2  }
0x1e3: {  	s0 =	rddreg [dreg:$0x0];
	s2 =	stileid.u32  }
0x1e4: {  	s1 =	rddreg [dreg:$0x1];
	p0 =	sne.s32 s2, $0x0  }
0x1e5: {  	s3 =	rddreg [dreg:$0x2];
	[bflag:$0x3] =	sbarrier.arrive $0xFFFF;
	s2 =	simm.s32 @!p0 $0x1C05  }
0x1e6: {  	[timem:s3], [sflag:s2] =	dma.local @!p0 [hbm:s0], s1  }
0x1e7: {  	s0 =	simm.s32 @!p0 $0x5  }
0x1e8: {  	_ =	swait.ge @!p0 [sflag:s0], s1  }
0x1e9: {  	s1 =	ssub.s32 @!p0 $0x0, s1;
	[sflag:s0] =	ssyncset.done @!p0 $0x0  }
0x1ea: {  	[sflag:s0] =	ssyncadd.s32 @!p0 s1  }
0x1eb: {  	[bflag:$0x3] =	sbarrier.arrive $0xFFFF  }
0x1ec: {  	_ =	shalt  }

// kernel: kernel.8.cloned.1.call-start
scs
__scs_entry_jumppad:
0x0: {  	(pc) =	sbr.rel $0x88, $3  }
0x1: {  	(tag) =	ssettag $0x0;
	lr =	simm.s32 $0x1  }
0x2: {  	[smem:$0x3F91] =	sst lr;
	_ =	strace $0xD0000000  }
0x3: {  	_ = 	snop  }
0x4: {  	_ = 	snop  }
0x5: {  	_ = 	snop  }
0x6: {  	_ = 	snop  }
0x7: {  	_ = 	snop  }
__scs_overlays_trampoline_lowered:
0x8: {  	[smem:$0x3FA0] =	sst s0  }
0x9: {  	[smem:$0x3FA1] =	sst s1  }
0xa: {  	[smem:$0x3FA2] =	sst s2  }
0xb: {  	[smem:$0x3FA3] =	sst s3  }
0xc: {  	[smem:$0x3FA4] =	sst s4  }
0xd: {  	[smem:$0x3FA5] =	sst s5  }
0xe: {  	[smem:$0x3FA6] =	sst s6  }
0xf: {  	[smem:$0x3FA7] =	sst s7  }
0x10: {  	[smem:$0x3FA8] =	sst s8  }
0x11: {  	[smem:$0x3FA9] =	sst s9;
	s0 =	simm.s32 @!p0 $0x0  }
0x12: {  	s1 =	sld [smem:$0x3F8F];
	s0 =	simm.s32 @p0 $0x1  }
0x13: {  	[smem:$0x3FAA] =	sst s0;
	s0 =	simm.s32 @!p1 $0x0  }
0x14: {  	s2 =	sld [smem:$0x3F8E];
	s0 =	simm.s32 @p1 $0x1  }
0x15: {  	[smem:$0x3FAB] =	sst s0;
	s0 =	simm.s32 @!p2 $0x0  }
0x16: {  	s3 =	sld [smem:$0x3FDB];
	s0 =	simm.s32 @p2 $0x1  }
0x17: {  	s4 =	simm.s32 $0x1BF5;
	[smem:$0x3FAD] =	sst s0  }
0x18: {  	s0 =	sld [smem:$0x3F90];
	_ =	swait.ge [sflag:s4], $0x0  }
0x19: {  	s7 =	sld [smem:$0x3F91]  }
0x1a: {  	s8 =	sadd.s32 $0xFFFFE003, lr  }
0x1b: {  	s9 =	sadd.s32 $0xFFFFFEF7, lr;
	s5 =	simm.s32 $0xFFFFFFFF;
	p2 =	slt.u32 s8, $0xFFFFF086  }
0x1c: {  	p1 =	slt.u32 s9, $0xF7A;
	s5 =	simm.s32 @!p2 $0x0  }
0x1d: {  	s5 =	simm.s32 @p1 $0x1;
	p0 =	seq.s32 s7, s2  }
0x1e: {  	s7 =	smul.u32 @!p0 $0xF7A, s2;
	p2 =	seq.s32 @!p0 s5, $0x0  }
0x1f: {  	s9 =	smul.u32 $0xF7A, s1;
	s8 =	simm.s32 @!p0 $0x1BF5;
	p2 =	por !p2, p0  }
0x20: {  	[sflag:s8] =	ssyncset.s32 @!p0 $0xFFFFF086;
	s6 =	sadd.s32 @!p0 s3, s7;
	s7 =	simm.s32 @!p0 $0x108  }
0x21: {  	s3 =	sadd.s32 s3, s9;
	s6 =	sadd.s32 @!p0 $0x88, s6;
	s7 =	simm.s32 @p2 $0x1082  }
0x22: {  	[simem:s7], [sflag:s8] =	dma.local @!p0 [hbm:s6], $0xF7A  }
0x23: {  	s9 =	sor.u32 $0xD0000000, s2;
	s6 =	simm.s32 $0x108;
	_ =	swait.ge @!p0 [sflag:s8], $0x0  }
0x24: {  	s3 =	sadd.s32 $0x88, s3;
	s6 =	simm.s32 @!p1 $0x1082;
	[sflag:s4] =	ssyncset.s32 $0xFFFFF086  }
0x25: {  	[simem:s6], [sflag:s4] =	dma.local [hbm:s3], $0xF7A  }
0x26: {  	[smem:$0x3F91] =	sst s1;
	(tag) =	ssettag s2;
	_ =	strace s9  }
0x27: {  	s1 =	sld [smem:$0x3FA1]  }
0x28: {  	s2 =	sld [smem:$0x3FA2]  }
0x29: {  	s4 =	sld [smem:$0x3FA4]  }
0x2a: {  	p0 =	seq.s32 s5, $0x0;
	s5 =	sld [smem:$0x3FA5]  }
0x2b: {  	s6 =	sld [smem:$0x3FA6]  }
0x2c: {  	s7 =	sld [smem:$0x3FA7]  }
0x2d: {  	s3 =	simm.s32 $0x108;
	s8 =	sld [smem:$0x3FA8]  }
0x2e: {  	s3 =	simm.s32 @!p0 $0x1082;
	s9 =	sld [smem:$0x3FA9]  }
0x2f: {  	lr =	sadd.s32 s0, s3;
	s0 =	sld [smem:$0x3FA0]  }
0x30: {  	s3 =	sld [smem:$0x3FA3]  }
0x31: {  	[smem:$0x3FAC] =	sst s10  }
0x32: {  	s10 =	sld [smem:$0x3FAA];
	_ =	sdelay $0x3  }
0x33: {  	p0 =	seq.s32 s10, $0x1;
	s10 =	sld [smem:$0x3FAC];
	_ =	sdelay $0x3  }
0x34: {  	[smem:$0x3FAC] =	sst s10  }
0x35: {  	s10 =	sld [smem:$0x3FAB];
	_ =	sdelay $0x3  }
0x36: {  	p1 =	seq.s32 s10, $0x1;
	s10 =	sld [smem:$0x3FAC];
	_ =	sdelay $0x3  }
0x37: {  	[smem:$0x3FAC] =	sst s10  }
0x38: {  	s10 =	sld [smem:$0x3FAD]  }
0x39: {  	_ = 	snop;
	(pc) =	sbr.ind lr, $3  }
0x3a: {  	_ = 	snop  }
0x3b: {  	_ = 	snop  }
0x3c: {  	p2 =	seq.s32 s10, $0x1;
	s10 =	sld [smem:$0x3FAC]  }
0x3d: {  	_ =	shalt  }
0x3e: {  	_ =	shalt  }
0x3f: {  	_ =	shalt  }
0x40: {  	_ =	shalt  }
0x41: {  	_ =	shalt  }
0x42: {  	_ =	shalt  }
0x43: {  	_ =	shalt  }
0x44: {  	_ =	shalt  }
0x45: {  	_ =	shalt  }
0x46: {  	_ =	shalt  }
0x47: {  	_ =	shalt  }
0x48: {  	_ =	shalt  }
0x49: {  	_ =	shalt  }
0x4a: {  	_ =	shalt  }
0x4b: {  	_ =	shalt  }
0x4c: {  	_ =	shalt  }
0x4d: {  	_ =	shalt  }
0x4e: {  	_ =	shalt  }
0x4f: {  	_ =	shalt  }
0x50: {  	_ =	shalt  }
0x51: {  	_ =	shalt  }
0x52: {  	_ =	shalt  }
0x53: {  	_ =	shalt  }
0x54: {  	_ =	shalt  }
0x55: {  	_ =	shalt  }
0x56: {  	_ =	shalt  }
0x57: {  	_ =	shalt  }
0x58: {  	_ =	shalt  }
0x59: {  	_ =	shalt  }
0x5a: {  	_ =	shalt  }
0x5b: {  	_ =	shalt  }
0x5c: {  	_ =	shalt  }
0x5d: {  	_ =	shalt  }
0x5e: {  	_ =	shalt  }
0x5f: {  	_ =	shalt  }
0x60: {  	_ =	shalt  }
0x61: {  	_ =	shalt  }
0x62: {  	_ =	shalt  }
0x63: {  	_ =	shalt  }
0x64: {  	_ =	shalt  }
0x65: {  	_ =	shalt  }
0x66: {  	_ =	shalt  }
0x67: {  	_ =	shalt  }
0x68: {  	_ =	shalt  }
0x69: {  	_ =	shalt  }
0x6a: {  	_ =	shalt  }
0x6b: {  	_ =	shalt  }
0x6c: {  	_ =	shalt  }
0x6d: {  	_ =	shalt  }
0x6e: {  	_ =	shalt  }
0x6f: {  	_ =	shalt  }
0x70: {  	_ =	shalt  }
0x71: {  	_ =	shalt  }
0x72: {  	_ =	shalt  }
0x73: {  	_ =	shalt  }
0x74: {  	_ =	shalt  }
0x75: {  	_ =	shalt  }
0x76: {  	_ =	shalt  }
0x77: {  	_ =	shalt  }
0x78: {  	_ =	shalt  }
0x79: {  	_ =	shalt  }
0x7a: {  	_ =	shalt  }
0x7b: {  	_ =	shalt  }
0x7c: {  	_ =	shalt  }
0x7d: {  	_ =	shalt  }
0x7e: {  	_ =	shalt  }
0x7f: {  	_ =	shalt  }
0x80: {  	_ =	shalt  }
0x81: {  	_ =	shalt  }
0x82: {  	_ =	shalt  }
0x83: {  	_ =	shalt  }
0x84: {  	_ =	shalt  }
0x85: {  	_ =	shalt  }
0x86: {  	_ =	shalt  }
0x87: {  	_ =	shalt  }
.Lfunc_end0:
.L_simem_size_0:
called_computation_lowered:
.L_overlay_start_0:
0x88: {  	s2 =	sld [smem:$0x3FD9]  }
0x89: {  	s3 =	sld [smem:$0x3FFE];
	_ =	sdelay $0x1  }
0x8a: {  	s1 =	srdreg.scid  }
0x8b: {  	s0 =	sand.u32 $0x1, s1  }
0x8c: {  	s17 =	sshll.u32 s0, $0xA;
	s2 =	sadd.s32 s3, s2  }
0x8d: {  	s2 =	sadd.s32 s2, s17  }
0x8e: {  	[smem:$0x3FB8] =	sst s2  }
0x8f: {  	_ = 	snop  }
0x90: {  	s18 =	sld [smem:$0x3FD0];
	(tm) =	ssettm $0x1  }
0x91: {  	s19 =	sld [smem:$0x3FFB];
	_ =	sdelay $0x3  }
0x92: {  	_ =	strace s19  }
0x93: {  	s2 =	sld [smem:$0x3FFC];
	_ =	sdelay $0x3  }
0x94: {  	_ =	strace s2  }
0x95: {  	s2 =	sld [smem:$0x3FFD];
	_ =	sdelay $0x3  }
0x96: {  	_ =	strace s2  }
0x97: {  	_ =	strace $0x8FFFFFFF  }
0x98: {  	s20 =	sld [smem:$0x3FDB];
	_ =	sdelay $0x1  }
0x99: {  	s4 =	simm.s32 $_scs_section_size  }
0x9a: {  	s5 =	simm.s32 $_size__tile_overlayer_lowered;
	s6 =	simm.s32 $_tile_overlayer_lowered  }
0x9b: {  	s7 =	simm.s32 $0x1BFF;
	s21 =	sshll.u32 s6, $0x1;
	s4 =	sadd.s32 s4, s20  }
0x9c: {  	s22 =	simm.s32 $0x0;
	s5 =	sshll.u32 s5, $0x1;
	s6 =	sadd.s32 s21, s4  }
0x9d: {  	[timem:s22], [sflag:s7] =	dma.local [hbm:s6], s5  }
0x9e: {  	_ =	swait.ge [sflag:s7], s5  }
0x9f: {  	s5 =	ssub.s32 $0x0, s5;
	[sflag:s7] =	ssyncset.done $0x0  }
0xa0: {  	[sflag:s7] =	ssyncadd.s32 s5;
	_ =	sdelay $0x1  }
0xa1: {  	s23 =	simm.s32 $0x1B8B  }
0xa2: {  	_ =	swait.ge [sflag:s23], $0x1  }
0xa3: {  	[sflag:s23] =	ssyncset.done $0x0  }
0xa4: {  	[sflag:s23] =	ssyncadd.s32 $0xFFFFFFFF  }
0xa5: {  	s5 =	sld [smem:$0x0]  }
0xa6: {  	s6 =	sand.u32 $0xFFFFFFFE, s1  }
0xa7: {  	p0 =	sne.s32 s1, s6  }
0xa8: {  	s6 =	sshll.u32 @p0 s6, $0xE  }
0xa9: {  	s6 =	sadd.s32 @p0 $0x11B8D, s6;
	s7 =	sshll.u32 @p0 s5, $0x11  }
0xaa: {  	s6 =	sor.u32 @p0 s7, s6  }
0xab: {  	[sflag:s6] =	ssyncadd.remote.s32 @p0 $0x1;
	_ =	sdelay $0x1  }
0xac: {  	s6 =	simm.s32 @p0 $0x1B8D  }
0xad: {  	_ =	swait.eq @p0 [sflag:s6], $0x1  }
0xae: {  	[sflag:s6] =	ssyncadd.s32 @p0 $0xFFFFFFFF  }
0xaf: {  	s7 =	sshll.u32 @!p0 s1, $0xE  }
0xb0: {  	s7 =	sor.u32 @!p0 $0x4000, s7;
	s6 =	simm.s32 @!p0 $0x1B8D  }
0xb1: {  	s5 =	sshll.u32 @!p0 s5, $0x11;
	s7 =	sadd.s32 @!p0 $0x11B8D, s7;
	_ =	swait.eq @!p0 [sflag:s6], $0x1  }
0xb2: {  	s5 =	sor.u32 @!p0 s5, s7;
	[sflag:s6] =	ssyncadd.s32 @!p0 $0xFFFFFFFF  }
0xb3: {  	s25 =	simm.s32 $0x1B8E;
	s24 =	sld [smem:$0x3FFE];
	[sflag:s5] =	ssyncadd.remote.s32 @!p0 $0x1  }
0xb4: {  	s26 =	simm.s32 $execute0_lowered;
	[smem:$0x3FD2] =	sst s25  }
0xb5: {  	s6 =	sshll.u32 s26, $0x1;
	_ =	strace $0x80000049;
	[dreg:$0x1] =	wrdreg $0xFFFFFFFF  }
0xb6: {  	s28 =	simm.s32 $_size_execute0_lowered;
	s4 =	sadd.s32 s4, s6;
	[dreg:$0x0] =	wrdreg $0x0  }
0xb7: {  	s6 =	sshll.u32 s28, $0x1;
	[dreg:$0x2] =	wrdreg s4  }
0xb8: {  	[dreg:$0x3] =	wrdreg s6  }
0xb9: {  	[dreg:$0x4] =	wrdreg $0xC0  }
0xba: {  	_ =	task [dreg:s22], $0x5FFFF  }
0xbb: {  	[dreg:$0x1] =	wrdreg $0xFFFFFFFF  }
0xbc: {  	[dreg:$0x0] =	wrdreg $0x60  }
0xbd: {  	[dreg:$0x2] =	wrdreg s18  }
0xbe: {  	[dreg:$0x3] =	wrdreg s24  }
0xbf: {  	[dreg:$0x4] =	wrdreg $0x9  }
0xc0: {  	_ =	task.clear_ibuf [dreg:s22], $0x5FFFF;
	_ =	strace $0x90000049  }
0xc1: {  	s29 =	simm.s32 $0x9;
	_ =	strace $0x8000004B  }
0xc2: {  	_ =	swait.ge [sflag:s29], $0x1  }
0xc3: {  	[sflag:s29] =	ssyncadd.s32 $0xFFFFFFFF  }
0xc4: {  	_ =	strace $0x9000004B  }
0xc5: {  	_ =	sfence  }
0xc6: {  	s30 =	sld [smem:$0x0];
	_ =	sdelay $0x2  }
0xc7: {  	s31 =	sshll.u32 s1, $0xD;
	s1 =	sshrl.u32 s1, $0x2  }
0xc8: {  	s4 =	sand.u32 $0x4000, s31;
	s1 =	sadd.s32 s1, s30  }
0xc9: {  	s0 =	sor.u32 s4, s0;
	s1 =	sshll.u32 s1, $0x11  }
0xca: {  	s0 =	sor.u32 s1, s0  }
0xcb: {  	s0 =	sadd.s32 $0x8F2B, s0  }
0xcc: {  	[sflag:s0] =	ssyncadd.remote.s32 $0x1  }
0xcd: {  	_ =	sfence.sel $0xFFFF  }
0xce: {  	[dreg:$0x0] =	wrdreg $0xFFFFFFFF;
	(pc) =	sbr.abs _section_cstart, $3  }
0xcf: {  	[dreg:$0x1] =	wrdreg $0xFFFFFFFF  }
0xd0: {  	_ =	task.clear_ibuf [dreg:s22], $0x2FFFF;
	_ =	strace $0x9FFFFFFF  }
0xd1: {  	(tm) =	ssettm $0x7FFFFFFF  }
tec
execute0_lowered:
.L_overlay_start_1:
0x0: {  	(tag) =	ssettag $0x1  }
0x1: {  	s0 =	srdreg.scid;
	s2 =	rddreg [dreg:$0x0]  }
0x2: {  	s26 =	stileid.u32;
	s6 =	rddreg [dreg:$0x1];
	s3 =	simm.s32 $0x0  }
0x3: {  	s17 =	simm.s32 $0x5900;
	s16 =	simm.s32 $0x1900;
	s18 =	simm.s32 $0x6100  }
0x4: {  	s19 =	simm.s32 $0x6900;
	s20 =	simm.s32 $0x7100;
	s21 =	simm.s32 $0x7900  }
0x5: {  	s22 =	simm.s32 $0x8100;
	s23 =	simm.s32 $0x8900;
	s24 =	simm.s32 $0x9100  }
0x6: {  	s25 =	simm.s32 $0x9900;
	s28 =	simm.s32 $0x2;
	s29 =	simm.s32 $0x0  }
0x7: {  	s8 =	sand.u32 $0x1, s0;
	[smem:$0x7FF] =	sst s3;
	s4 =	sadd.s32 $0x279800, s6  }
0x8: {  	s6 =	sadd.s32 $0x27C000, s6;
	_ =	strace $0x8000004A;
	[dreg:$0x3] =	wrdreg s17  }
0x9: {  	s13 =	smul.u32 $0x1F, s26;
	s1 =	sshll.u32 s8, $0x4;
	[dreg:$0x4] =	wrdreg s18  }
0xa: {  	s10 =	ssub.s32 $0x2, s8;
	s8 =	smul.u32 $0x1F0, s8;
	[dreg:$0x5] =	wrdreg s19  }
0xb: {  	s17 =	simm.s32 $0x2100;
	s18 =	simm.s32 $0x2900;
	[dreg:$0x6] =	wrdreg s20  }
0xc: {  	s19 =	simm.s32 $0x3100;
	s20 =	simm.s32 $0x3900;
	[dreg:$0x7] =	wrdreg s21  }
0xd: {  	s21 =	simm.s32 $0x4100;
	[dreg:$0x8] =	wrdreg s22;
	s22 =	simm.s32 $0x4900  }
0xe: {  	[dreg:$0x9] =	wrdreg s23;
	s23 =	simm.s32 $0x80;
	s7 =	sor.u32 s26, s1  }
0xf: {  	[dreg:$0xa] =	wrdreg s24;
	s24 =	simm.s32 $0x5100;
	s5 =	smul.u32 $0x1F, s7  }
0x10: {  	[dreg:$0xb] =	wrdreg s25;
	s25 =	simm.s32 $0x1;
	s9 =	smin.u32 s7, $0x8  }
0x11: {  	s12 =	sshrl.u32 s10, $0x1;
	p0 =	slt.u32 s7, $0x8;
	s5 =	sadd.s32 s9, s5  }
0x12: {  	s7 =	simm.s32 $0x1F;
	s8 =	sor.u32 s8, s9;
	s11 =	smul.u32 $0x50, s5  }
0x13: {  	s7 =	simm.s32 @!p0 $0x1E;
	s8 =	sadd.s32 s13, s8;
	s14 =	smul.u32 $0xA, s5  }
0x14: {  	s26 =	simm.s32 $0x3;
	s15 =	sadd.s32 s7, s5;
	s13 =	smul.u32 $0xA00, s8  }
0x15: {  	s12 =	ssub.s32 s10, s12;
	s31 =	smul.u32 $0xA00, s15;
	s15 =	simm.s32 $0x1100  }
0x16: {  	v2 =	vlaneseq.u32;
	s30 =	sshrl.u32 s11, $0x3;
	s8 =	sadd.s32 s4, s14;
	s11 =	smax.u32 s12, $0x1  }
0x17: {  	vm0 =	vmmov $0xffff;
	v1 =	vshrl.u32 v2, $0x3;
	s12 =	sadd.s32 s13, s6;
	s13 =	simm.s32 $0x100;
	s9 =	sadd.s32 s4, s30  }
0x18: {  	v0 =	vand.u32 $0x7, v2;
	v2 =	vor.u32 $0x8, v2;
	v1 =	vmul.u32 $0x8, v1;
	s14 =	simm.s32 $0x900;
	s10 =	sadd.s32 s6, s31;
	s9 =	sadd.s32 $0xA, s9  }
.LBB2_1:
0x19: {  	[tilespmem:s3], [sflag:$0x3] =	stream.linear.gather [hbm4b:s8+s3], $0x50, $0x38;
	[tilespmem:$0xA100] =	vst v63  }
0x1a: {  	_ =	swait.ge [sflag:s26], $0x50  }
0x1b: {  	[sflag:s26] =	ssyncset.done $0x0  }
0x1c: {  	[sflag:s26] =	ssyncadd.s32 $0xFFFFFFB0  }
0x1d: {  	v3 =	vld [tilespmem:$0x0];
	_ =	sdelay $0x4  }
0x1e: {  	v4 =	vshll.u32 v3, $0x1  }
0x1f: {  	v3 =	vand.u32 $0x7, v3;
	v4 =	vand.u32 $0xFFFFFFF0, v4  }
0x20: {  	v3 =	vor.u32 v3, v4  }
0x21: {  	v4 =	vperm.xlane v3, v0;
	_ =	sdelay $0x1  }
0x22: {  	v3 =	vperm.xlane v3, v2;
	v4 =	vadd.s32 v1, v4;
	_ =	sdelay $0x1  }
0x23: {  	v3 =	vadd.s32 v1, v3;
	_ =	sdelay $0x2  }
0x24: {  	[tilespmem:s13], [sflag:$0x1] =	stream.indirect_vreg.gather [hbm4b:s2+s3], $0x80, v4, vm0, $0xb8;
	[tilespmem:$0xA100] =	vst v63  }
0x25: {  	_ = 	snop  }
0x26: {  	[tilespmem:s14], [sflag:$0x1] =	stream.indirect_vreg.gather [hbm4b:s2+s3], $0x80, v3, vm0, $0xb8;
	[tilespmem:$0xA100] =	vst v63  }
0x27: {  	v3 =	vld [tilespmem:$0x10];
	_ =	sdelay $0x4  }
0x28: {  	v60 =	vshll.u32 v3, $0x1  }
0x29: {  	v3 =	vand.u32 $0x7, v3;
	v4 =	vand.u32 $0xFFFFFFF0, v60  }
0x2a: {  	v3 =	vor.u32 v3, v4  }
0x2b: {  	v4 =	vperm.xlane v3, v0;
	_ =	sdelay $0x1  }
0x2c: {  	v3 =	vperm.xlane v3, v2;
	v4 =	vadd.s32 v1, v4;
	_ =	sdelay $0x1  }
0x2d: {  	v3 =	vadd.s32 v1, v3;
	_ =	sdelay $0x2  }
0x2e: {  	[tilespmem:s15], [sflag:$0x1] =	stream.indirect_vreg.gather [hbm4b:s2+s3], $0x80, v4, vm0, $0xb8;
	[tilespmem:$0xA100] =	vst v63  }
0x2f: {  	_ = 	snop  }
0x30: {  	[tilespmem:s16], [sflag:$0x1] =	stream.indirect_vreg.gather [hbm4b:s2+s3], $0x80, v3, vm0, $0xb8;
	[tilespmem:$0xA100] =	vst v63  }
0x31: {  	v3 =	vld [tilespmem:$0x20];
	_ =	sdelay $0x4  }
0x32: {  	v61 =	vshll.u32 v3, $0x1  }
0x33: {  	v3 =	vand.u32 $0x7, v3;
	v4 =	vand.u32 $0xFFFFFFF0, v61  }
0x34: {  	v3 =	vor.u32 v3, v4  }
0x35: {  	v4 =	vperm.xlane v3, v0;
	_ =	sdelay $0x1  }
0x36: {  	v3 =	vperm.xlane v3, v2;
	v4 =	vadd.s32 v1, v4;
	_ =	sdelay $0x1  }
0x37: {  	v3 =	vadd.s32 v1, v3;
	_ =	sdelay $0x2  }
0x38: {  	[tilespmem:s17], [sflag:$0x1] =	stream.indirect_vreg.gather [hbm4b:s2+s3], $0x80, v4, vm0, $0xb8;
	[tilespmem:$0xA100] =	vst v63  }
0x39: {  	_ = 	snop  }
0x3a: {  	[tilespmem:s18], [sflag:$0x1] =	stream.indirect_vreg.gather [hbm4b:s2+s3], $0x80, v3, vm0, $0xb8;
	[tilespmem:$0xA100] =	vst v63  }
0x3b: {  	v3 =	vld [tilespmem:$0x30];
	_ =	sdelay $0x4  }
0x3c: {  	v62 =	vshll.u32 v3, $0x1  }
0x3d: {  	v3 =	vand.u32 $0x7, v3;
	v4 =	vand.u32 $0xFFFFFFF0, v62  }
0x3e: {  	v3 =	vor.u32 v3, v4  }
0x3f: {  	v4 =	vperm.xlane v3, v0;
	_ =	sdelay $0x1  }
0x40: {  	v3 =	vperm.xlane v3, v2;
	v4 =	vadd.s32 v1, v4;
	_ =	sdelay $0x1  }
0x41: {  	v3 =	vadd.s32 v1, v3;
	_ =	sdelay $0x2  }
0x42: {  	[tilespmem:s19], [sflag:$0x1] =	stream.indirect_vreg.gather [hbm4b:s2+s3], $0x80, v4, vm0, $0xb8;
	[tilespmem:$0xA100] =	vst v63  }
0x43: {  	_ = 	snop  }
0x44: {  	[tilespmem:s20], [sflag:$0x1] =	stream.indirect_vreg.gather [hbm4b:s2+s3], $0x80, v3, vm0, $0xb8;
	[tilespmem:$0xA100] =	vst v63  }
0x45: {  	v3 =	vld [tilespmem:$0x40];
	_ =	sdelay $0x4  }
0x46: {  	v63 =	vshll.u32 v3, $0x1  }
0x47: {  	v3 =	vand.u32 $0x7, v3;
	v4 =	vand.u32 $0xFFFFFFF0, v63  }
0x48: {  	v3 =	vor.u32 v3, v4  }
0x49: {  	v4 =	vperm.xlane v3, v0;
	_ =	sdelay $0x1  }
0x4a: {  	v3 =	vperm.xlane v3, v2;
	v4 =	vadd.s32 v1, v4;
	_ =	sdelay $0x1  }
0x4b: {  	v3 =	vadd.s32 v1, v3;
	_ =	sdelay $0x2  }
0x4c: {  	[tilespmem:s21], [sflag:$0x1] =	stream.indirect_vreg.gather [hbm4b:s2+s3], $0x80, v4, vm0, $0xb8;
	[tilespmem:$0xA100] =	vst v63  }
0x4d: {  	_ = 	snop  }
0x4e: {  	[tilespmem:s22], [sflag:$0x1] =	stream.indirect_vreg.gather [hbm4b:s2+s3], $0x80, v3, vm0, $0xb8;
	[tilespmem:$0xA100] =	vst v63  }
0x4f: {  	_ = 	snop  }
0x50: {  	[tilespmem:s23], [sflag:$0x3] =	stream.linear.gather [hbm4b:s9+s3], $0x50, $0x38;
	[tilespmem:$0xA100] =	vst v63  }
0x51: {  	_ =	swait.ge [sflag:s26], $0x50  }
0x52: {  	[sflag:s26] =	ssyncset.done $0x0  }
0x53: {  	s30 =	smov.u32 s12;
	s31 =	simm.s32 $0x3;
	[sflag:s26] =	ssyncadd.s32 $0xFFFFFFB0  }
.LBB2_2:
0x54: {  	v3 =	vld [tilespmem:$0x80];
	_ =	sdelay $0x4  }
0x55: {  	v4 =	vshll.u32 v3, $0x1  }
0x56: {  	v3 =	vand.u32 $0x7, v3;
	v4 =	vand.u32 $0xFFFFFFF0, v4  }
0x57: {  	v3 =	vor.u32 v3, v4  }
0x58: {  	v4 =	vperm.xlane v3, v0;
	_ =	sdelay $0x1  }
0x59: {  	v3 =	vperm.xlane v3, v2;
	v4 =	vadd.s32 v1, v4;
	_ =	sdelay $0x1  }
0x5a: {  	v3 =	vadd.s32 v1, v3;
	_ =	sdelay $0x2  }
0x5b: {  	[tilespmem:s24], [sflag:$0x2] =	stream.indirect_vreg.gather [hbm4b:s2+s3], $0x80, v4, vm0, $0xb8;
	[tilespmem:$0xA100] =	vst v63  }
0x5c: {  	s1 =	rddreg [dreg:$0x3]  }
0x5d: {  	[tilespmem:s1], [sflag:$0x2] =	stream.indirect_vreg.gather [hbm4b:s2+s3], $0x80, v3, vm0, $0xb8;
	[tilespmem:$0xA100] =	vst v63  }
0x5e: {  	v3 =	vld [tilespmem:$0x90];
	_ =	sdelay $0x4  }
0x5f: {  	v55 =	vshll.u32 v3, $0x1  }
0x60: {  	v3 =	vand.u32 $0x7, v3;
	v4 =	vand.u32 $0xFFFFFFF0, v55  }
0x61: {  	v3 =	vor.u32 v3, v4  }
0x62: {  	v4 =	vperm.xlane v3, v0;
	_ =	sdelay $0x1  }
0x63: {  	v3 =	vperm.xlane v3, v2;
	v4 =	vadd.s32 v1, v4;
	_ =	sdelay $0x1  }
0x64: {  	v3 =	vadd.s32 v1, v3;
	_ =	sdelay $0x1  }
0x65: {  	s1 =	rddreg [dreg:$0x4]  }
0x66: {  	[tilespmem:s1], [sflag:$0x2] =	stream.indirect_vreg.gather [hbm4b:s2+s3], $0x80, v4, vm0, $0xb8;
	[tilespmem:$0xA100] =	vst v63  }
0x67: {  	s0 =	rddreg [dreg:$0x5]  }
0x68: {  	[tilespmem:s0], [sflag:$0x2] =	stream.indirect_vreg.gather [hbm4b:s2+s3], $0x80, v3, vm0, $0xb8;
	[tilespmem:$0xA100] =	vst v63  }
0x69: {  	v3 =	vld [tilespmem:$0xA0];
	_ =	sdelay $0x4  }
0x6a: {  	v56 =	vshll.u32 v3, $0x1  }
0x6b: {  	v3 =	vand.u32 $0x7, v3;
	v4 =	vand.u32 $0xFFFFFFF0, v56  }
0x6c: {  	v3 =	vor.u32 v3, v4  }
0x6d: {  	v4 =	vperm.xlane v3, v0;
	_ =	sdelay $0x1  }
0x6e: {  	v3 =	vperm.xlane v3, v2;
	v4 =	vadd.s32 v1, v4;
	_ =	sdelay $0x1  }
0x6f: {  	v3 =	vadd.s32 v1, v3;
	_ =	sdelay $0x1  }
0x70: {  	s0 =	rddreg [dreg:$0x6]  }
0x71: {  	[tilespmem:s0], [sflag:$0x2] =	stream.indirect_vreg.gather [hbm4b:s2+s3], $0x80, v4, vm0, $0xb8;
	[tilespmem:$0xA100] =	vst v63  }
0x72: {  	s1 =	rddreg [dreg:$0x7]  }
0x73: {  	[tilespmem:s1], [sflag:$0x2] =	stream.indirect_vreg.gather [hbm4b:s2+s3], $0x80, v3, vm0, $0xb8;
	[tilespmem:$0xA100] =	vst v63  }
0x74: {  	v3 =	vld [tilespmem:$0xB0];
	_ =	sdelay $0x4  }
0x75: {  	v57 =	vshll.u32 v3, $0x1  }
0x76: {  	v3 =	vand.u32 $0x7, v3;
	v4 =	vand.u32 $0xFFFFFFF0, v57  }
0x77: {  	v3 =	vor.u32 v3, v4  }
0x78: {  	v4 =	vperm.xlane v3, v0;
	_ =	sdelay $0x1  }
0x79: {  	v3 =	vperm.xlane v3, v2;
	v4 =	vadd.s32 v1, v4;
	_ =	sdelay $0x1  }
0x7a: {  	v3 =	vadd.s32 v1, v3;
	_ =	sdelay $0x1  }
0x7b: {  	s0 =	rddreg [dreg:$0x8]  }
0x7c: {  	[tilespmem:s0], [sflag:$0x2] =	stream.indirect_vreg.gather [hbm4b:s2+s3], $0x80, v4, vm0, $0xb8;
	[tilespmem:$0xA100] =	vst v63  }
0x7d: {  	s1 =	rddreg [dreg:$0x9]  }
0x7e: {  	[tilespmem:s1], [sflag:$0x2] =	stream.indirect_vreg.gather [hbm4b:s2+s3], $0x80, v3, vm0, $0xb8;
	[tilespmem:$0xA100] =	vst v63  }
0x7f: {  	v3 =	vld [tilespmem:$0xC0];
	_ =	sdelay $0x4  }
0x80: {  	v58 =	vshll.u32 v3, $0x1  }
0x81: {  	v3 =	vand.u32 $0x7, v3;
	v4 =	vand.u32 $0xFFFFFFF0, v58  }
0x82: {  	v3 =	vor.u32 v3, v4  }
0x83: {  	v4 =	vperm.xlane v3, v0;
	_ =	sdelay $0x1  }
0x84: {  	v3 =	vperm.xlane v3, v2;
	v4 =	vadd.s32 v1, v4;
	_ =	sdelay $0x1  }
0x85: {  	v3 =	vadd.s32 v1, v3;
	_ =	sdelay $0x1  }
0x86: {  	s0 =	rddreg [dreg:$0xa]  }
0x87: {  	[tilespmem:s0], [sflag:$0x2] =	stream.indirect_vreg.gather [hbm4b:s2+s3], $0x80, v4, vm0, $0xb8;
	[tilespmem:$0xA100] =	vst v63  }
0x88: {  	s1 =	rddreg [dreg:$0xb];
	s0 =	sadd.s32 $0xFFFFFFFF, s31  }
0x89: {  	[tilespmem:s1], [sflag:$0x2] =	stream.indirect_vreg.gather [hbm4b:s2+s3], $0x80, v3, vm0, $0xb8;
	[tilespmem:$0xA100] =	vst v63  }
0x8a: {  	p0 =	slt.s32 s0, s7;
	s1 =	smov.u32 s7;
	_ =	swait.ge [sflag:s25], $0x5000  }
0x8b: {  	s1 =	smov.u32 @p0 s0;
	[sflag:s25] =	ssyncset.done $0x0  }
0x8c: {  	s0 =	sadd.s32 s5, s1;
	[sflag:s25] =	ssyncadd.s32 $0xFFFFB000  }
0x8d: {  	[hbm4b:s30+s3] =	stream.linear.scatter [tilespmem:s13], [sflag:$0x3], $0x5000, $0x38;
	[tilespmem:$0xA100] =	vst v63  }
0x8e: {  	s0 =	smul.u32 $0xA, s0;
	_ =	swait.ge [sflag:s26], $0x5000  }
0x8f: {  	[sflag:s26] =	ssyncset.done $0x0  }
0x90: {  	s0 =	sadd.s32 s4, s0;
	[sflag:s26] =	ssyncadd.s32 $0xFFFFB000  }
0x91: {  	[tilespmem:s3], [sflag:$0x3] =	stream.linear.gather [hbm4b:s0+s3], $0x50, $0x38;
	[tilespmem:$0xA100] =	vst v63  }
0x92: {  	_ =	swait.ge [sflag:s26], $0x50  }
0x93: {  	[sflag:s26] =	ssyncset.done $0x0  }
0x94: {  	[sflag:s26] =	ssyncadd.s32 $0xFFFFFFB0  }
0x95: {  	v3 =	vld [tilespmem:$0x0];
	_ =	sdelay $0x4  }
0x96: {  	v59 =	vshll.u32 v3, $0x1  }
0x97: {  	v3 =	vand.u32 $0x7, v3;
	v4 =	vand.u32 $0xFFFFFFF0, v59  }
0x98: {  	v3 =	vor.u32 v3, v4  }
0x99: {  	v4 =	vperm.xlane v3, v0;
	_ =	sdelay $0x1  }
0x9a: {  	v3 =	vperm.xlane v3, v2;
	v4 =	vadd.s32 v1, v4;
	_ =	sdelay $0x1  }
0x9b: {  	v3 =	vadd.s32 v1, v3;
	_ =	sdelay $0x2  }
0x9c: {  	[tilespmem:s13], [sflag:$0x1] =	stream.indirect_vreg.gather [hbm4b:s2+s3], $0x80, v4, vm0, $0xb8;
	[tilespmem:$0xA100] =	vst v63  }
0x9d: {  	_ = 	snop  }
0x9e: {  	[tilespmem:s14], [sflag:$0x1] =	stream.indirect_vreg.gather [hbm4b:s2+s3], $0x80, v3, vm0, $0xb8;
	[tilespmem:$0xA100] =	vst v63  }
0x9f: {  	v3 =	vld [tilespmem:$0x10];
	_ =	sdelay $0x4  }
0xa0: {  	v60 =	vshll.u32 v3, $0x1  }
0xa1: {  	v3 =	vand.u32 $0x7, v3;
	v4 =	vand.u32 $0xFFFFFFF0, v60  }
0xa2: {  	v3 =	vor.u32 v3, v4  }
0xa3: {  	v4 =	vperm.xlane v3, v0;
	_ =	sdelay $0x1  }
0xa4: {  	v3 =	vperm.xlane v3, v2;
	v4 =	vadd.s32 v1, v4;
	_ =	sdelay $0x1  }
0xa5: {  	v3 =	vadd.s32 v1, v3;
	_ =	sdelay $0x2  }
0xa6: {  	[tilespmem:s15], [sflag:$0x1] =	stream.indirect_vreg.gather [hbm4b:s2+s3], $0x80, v4, vm0, $0xb8;
	[tilespmem:$0xA100] =	vst v63  }
0xa7: {  	_ = 	snop  }
0xa8: {  	[tilespmem:s16], [sflag:$0x1] =	stream.indirect_vreg.gather [hbm4b:s2+s3], $0x80, v3, vm0, $0xb8;
	[tilespmem:$0xA100] =	vst v63  }
0xa9: {  	v3 =	vld [tilespmem:$0x20];
	_ =	sdelay $0x4  }
0xaa: {  	v61 =	vshll.u32 v3, $0x1  }
0xab: {  	v3 =	vand.u32 $0x7, v3;
	v4 =	vand.u32 $0xFFFFFFF0, v61  }
0xac: {  	v3 =	vor.u32 v3, v4  }
0xad: {  	v4 =	vperm.xlane v3, v0;
	_ =	sdelay $0x1  }
0xae: {  	v3 =	vperm.xlane v3, v2;
	v4 =	vadd.s32 v1, v4;
	_ =	sdelay $0x1  }
0xaf: {  	v3 =	vadd.s32 v1, v3;
	_ =	sdelay $0x2  }
0xb0: {  	[tilespmem:s17], [sflag:$0x1] =	stream.indirect_vreg.gather [hbm4b:s2+s3], $0x80, v4, vm0, $0xb8;
	[tilespmem:$0xA100] =	vst v63  }
0xb1: {  	_ = 	snop  }
0xb2: {  	[tilespmem:s18], [sflag:$0x1] =	stream.indirect_vreg.gather [hbm4b:s2+s3], $0x80, v3, vm0, $0xb8;
	[tilespmem:$0xA100] =	vst v63  }
0xb3: {  	v3 =	vld [tilespmem:$0x30];
	_ =	sdelay $0x4  }
0xb4: {  	v62 =	vshll.u32 v3, $0x1  }
0xb5: {  	v3 =	vand.u32 $0x7, v3;
	v4 =	vand.u32 $0xFFFFFFF0, v62  }
0xb6: {  	v3 =	vor.u32 v3, v4  }
0xb7: {  	v4 =	vperm.xlane v3, v0;
	_ =	sdelay $0x1  }
0xb8: {  	v3 =	vperm.xlane v3, v2;
	v4 =	vadd.s32 v1, v4;
	_ =	sdelay $0x1  }
0xb9: {  	v3 =	vadd.s32 v1, v3;
	_ =	sdelay $0x2  }
0xba: {  	[tilespmem:s19], [sflag:$0x1] =	stream.indirect_vreg.gather [hbm4b:s2+s3], $0x80, v4, vm0, $0xb8;
	[tilespmem:$0xA100] =	vst v63  }
0xbb: {  	_ = 	snop  }
0xbc: {  	[tilespmem:s20], [sflag:$0x1] =	stream.indirect_vreg.gather [hbm4b:s2+s3], $0x80, v3, vm0, $0xb8;
	[tilespmem:$0xA100] =	vst v63  }
0xbd: {  	v3 =	vld [tilespmem:$0x40];
	_ =	sdelay $0x4  }
0xbe: {  	v63 =	vshll.u32 v3, $0x1  }
0xbf: {  	v3 =	vand.u32 $0x7, v3;
	v4 =	vand.u32 $0xFFFFFFF0, v63  }
0xc0: {  	v3 =	vor.u32 v3, v4  }
0xc1: {  	v4 =	vperm.xlane v3, v0;
	_ =	sdelay $0x1  }
0xc2: {  	v3 =	vperm.xlane v3, v2;
	v4 =	vadd.s32 v1, v4;
	_ =	sdelay $0x1  }
0xc3: {  	s0 =	sadd.s32 $0xFFFFFFFE, s31;
	v3 =	vadd.s32 v1, v3  }
0xc4: {  	s1 =	smov.u32 s7;
	p0 =	slt.s32 s0, s7  }
0xc5: {  	s1 =	smov.u32 @p0 s0  }
0xc6: {  	[tilespmem:s21], [sflag:$0x1] =	stream.indirect_vreg.gather [hbm4b:s2+s3], $0x80, v4, vm0, $0xb8;
	[tilespmem:$0xA100] =	vst v63  }
0xc7: {  	s0 =	sadd.s32 s5, s1  }
0xc8: {  	[tilespmem:s22], [sflag:$0x1] =	stream.indirect_vreg.gather [hbm4b:s2+s3], $0x80, v3, vm0, $0xb8;
	[tilespmem:$0xA100] =	vst v63  }
0xc9: {  	s0 =	smul.u32 $0xA00, s0;
	_ =	swait.ge [sflag:s28], $0x5000  }
0xca: {  	[sflag:s28] =	ssyncset.done $0x0  }
0xcb: {  	s0 =	sadd.s32 s6, s0;
	[sflag:s28] =	ssyncadd.s32 $0xFFFFB000  }
0xcc: {  	[hbm4b:s0+s3] =	stream.linear.scatter [tilespmem:s24], [sflag:$0x3], $0x5000, $0x38;
	[tilespmem:$0xA100] =	vst v63  }
0xcd: {  	p0 =	slt.s32 s31, s7;
	s0 =	smov.u32 s7  }
0xce: {  	s0 =	smov.u32 @p0 s31  }
0xcf: {  	s0 =	sadd.s32 s5, s0  }
0xd0: {  	_ =	swait.ge [sflag:s26], $0x5000;
	s0 =	smul.u32 $0xA, s0  }
0xd1: {  	p0 =	sne.s32 s31, $0x21;
	[sflag:s26] =	ssyncset.done $0x0  }
.Ltmp0:
0xd2: {  	[sflag:s26] =	ssyncadd.s32 $0xFFFFB000;
	s0 =	sadd.s32 s4, s0;
	(pc) =	sbr.rel @p0 .LBB2_2-.Ltmp0, $4  }
0xd3: {  	[tilespmem:s23], [sflag:$0x3] =	stream.linear.gather [hbm4b:s0+s3], $0x50, $0x38;
	[tilespmem:$0xA100] =	vst v63  }
0xd4: {  	_ =	swait.ge [sflag:s26], $0x50  }
0xd5: {  	[sflag:s26] =	ssyncset.done $0x0  }
0xd6: {  	s30 =	sadd.s32 $0x1400, s30;
	s31 =	sadd.s32 $0x2, s31;
	[sflag:s26] =	ssyncadd.s32 $0xFFFFFFB0  }
0xd7: {  	_ =	swait.ge [sflag:s25], $0x5000;
	s29 =	sadd.s32 $0x1, s29  }
0xd8: {  	[sflag:s25] =	ssyncset.done $0x0;
	p0 =	sne.s32 s29, s11  }
.Ltmp1:
0xd9: {  	[sflag:s25] =	ssyncadd.s32 $0xFFFFB000;
	(pc) =	sbr.rel @p0 .LBB2_1-.Ltmp1, $4  }
0xda: {  	[hbm4b:s10+s3] =	stream.linear.scatter [tilespmem:s13], [sflag:$0x3], $0x5000, $0x38;
	[tilespmem:$0xA100] =	vst v63  }
0xdb: {  	_ =	swait.ge [sflag:s26], $0x5000  }
0xdc: {  	[sflag:s26] =	ssyncset.done $0x0  }
0xdd: {  	[sflag:s26] =	ssyncadd.s32 $0xFFFFB000  }
0xde: {  	_ =	sfence.sel $0x180000  }
0xdf: {  	[bflag:$0x0] =	sbarrier.arrive $0xFFFF  }
0xe0: {  	_ =	strace $0x9000004A  }
0xe1: {  	s0 =	stileid.u32;
	[bflag:$0x2] =	sbarrier.arrive $0xFFFF  }
0xe2: {  	p0 =	sne.s32 s0, $0x0;
	s0 =	rddreg [dreg:$0x2]  }
0xe3: {  	s0 =	sadd.s32 @!p0 $0x100000, s0  }
0xe4: {  	[sflag:s0] =	ssyncadd.tile.s32 @!p0 $0x1;
	_ =	shalt  }
.Lfunc_end2:
_tile_overlayer_lowered:
.L_overlay_start_2:
0xe5: {  	(tag) =	ssettag $0x2  }
0xe6: {  	s0 =	rddreg [dreg:$0x0];
	s2 =	stileid.u32  }
0xe7: {  	s1 =	rddreg [dreg:$0x1];
	p0 =	sne.s32 s2, $0x0  }
0xe8: {  	s3 =	rddreg [dreg:$0x2];
	[bflag:$0x3] =	sbarrier.arrive $0xFFFF;
	s2 =	simm.s32 @!p0 $0x1C03  }
0xe9: {  	[timem:s3], [sflag:s2] =	dma.local @!p0 [hbm:s0], s1  }
0xea: {  	s0 =	simm.s32 @!p0 $0x3  }
0xeb: {  	_ =	swait.ge @!p0 [sflag:s0], s1  }
0xec: {  	s1 =	ssub.s32 @!p0 $0x0, s1;
	[sflag:s0] =	ssyncset.done @!p0 $0x0  }
0xed: {  	[sflag:s0] =	ssyncadd.s32 @!p0 s1  }
0xee: {  	[bflag:$0x3] =	sbarrier.arrive $0xFFFF  }
0xef: {  	_ =	shalt  }

</sc_bundles>
